<compile_context>
chip_gen: v7x
topology: tpu7x:2x2x1
jax: 0.10.2.dev20260603
libtpu: 0.0.44.dev20260713+nightly
codegen_flags: <defaults>
</compile_context>

<pallas_src>
import functools

import jax
import jax.numpy as jnp
from jax import lax
from jax.experimental import pallas as pl
from jax.experimental.pallas import tpu as pltpu
from jax.experimental.pallas import tpu_sc as plsc

N_NODES = 10000
N_EDGES = 160000
F_X = 256
HIDDEN = 512

NC = 2
NS = 16
L = 16
NW = NC * NS

K = 64
G = K // L
NCH0 = 92
NCH1 = 68
EPW0 = NCH0 * K
EPW1 = NCH1 * K
EPW_MAX = max(EPW0, EPW1)
E_PAD = NS * (EPW0 + EPW1)
E_IDX = E_PAD + (EPW_MAX - min(EPW0, EPW1))
ACC_ROWS = 10240
DUMMY = N_NODES



def _pack_bf16(v):
  lo = lax.bitcast_convert_type(
      v[:, : HIDDEN // 2].astype(jnp.bfloat16), jnp.uint16
  ).astype(jnp.uint32)
  hi = lax.bitcast_convert_type(
      v[:, HIDDEN // 2 :].astype(jnp.bfloat16), jnp.uint16
  ).astype(jnp.uint32)
  return lax.bitcast_convert_type(lo | (hi << 16), jnp.float32)


def _proj_body(x_ref, xs_ref, w1a_ref, w1b_ref, b1_ref, p_ref, q_ref):
  p_ref[...] = _pack_bf16(
      jnp.dot(x_ref[...], w1a_ref[...], preferred_element_type=jnp.float32)
      + b1_ref[...]
  )
  q_ref[...] = _pack_bf16(
      jnp.dot(xs_ref[...], w1b_ref[...], preferred_element_type=jnp.float32)
  )


def _project(x, x_src, w1a, w1b, b1):
  blk = 1000
  grid = (N_NODES // blk,)
  return pl.pallas_call(
      _proj_body,
      grid=grid,
      in_specs=[
          pl.BlockSpec((blk, F_X), lambda i: (i, 0)),
          pl.BlockSpec((blk, F_X), lambda i: (i, 0)),
          pl.BlockSpec((F_X, HIDDEN), lambda i: (0, 0)),
          pl.BlockSpec((F_X, HIDDEN), lambda i: (0, 0)),
          pl.BlockSpec((1, HIDDEN), lambda i: (0, 0)),
      ],
      out_specs=[
          pl.BlockSpec((blk, HIDDEN // 2), lambda i: (i, 0)),
          pl.BlockSpec((blk, HIDDEN // 2), lambda i: (i, 0)),
      ],
      out_shape=[
          jax.ShapeDtypeStruct((N_NODES, HIDDEN // 2), jnp.float32),
          jax.ShapeDtypeStruct((N_NODES, HIDDEN // 2), jnp.float32),
      ],
  )(x, x_src, w1a, w1b, b1)



_mesh = plsc.VectorSubcoreMesh(core_axis_name="c", subcore_axis_name="s")


@functools.partial(
    pl.kernel,
    out_type=jax.ShapeDtypeStruct((NW, ACC_ROWS), jnp.float32),
    mesh=_mesh,
    compiler_params=pltpu.CompilerParams(needs_layout_passes=False),
    scratch_types=[
        pltpu.VMEM((EPW_MAX,), jnp.int32),
        pltpu.VMEM((EPW_MAX,), jnp.int32),
        pltpu.VMEM((EPW_MAX,), jnp.int32),
        pltpu.VMEM((K, HIDDEN // 2), jnp.float32),
        pltpu.VMEM((K, HIDDEN // 2), jnp.float32),
        pltpu.VMEM((K, HIDDEN // 2), jnp.float32),
        pltpu.VMEM((K, HIDDEN // 2), jnp.float32),
        pltpu.VMEM((K * L,), jnp.float32),
        pltpu.VMEM((HIDDEN,), jnp.float32),
        pltpu.VMEM((L,), jnp.float32),
        pltpu.VMEM((ACC_ROWS,), jnp.float32),
        pltpu.SemaphoreType.DMA,
        pltpu.SemaphoreType.DMA,
        pltpu.SemaphoreType.DMA,
        pltpu.SemaphoreType.DMA,
    ],
)
def _edge_kernel(p_hbm, q_hbm, w2_hbm, b2_hbm, gd_hbm, gs_hbm, sd_hbm, out_hbm,
                 gd_all, gs_all, sd_all, rp0, rq0, rp1, rq1, acc_v, w2_v, b2_v,
                 accum_v, sp0, sq0, sp1, sq1):
  c = lax.axis_index("c")
  s = lax.axis_index("s")
  wid = s * NC + c

  zeros16 = jnp.zeros((L,), jnp.float32)

  def _zero_body(i, _):
    accum_v[pl.ds(i * L, L)] = zeros16
    return 0

  lax.fori_loop(0, ACC_ROWS // L, _zero_body, 0)

  base = jnp.where(c == 0, s * EPW0, NS * EPW0 + s * EPW1)
  nch = jnp.where(c == 0, NCH0, NCH1)
  pltpu.sync_copy(gd_hbm.at[pl.ds(base, EPW_MAX)], gd_all)
  pltpu.sync_copy(gs_hbm.at[pl.ds(base, EPW_MAX)], gs_all)
  pltpu.sync_copy(sd_hbm.at[pl.ds(base, EPW_MAX)], sd_all)
  pltpu.sync_copy(w2_hbm, w2_v)
  pltpu.sync_copy(b2_hbm, b2_v)
  w2s = [w2_v[pl.ds(i * L, L)] for i in range(HIDDEN // L)]
  acc0 = b2_v[...]
  lanes = lax.iota(jnp.int32, L)

  def _issue(jc, rp, rq, sp, sq):
    c0 = jnp.minimum(jc, nch - 1) * K
    pltpu.async_copy(p_hbm.at[gd_all.at[pl.ds(c0, K)]], rp, sp)
    pltpu.async_copy(q_hbm.at[gs_all.at[pl.ds(c0, K)]], rq, sq)

  def _wait(rp, rq, sp, sq):
    pltpu.make_async_copy(p_hbm.at[gd_all.at[pl.ds(0, K)]], rp, sp).wait()
    pltpu.make_async_copy(q_hbm.at[gs_all.at[pl.ds(0, K)]], rq, sq).wait()

  def _compute(jc, rp, rq):
    def _edge_body(e, _):
      acc = acc0
      for i in range(HIDDEN // (2 * L)):
        vp = plsc.bitcast(rp[e, pl.ds(i * L, L)], jnp.bfloat16)
        vq = plsc.bitcast(rq[e, pl.ds(i * L, L)], jnp.bfloat16)
        r = jnp.maximum(vp + vq, jnp.bfloat16(0.0))
        re, ro = plsc.unpack(r, format=plsc.PackFormat.INTERLEAVED)
        acc = acc + re * w2s[2 * i] + ro * w2s[2 * i + 1]
      acc_v[pl.ds(e * L, L)] = acc
      return 0

    lax.fori_loop(0, K, _edge_body, 0)

    def _group_body(g, _):
      base_idx = (g * L + lanes) * L
      tot = jnp.zeros((L,), jnp.float32)
      for col in range(L):
        tot = tot + plsc.load_gather(acc_v, [base_idx + col])
      sd16 = sd_all[pl.ds(jc * K + g * L, L)]
      plsc.addupdate_scatter(accum_v, [sd16], tot)
      return 0

    lax.fori_loop(0, G, _group_body, 0)

  _issue(0, rp0, rq0, sp0, sq0)

  def _chunk_body(j2, _):
    j = j2 * 2
    _issue(j + 1, rp1, rq1, sp1, sq1)
    _wait(rp0, rq0, sp0, sq0)
    _compute(j, rp0, rq0)
    _issue(j + 2, rp0, rq0, sp0, sq0)
    _wait(rp1, rq1, sp1, sq1)
    _compute(j + 1, rp1, rq1)
    return 0

  lax.fori_loop(0, nch // 2, _chunk_body, 0)
  _wait(rp0, rq0, sp0, sq0)

  pltpu.sync_copy(accum_v, out_hbm.at[wid])



def _combine_body(part_ref, o_ref):
  t = jnp.sum(part_ref[...], axis=0)
  o_ref[...] = jax.nn.sigmoid(t[:N_NODES])[:, None]


def _combine(partials):
  return pl.pallas_call(
      _combine_body,
      out_shape=jax.ShapeDtypeStruct((N_NODES, 1), jnp.float32),
  )(partials)



def kernel(x, x_src, cg_edge_index, batch, batch_src, W1, b1, W2, b2):
  del batch, batch_src
  src = cg_edge_index[0].astype(jnp.int32)
  dest = cg_edge_index[1].astype(jnp.int32)

  pad = E_IDX - N_EDGES
  gd = jnp.concatenate([dest, jnp.zeros((pad,), jnp.int32)])
  gs = jnp.concatenate([src, jnp.zeros((pad,), jnp.int32)])
  sd = jnp.concatenate([dest, jnp.full((pad,), DUMMY, jnp.int32)])

  w1a = W1[:F_X]
  w1b = W1[F_X:]
  b1r = b1.reshape(1, HIDDEN)
  b2v = jnp.full((L,), b2[0] / L, jnp.float32)
  p32, q32 = _project(x, x_src, w1a, w1b, b1r)

  w2_perm = jnp.stack(
      [W2[: HIDDEN // 2].reshape(L, L), W2[HIDDEN // 2 :].reshape(L, L)],
      axis=1,
  ).reshape(HIDDEN)
  partials = _edge_kernel(p32, q32, w2_perm, b2v, gd, gs, sd)
  out = _combine(partials)
  return out

# --- scband reference (transcript-rebuilt; emitter-appended) ---
"""Pipeline reference for scband-learned-cross-graph-attention-24472723652613 (READ-ONLY COPY).

The authoritative reference and input builder live on the scoring server;
editing this copy changes nothing except your own understanding.
"""

import jax, jax.numpy as jnp
import numpy as np

N_NODES = 10000
N_EDGES = 160000
F_X = 256
HIDDEN = 512

def setup_inputs(seed: int = 0) -> dict:
    key = jax.random.key(seed)
    k1, k2, k3, k4, k5 = jax.random.split(key, 5)
    x = jax.random.normal(k1, (N_NODES, F_X), dtype=jnp.float32)
    x_src = jax.random.normal(k2, (N_NODES, F_X), dtype=jnp.float32)
    cg_edge_index = jax.random.randint(k3, (2, N_EDGES), 0, N_NODES, dtype=jnp.int64)
    batch = jnp.zeros((N_NODES,), dtype=jnp.int64)
    batch_src = jnp.zeros((N_NODES,), dtype=jnp.int64)
    # MLP params: Linear(2*f_x, 512) -> ReLU -> Linear(512, 1)
    W1 = jax.random.normal(k4, (2 * F_X, HIDDEN), dtype=jnp.float32) / np.sqrt(2 * F_X)
    b1 = jnp.zeros((HIDDEN,), dtype=jnp.float32)
    W2 = jax.random.normal(k5, (HIDDEN, 1), dtype=jnp.float32) / np.sqrt(HIDDEN)
    b2 = jnp.zeros((1,), dtype=jnp.float32)
    return {"x": x, "x_src": x_src, "cg_edge_index": cg_edge_index,
            "batch": batch, "batch_src": batch_src,
            "W1": W1, "b1": b1, "W2": W2, "b2": b2}

def reference(x, x_src, cg_edge_index, batch, batch_src, W1, b1, W2, b2):
    src = cg_edge_index[0]
    dest = cg_edge_index[1]
    # gather node features for each cross-graph edge
    feat = jnp.concatenate([jnp.take(x, dest, axis=0), jnp.take(x_src, src, axis=0)], axis=1)
    # MLP
    h = jax.nn.relu(feat @ W1 + b1)
    a = h @ W2 + b2  # [E, 1]
    # scatter_add over dest -> [N_dest, 1]
    a = jax.ops.segment_sum(a, dest, num_segments=x.shape[0])
    a = jax.nn.sigmoid(a)
    return a

if __name__ == "__main__":
    import jax
    _d = setup_inputs()
    print(jax.jit(kernel)(*tuple(_d.values())))

</pallas_src>

<mosaic_0001>
#map = affine_map<(d0, d1) -> (0, 0)>
#map1 = affine_map<(d0, d1) -> (0)>
module attributes {stable_mosaic.version = 14 : i64} {
  func.func @_edge_kernel(%arg0: i32, %arg1: i32, %arg2: memref<10000x256xf32, #tpu.memory_space<hbm>>, %arg3: memref<10000x256xf32, #tpu.memory_space<hbm>>, %arg4: memref<512xf32, #tpu.memory_space<hbm>>, %arg5: memref<16xf32, #tpu.memory_space<hbm>>, %arg6: memref<165376xi32, #tpu.memory_space<hbm>>, %arg7: memref<165376xi32, #tpu.memory_space<hbm>>, %arg8: memref<165376xi32, #tpu.memory_space<hbm>>, %arg9: memref<32x10240xf32, #tpu.memory_space<hbm>>, %arg10: memref<5888xi32, #tpu.memory_space<vmem>>, %arg11: memref<5888xi32, #tpu.memory_space<vmem>>, %arg12: memref<5888xi32, #tpu.memory_space<vmem>>, %arg13: memref<64x256xf32, #tpu.memory_space<vmem>>, %arg14: memref<64x256xf32, #tpu.memory_space<vmem>>, %arg15: memref<64x256xf32, #tpu.memory_space<vmem>>, %arg16: memref<64x256xf32, #tpu.memory_space<vmem>>, %arg17: memref<1024xf32, #tpu.memory_space<vmem>>, %arg18: memref<512xf32, #tpu.memory_space<vmem>>, %arg19: memref<16xf32, #tpu.memory_space<vmem>>, %arg20: memref<10240xf32, #tpu.memory_space<vmem>>, %arg21: memref<!tpu.dma_semaphore, #tpu.memory_space<semaphore_mem>>, %arg22: memref<!tpu.dma_semaphore, #tpu.memory_space<semaphore_mem>>, %arg23: memref<!tpu.dma_semaphore, #tpu.memory_space<semaphore_mem>>, %arg24: memref<!tpu.dma_semaphore, #tpu.memory_space<semaphore_mem>>) attributes {dimension_semantics = [#tpu.dimension_semantics<core_parallel>, #tpu.dimension_semantics<subcore_parallel>], iteration_bounds = array<i64: 2, 16>, scalar_prefetch = 0 : i64, scratch_operands = 15 : i64, tpu.core_type = #tpu.core_type<sc_vector_subcore>, window_params = [{transform_indices = #map}, {transform_indices = #map}, {transform_indices = #map1}, {transform_indices = #map1}, {transform_indices = #map1}, {transform_indices = #map1}, {transform_indices = #map1}, {transform_indices = #map}]} {
    %mul3A = arith.constant 2 : i32
    %mul3A_0 = arith.muli %arg1, %mul3A : i32
    %add3A = arith.addi %mul3A_0, %arg0 : i32
    %broadcast_in_dim3A = arith.constant 0.000000e+00 : f32
    %broadcast_in_dim3A_1 = vector.broadcast %broadcast_in_dim3A : f32 to vector<16xf32>
    %scan3A = arith.constant 0 : i32
    %scan3A_2 = arith.constant 0 : i32
    %scan3A_3 = arith.constant 640 : i32
    %scan3A_4 = arith.addi %scan3A_2, %scan3A_3 : i32
    %scan3A_5 = arith.constant 1 : i32
    %scan3A_6 = scf.for %scan3A_134 = %scan3A_2 to %scan3A_4 step %scan3A_5 iter_args(%scan3A_135 = %scan3A) -> (i32)  : i32 {
      %mul3A_136 = arith.constant 16 : i32
      %mul3A_137 = arith.muli %scan3A_134, %mul3A_136 : i32
      %swap3A = arith.index_cast %mul3A_137 : i32 to index
      %swap3A_138 = tpu.vector_load %arg20[%swap3A] {strides = array<i32>} : memref<10240xf32, #tpu.memory_space<vmem>>, vector<16xf32>,
      tpu.vector_store %arg20[%swap3A], %broadcast_in_dim3A_1 {strides = array<i32>} : memref<10240xf32, #tpu.memory_space<vmem>>, vector<16xf32>,
      %scan3A_139 = arith.constant 0 : i32
      scf.yield %scan3A_139 : i32
    }
    %scan3A_7 = arith.constant 640 : i32
    %eq3A = arith.constant 0 : i32
    %eq3A_8 = arith.cmpi eq, %arg0, %eq3A : i32
    %mul3A_9 = arith.constant 5888 : i32
    %mul3A_10 = arith.muli %arg1, %mul3A_9 : i32
    %mul3A_11 = arith.constant 4352 : i32
    %mul3A_12 = arith.muli %arg1, %mul3A_11 : i32
    %add3A_13 = arith.constant 94208 : i32
    %add3A_14 = arith.addi %add3A_13, %mul3A_12 : i32
    %select_n3A = arith.select %eq3A_8, %mul3A_10, %add3A_14 : i32
    %eq3A_15 = arith.constant 0 : i32
    %eq3A_16 = arith.cmpi eq, %arg0, %eq3A_15 : i32
    %jit3A = arith.constant 92 : i32
    %jit3A_17 = arith.constant 68 : i32
    %select_n3A_18 = arith.select %eq3A_16, %jit3A, %jit3A_17 : i32
    "tpu.region"() ({
      %run_scoped3A = tpu.sem_alloc : memref<!tpu.dma_semaphore, #tpu.memory_space<semaphore_mem>>
      %dma_start3A_134 = tpu.memref_slice %arg6[%select_n3A] : memref<165376xi32, #tpu.memory_space<hbm>> -> memref<5888xi32, #tpu.memory_space<hbm>>
      %dma_start3A_135 = tpu.memref_slice %arg6[%select_n3A] : memref<165376xi32, #tpu.memory_space<hbm>> -> memref<5888xi32, #tpu.memory_space<hbm>>
      tpu.enqueue_dma source(%dma_start3A_135 : memref<5888xi32, #tpu.memory_space<hbm>>) target(%arg10 : memref<5888xi32, #tpu.memory_space<vmem>>) target_semaphore(%run_scoped3A : memref<!tpu.dma_semaphore, #tpu.memory_space<semaphore_mem>>)
      %dma_wait3A_136 = tpu.memref_slice %arg6[%select_n3A] : memref<165376xi32, #tpu.memory_space<hbm>> -> memref<5888xi32, #tpu.memory_space<hbm>>
      %dma_wait3A_137 = tpu.memref_slice %arg6[%select_n3A] : memref<165376xi32, #tpu.memory_space<hbm>> -> memref<5888xi32, #tpu.memory_space<hbm>>
      tpu.wait_dma2 semaphore(%run_scoped3A : memref<!tpu.dma_semaphore, #tpu.memory_space<semaphore_mem>>) src(%dma_wait3A_137 : memref<5888xi32, #tpu.memory_space<hbm>>) dst(%arg10 : memref<5888xi32, #tpu.memory_space<vmem>>)
      tpu.yield
    }) : () -> ()
    "tpu.region"() ({
      %run_scoped3A = tpu.sem_alloc : memref<!tpu.dma_semaphore, #tpu.memory_space<semaphore_mem>>
      %dma_start3A_134 = tpu.memref_slice %arg7[%select_n3A] : memref<165376xi32, #tpu.memory_space<hbm>> -> memref<5888xi32, #tpu.memory_space<hbm>>
      %dma_start3A_135 = tpu.memref_slice %arg7[%select_n3A] : memref<165376xi32, #tpu.memory_space<hbm>> -> memref<5888xi32, #tpu.memory_space<hbm>>
      tpu.enqueue_dma source(%dma_start3A_135 : memref<5888xi32, #tpu.memory_space<hbm>>) target(%arg11 : memref<5888xi32, #tpu.memory_space<vmem>>) target_semaphore(%run_scoped3A : memref<!tpu.dma_semaphore, #tpu.memory_space<semaphore_mem>>)
      %dma_wait3A_136 = tpu.memref_slice %arg7[%select_n3A] : memref<165376xi32, #tpu.memory_space<hbm>> -> memref<5888xi32, #tpu.memory_space<hbm>>
      %dma_wait3A_137 = tpu.memref_slice %arg7[%select_n3A] : memref<165376xi32, #tpu.memory_space<hbm>> -> memref<5888xi32, #tpu.memory_space<hbm>>
      tpu.wait_dma2 semaphore(%run_scoped3A : memref<!tpu.dma_semaphore, #tpu.memory_space<semaphore_mem>>) src(%dma_wait3A_137 : memref<5888xi32, #tpu.memory_space<hbm>>) dst(%arg11 : memref<5888xi32, #tpu.memory_space<vmem>>)
      tpu.yield
    }) : () -> ()
    "tpu.region"() ({
      %run_scoped3A = tpu.sem_alloc : memref<!tpu.dma_semaphore, #tpu.memory_space<semaphore_mem>>
      %dma_start3A_134 = tpu.memref_slice %arg8[%select_n3A] : memref<165376xi32, #tpu.memory_space<hbm>> -> memref<5888xi32, #tpu.memory_space<hbm>>
      %dma_start3A_135 = tpu.memref_slice %arg8[%select_n3A] : memref<165376xi32, #tpu.memory_space<hbm>> -> memref<5888xi32, #tpu.memory_space<hbm>>
      tpu.enqueue_dma source(%dma_start3A_135 : memref<5888xi32, #tpu.memory_space<hbm>>) target(%arg12 : memref<5888xi32, #tpu.memory_space<vmem>>) target_semaphore(%run_scoped3A : memref<!tpu.dma_semaphore, #tpu.memory_space<semaphore_mem>>)
      %dma_wait3A_136 = tpu.memref_slice %arg8[%select_n3A] : memref<165376xi32, #tpu.memory_space<hbm>> -> memref<5888xi32, #tpu.memory_space<hbm>>
      %dma_wait3A_137 = tpu.memref_slice %arg8[%select_n3A] : memref<165376xi32, #tpu.memory_space<hbm>> -> memref<5888xi32, #tpu.memory_space<hbm>>
      tpu.wait_dma2 semaphore(%run_scoped3A : memref<!tpu.dma_semaphore, #tpu.memory_space<semaphore_mem>>) src(%dma_wait3A_137 : memref<5888xi32, #tpu.memory_space<hbm>>) dst(%arg12 : memref<5888xi32, #tpu.memory_space<vmem>>)
      tpu.yield
    }) : () -> ()
    "tpu.region"() ({
      %run_scoped3A = tpu.sem_alloc : memref<!tpu.dma_semaphore, #tpu.memory_space<semaphore_mem>>
      tpu.enqueue_dma source(%arg4 : memref<512xf32, #tpu.memory_space<hbm>>) target(%arg18 : memref<512xf32, #tpu.memory_space<vmem>>) target_semaphore(%run_scoped3A : memref<!tpu.dma_semaphore, #tpu.memory_space<semaphore_mem>>)
      tpu.wait_dma2 semaphore(%run_scoped3A : memref<!tpu.dma_semaphore, #tpu.memory_space<semaphore_mem>>) src(%arg4 : memref<512xf32, #tpu.memory_space<hbm>>) dst(%arg18 : memref<512xf32, #tpu.memory_space<vmem>>)
      tpu.yield
    }) : () -> ()
    "tpu.region"() ({
      %run_scoped3A = tpu.sem_alloc : memref<!tpu.dma_semaphore, #tpu.memory_space<semaphore_mem>>
      tpu.enqueue_dma source(%arg5 : memref<16xf32, #tpu.memory_space<hbm>>) target(%arg19 : memref<16xf32, #tpu.memory_space<vmem>>) target_semaphore(%run_scoped3A : memref<!tpu.dma_semaphore, #tpu.memory_space<semaphore_mem>>)
      tpu.wait_dma2 semaphore(%run_scoped3A : memref<!tpu.dma_semaphore, #tpu.memory_space<semaphore_mem>>) src(%arg5 : memref<16xf32, #tpu.memory_space<hbm>>) dst(%arg19 : memref<16xf32, #tpu.memory_space<vmem>>)
      tpu.yield
    }) : () -> ()
    %get3A = arith.constant 0 : index
    %get3A_19 = tpu.vector_load %arg18[%get3A] {strides = array<i32>} : memref<512xf32, #tpu.memory_space<vmem>>, vector<16xf32>,
    %get3A_20 = arith.constant 16 : index
    %get3A_21 = tpu.vector_load %arg18[%get3A_20] {strides = array<i32>} : memref<512xf32, #tpu.memory_space<vmem>>, vector<16xf32>,
    %get3A_22 = arith.constant 32 : index
    %get3A_23 = tpu.vector_load %arg18[%get3A_22] {strides = array<i32>} : memref<512xf32, #tpu.memory_space<vmem>>, vector<16xf32>,
    %get3A_24 = arith.constant 48 : index
    %get3A_25 = tpu.vector_load %arg18[%get3A_24] {strides = array<i32>} : memref<512xf32, #tpu.memory_space<vmem>>, vector<16xf32>,
    %get3A_26 = arith.constant 64 : index
    %get3A_27 = tpu.vector_load %arg18[%get3A_26] {strides = array<i32>} : memref<512xf32, #tpu.memory_space<vmem>>, vector<16xf32>,
    %get3A_28 = arith.constant 80 : index
    %get3A_29 = tpu.vector_load %arg18[%get3A_28] {strides = array<i32>} : memref<512xf32, #tpu.memory_space<vmem>>, vector<16xf32>,
    %get3A_30 = arith.constant 96 : index
    %get3A_31 = tpu.vector_load %arg18[%get3A_30] {strides = array<i32>} : memref<512xf32, #tpu.memory_space<vmem>>, vector<16xf32>,
    %get3A_32 = arith.constant 112 : index
    %get3A_33 = tpu.vector_load %arg18[%get3A_32] {strides = array<i32>} : memref<512xf32, #tpu.memory_space<vmem>>, vector<16xf32>,
    %get3A_34 = arith.constant 128 : index
    %get3A_35 = tpu.vector_load %arg18[%get3A_34] {strides = array<i32>} : memref<512xf32, #tpu.memory_space<vmem>>, vector<16xf32>,
    %get3A_36 = arith.constant 144 : index
    %get3A_37 = tpu.vector_load %arg18[%get3A_36] {strides = array<i32>} : memref<512xf32, #tpu.memory_space<vmem>>, vector<16xf32>,
    %get3A_38 = arith.constant 160 : index
    %get3A_39 = tpu.vector_load %arg18[%get3A_38] {strides = array<i32>} : memref<512xf32, #tpu.memory_space<vmem>>, vector<16xf32>,
    %get3A_40 = arith.constant 176 : index
    %get3A_41 = tpu.vector_load %arg18[%get3A_40] {strides = array<i32>} : memref<512xf32, #tpu.memory_space<vmem>>, vector<16xf32>,
    %get3A_42 = arith.constant 192 : index
    %get3A_43 = tpu.vector_load %arg18[%get3A_42] {strides = array<i32>} : memref<512xf32, #tpu.memory_space<vmem>>, vector<16xf32>,
    %get3A_44 = arith.constant 208 : index
    %get3A_45 = tpu.vector_load %arg18[%get3A_44] {strides = array<i32>} : memref<512xf32, #tpu.memory_space<vmem>>, vector<16xf32>,
    %get3A_46 = arith.constant 224 : index
    %get3A_47 = tpu.vector_load %arg18[%get3A_46] {strides = array<i32>} : memref<512xf32, #tpu.memory_space<vmem>>, vector<16xf32>,
    %get3A_48 = arith.constant 240 : index
    %get3A_49 = tpu.vector_load %arg18[%get3A_48] {strides = array<i32>} : memref<512xf32, #tpu.memory_space<vmem>>, vector<16xf32>,
    %get3A_50 = arith.constant 256 : index
    %get3A_51 = tpu.vector_load %arg18[%get3A_50] {strides = array<i32>} : memref<512xf32, #tpu.memory_space<vmem>>, vector<16xf32>,
    %get3A_52 = arith.constant 272 : index
    %get3A_53 = tpu.vector_load %arg18[%get3A_52] {strides = array<i32>} : memref<512xf32, #tpu.memory_space<vmem>>, vector<16xf32>,
    %get3A_54 = arith.constant 288 : index
    %get3A_55 = tpu.vector_load %arg18[%get3A_54] {strides = array<i32>} : memref<512xf32, #tpu.memory_space<vmem>>, vector<16xf32>,
    %get3A_56 = arith.constant 304 : index
    %get3A_57 = tpu.vector_load %arg18[%get3A_56] {strides = array<i32>} : memref<512xf32, #tpu.memory_space<vmem>>, vector<16xf32>,
    %get3A_58 = arith.constant 320 : index
    %get3A_59 = tpu.vector_load %arg18[%get3A_58] {strides = array<i32>} : memref<512xf32, #tpu.memory_space<vmem>>, vector<16xf32>,
    %get3A_60 = arith.constant 336 : index
    %get3A_61 = tpu.vector_load %arg18[%get3A_60] {strides = array<i32>} : memref<512xf32, #tpu.memory_space<vmem>>, vector<16xf32>,
    %get3A_62 = arith.constant 352 : index
    %get3A_63 = tpu.vector_load %arg18[%get3A_62] {strides = array<i32>} : memref<512xf32, #tpu.memory_space<vmem>>, vector<16xf32>,
    %get3A_64 = arith.constant 368 : index
    %get3A_65 = tpu.vector_load %arg18[%get3A_64] {strides = array<i32>} : memref<512xf32, #tpu.memory_space<vmem>>, vector<16xf32>,
    %get3A_66 = arith.constant 384 : index
    %get3A_67 = tpu.vector_load %arg18[%get3A_66] {strides = array<i32>} : memref<512xf32, #tpu.memory_space<vmem>>, vector<16xf32>,
    %get3A_68 = arith.constant 400 : index
    %get3A_69 = tpu.vector_load %arg18[%get3A_68] {strides = array<i32>} : memref<512xf32, #tpu.memory_space<vmem>>, vector<16xf32>,
    %get3A_70 = arith.constant 416 : index
    %get3A_71 = tpu.vector_load %arg18[%get3A_70] {strides = array<i32>} : memref<512xf32, #tpu.memory_space<vmem>>, vector<16xf32>,
    %get3A_72 = arith.constant 432 : index
    %get3A_73 = tpu.vector_load %arg18[%get3A_72] {strides = array<i32>} : memref<512xf32, #tpu.memory_space<vmem>>, vector<16xf32>,
    %get3A_74 = arith.constant 448 : index
    %get3A_75 = tpu.vector_load %arg18[%get3A_74] {strides = array<i32>} : memref<512xf32, #tpu.memory_space<vmem>>, vector<16xf32>,
    %get3A_76 = arith.constant 464 : index
    %get3A_77 = tpu.vector_load %arg18[%get3A_76] {strides = array<i32>} : memref<512xf32, #tpu.memory_space<vmem>>, vector<16xf32>,
    %get3A_78 = arith.constant 480 : index
    %get3A_79 = tpu.vector_load %arg18[%get3A_78] {strides = array<i32>} : memref<512xf32, #tpu.memory_space<vmem>>, vector<16xf32>,
    %get3A_80 = arith.constant 496 : index
    %get3A_81 = tpu.vector_load %arg18[%get3A_80] {strides = array<i32>} : memref<512xf32, #tpu.memory_space<vmem>>, vector<16xf32>,
    %get3A_82 = arith.constant 0 : index
    %get3A_83 = tpu.vector_load %arg19[%get3A_82] {strides = array<i32>} : memref<16xf32, #tpu.memory_space<vmem>>, vector<16xf32>,
    %iota3A = tpu.iota {dimensions = array<i32: 0>} : vector<16xi32>
    %sub3A = arith.constant 1 : i32
    %sub3A_84 = arith.subi %select_n3A_18, %sub3A : i32
    %min3A = arith.constant 0 : i32
    %min3A_85 = arith.minsi %min3A, %sub3A_84 : i32
    %mul3A_86 = arith.constant 64 : i32
    %mul3A_87 = arith.muli %min3A_85, %mul3A_86 : i32
    %dma_start3A = tpu.memref_slice %arg10[%mul3A_87] : memref<5888xi32, #tpu.memory_space<vmem>> -> memref<64xi32, #tpu.memory_space<vmem>>
    %dma_start3A_88 = arith.constant 0 : i32
    %dma_start3A_89 = arith.constant 0 : i32
    %dma_start3A_90 = tpu.memref_slice %arg2[%dma_start3A_88, %dma_start3A_89] : memref<10000x256xf32, #tpu.memory_space<hbm>> -> memref<10000x256xf32, #tpu.memory_space<hbm>>
    tpu.enqueue_indirect_dma source(%dma_start3A_90 : memref<10000x256xf32, #tpu.memory_space<hbm>>) target(%arg13 : memref<64x256xf32, #tpu.memory_space<vmem>>) offsets(%dma_start3A : memref<64xi32, #tpu.memory_space<vmem>>) semaphore(%arg21 : memref<!tpu.dma_semaphore, #tpu.memory_space<semaphore_mem>>)
    %dma_start3A_91 = tpu.memref_slice %arg11[%mul3A_87] : memref<5888xi32, #tpu.memory_space<vmem>> -> memref<64xi32, #tpu.memory_space<vmem>>
    %dma_start3A_92 = arith.constant 0 : i32
    %dma_start3A_93 = arith.constant 0 : i32
    %dma_start3A_94 = tpu.memref_slice %arg3[%dma_start3A_92, %dma_start3A_93] : memref<10000x256xf32, #tpu.memory_space<hbm>> -> memref<10000x256xf32, #tpu.memory_space<hbm>>
    tpu.enqueue_indirect_dma source(%dma_start3A_94 : memref<10000x256xf32, #tpu.memory_space<hbm>>) target(%arg14 : memref<64x256xf32, #tpu.memory_space<vmem>>) offsets(%dma_start3A_91 : memref<64xi32, #tpu.memory_space<vmem>>) semaphore(%arg22 : memref<!tpu.dma_semaphore, #tpu.memory_space<semaphore_mem>>)
    %jit3A_95 = arith.constant 2 : i32
    %div3A = arith.divsi %select_n3A_18, %jit3A_95 : i32
    %sign3A = arith.constant 0 : i32
    %sign3A_96 = arith.cmpi sgt, %select_n3A_18, %sign3A : i32
    %sign3A_97 = arith.extui %sign3A_96 : i1 to i32
    %sign3A_98 = arith.constant 0 : i32
    %sign3A_99 = arith.cmpi slt, %select_n3A_18, %sign3A_98 : i32
    %sign3A_100 = arith.extui %sign3A_99 : i1 to i32
    %sign3A_101 = arith.subi %sign3A_97, %sign3A_100 : i32
    %sign3A_102 = arith.constant 0 : i32
    %sign3A_103 = arith.cmpi sgt, %jit3A_95, %sign3A_102 : i32
    %sign3A_104 = arith.extui %sign3A_103 : i1 to i32
    %sign3A_105 = arith.constant 0 : i32
    %sign3A_106 = arith.cmpi slt, %jit3A_95, %sign3A_105 : i32
    %sign3A_107 = arith.extui %sign3A_106 : i1 to i32
    %sign3A_108 = arith.subi %sign3A_104, %sign3A_107 : i32
    %ne3A = arith.cmpi ne, %sign3A_101, %sign3A_108 : i32
    %rem3A = arith.remsi %select_n3A_18, %jit3A_95 : i32
    %ne3A_109 = arith.constant 0 : i32
    %ne3A_110 = arith.cmpi ne, %rem3A, %ne3A_109 : i32
    %and3A = arith.andi %ne3A, %ne3A_110 : i1
    %sub3A_111 = arith.constant 1 : i32
    %sub3A_112 = arith.subi %div3A, %sub3A_111 : i32
    %select_n3A_113 = arith.select %and3A, %sub3A_112, %div3A : i32
    %while3A = arith.constant 0 : i32
    %while3A_114 = arith.constant 0 : i32
    %while3A_115 = arith.subi %select_n3A_113, %while3A : i32
    %while3A_116 = arith.addi %while3A, %while3A_115 : i32
    %while3A_117 = arith.constant 1 : i32
    %while3A_118 = arith.divsi %while3A_115, %while3A_117 : i32
    %while3A_119 = arith.muli %while3A_118, %while3A_117 : i32
    %while3A_120 = arith.addi %while3A, %while3A_119 : i32
    %while3A_121 = arith.constant 1 : i32
    %while3A_122 = scf.for %while3A_134 = %while3A to %while3A_120 step %while3A_121 iter_args(%while3A_135 = %while3A_114) -> (i32)  : i32 {
      %mul3A_136 = arith.constant 2 : i32
      %mul3A_137 = arith.muli %while3A_134, %mul3A_136 : i32
      %add3A_138 = arith.constant 1 : i32
      %add3A_139 = arith.addi %mul3A_137, %add3A_138 : i32
      %sub3A_140 = arith.constant 1 : i32
      %sub3A_141 = arith.subi %select_n3A_18, %sub3A_140 : i32
      %min3A_142 = arith.minsi %add3A_139, %sub3A_141 : i32
      %mul3A_143 = arith.constant 64 : i32
      %mul3A_144 = arith.muli %min3A_142, %mul3A_143 : i32
      %dma_start3A_145 = tpu.memref_slice %arg10[%mul3A_144] : memref<5888xi32, #tpu.memory_space<vmem>> -> memref<64xi32, #tpu.memory_space<vmem>>
      %dma_start3A_146 = arith.constant 0 : i32
      %dma_start3A_147 = arith.constant 0 : i32
      %dma_start3A_148 = tpu.memref_slice %arg2[%dma_start3A_146, %dma_start3A_147] : memref<10000x256xf32, #tpu.memory_space<hbm>> -> memref<10000x256xf32, #tpu.memory_space<hbm>>
      tpu.enqueue_indirect_dma source(%dma_start3A_148 : memref<10000x256xf32, #tpu.memory_space<hbm>>) target(%arg15 : memref<64x256xf32, #tpu.memory_space<vmem>>) offsets(%dma_start3A_145 : memref<64xi32, #tpu.memory_space<vmem>>) semaphore(%arg23 : memref<!tpu.dma_semaphore, #tpu.memory_space<semaphore_mem>>)
      %dma_start3A_149 = tpu.memref_slice %arg11[%mul3A_144] : memref<5888xi32, #tpu.memory_space<vmem>> -> memref<64xi32, #tpu.memory_space<vmem>>
      %dma_start3A_150 = arith.constant 0 : i32
      %dma_start3A_151 = arith.constant 0 : i32
      %dma_start3A_152 = tpu.memref_slice %arg3[%dma_start3A_150, %dma_start3A_151] : memref<10000x256xf32, #tpu.memory_space<hbm>> -> memref<10000x256xf32, #tpu.memory_space<hbm>>
      tpu.enqueue_indirect_dma source(%dma_start3A_152 : memref<10000x256xf32, #tpu.memory_space<hbm>>) target(%arg16 : memref<64x256xf32, #tpu.memory_space<vmem>>) offsets(%dma_start3A_149 : memref<64xi32, #tpu.memory_space<vmem>>) semaphore(%arg24 : memref<!tpu.dma_semaphore, #tpu.memory_space<semaphore_mem>>)
      %dma_wait3A_153 = arith.constant 0 : i32
      %dma_wait3A_154 = tpu.memref_slice %arg10[%dma_wait3A_153] : memref<5888xi32, #tpu.memory_space<vmem>> -> memref<64xi32, #tpu.memory_space<vmem>>
      %dma_wait3A_155 = arith.constant 0 : i32
      %dma_wait3A_156 = arith.constant 0 : i32
      %dma_wait3A_157 = tpu.memref_slice %arg2[%dma_wait3A_155, %dma_wait3A_156] : memref<10000x256xf32, #tpu.memory_space<hbm>> -> memref<10000x256xf32, #tpu.memory_space<hbm>>
      tpu.wait_indirect_dma semaphore(%arg21 : memref<!tpu.dma_semaphore, #tpu.memory_space<semaphore_mem>>) src(%dma_wait3A_157 : memref<10000x256xf32, #tpu.memory_space<hbm>>) dst(%arg13 : memref<64x256xf32, #tpu.memory_space<vmem>>)
      %dma_wait3A_158 = arith.constant 0 : i32
      %dma_wait3A_159 = tpu.memref_slice %arg11[%dma_wait3A_158] : memref<5888xi32, #tpu.memory_space<vmem>> -> memref<64xi32, #tpu.memory_space<vmem>>
      %dma_wait3A_160 = arith.constant 0 : i32
      %dma_wait3A_161 = arith.constant 0 : i32
      %dma_wait3A_162 = tpu.memref_slice %arg3[%dma_wait3A_160, %dma_wait3A_161] : memref<10000x256xf32, #tpu.memory_space<hbm>> -> memref<10000x256xf32, #tpu.memory_space<hbm>>
      tpu.wait_indirect_dma semaphore(%arg22 : memref<!tpu.dma_semaphore, #tpu.memory_space<semaphore_mem>>) src(%dma_wait3A_162 : memref<10000x256xf32, #tpu.memory_space<hbm>>) dst(%arg14 : memref<64x256xf32, #tpu.memory_space<vmem>>)
      %scan3A_163 = arith.constant 0 : i32
      %scan3A_164 = arith.constant 0 : i32
      %scan3A_165 = arith.constant 64 : i32
      %scan3A_166 = arith.addi %scan3A_164, %scan3A_165 : i32
      %scan3A_167 = arith.constant 1 : i32
      %scan3A_168 = scf.for %scan3A_219 = %scan3A_164 to %scan3A_166 step %scan3A_167 iter_args(%scan3A_220 = %scan3A_163) -> (i32)  : i32 {
        %get3A_221 = arith.index_cast %scan3A_219 : i32 to index
        %get3A_222 = arith.constant 0 : index
        %get3A_223 = tpu.vector_load %arg13[%get3A_221, %get3A_222] {strides = array<i32>} : memref<64x256xf32, #tpu.memory_space<vmem>>, vector<16xf32>,
        %bitcast3A = vector.bitcast %get3A_223 : vector<16xf32> to vector<32xbf16>
        %get3A_224 = arith.index_cast %scan3A_219 : i32 to index
        %get3A_225 = arith.constant 0 : index
        %get3A_226 = tpu.vector_load %arg14[%get3A_224, %get3A_225] {strides = array<i32>} : memref<64x256xf32, #tpu.memory_space<vmem>>, vector<16xf32>,
        %bitcast3A_227 = vector.bitcast %get3A_226 : vector<16xf32> to vector<32xbf16>
        %add3A_228 = arith.addf %bitcast3A, %bitcast3A_227 : vector<32xbf16>
        %max3A = arith.constant 0.000000e+00 : bf16
        %max3A_229 = vector.broadcast %max3A : bf16 to vector<32xbf16>
        %max3A_230 = arith.maximumf %add3A_228, %max3A_229 : vector<32xbf16>
        %unpack3A = tpu.unpack_subelements %max3A_230, 0 {pack_format = #tpu.pack_format<interleaved>} : vector<32xbf16> -> vector<16xf32>
        %unpack3A_231 = tpu.unpack_subelements %max3A_230, 1 {pack_format = #tpu.pack_format<interleaved>} : vector<32xbf16> -> vector<16xf32>
        %mul3A_232 = arith.mulf %unpack3A, %get3A_19 : vector<16xf32>
        %add3A_233 = arith.addf %get3A_83, %mul3A_232 : vector<16xf32>
        %mul3A_234 = arith.mulf %unpack3A_231, %get3A_21 : vector<16xf32>
        %add3A_235 = arith.addf %add3A_233, %mul3A_234 : vector<16xf32>
        %get3A_236 = arith.index_cast %scan3A_219 : i32 to index
        %get3A_237 = arith.constant 16 : index
        %get3A_238 = tpu.vector_load %arg13[%get3A_236, %get3A_237] {strides = array<i32>} : memref<64x256xf32, #tpu.memory_space<vmem>>, vector<16xf32>,
        %bitcast3A_239 = vector.bitcast %get3A_238 : vector<16xf32> to vector<32xbf16>
        %get3A_240 = arith.index_cast %scan3A_219 : i32 to index
        %get3A_241 = arith.constant 16 : index
        %get3A_242 = tpu.vector_load %arg14[%get3A_240, %get3A_241] {strides = array<i32>} : memref<64x256xf32, #tpu.memory_space<vmem>>, vector<16xf32>,
        %bitcast3A_243 = vector.bitcast %get3A_242 : vector<16xf32> to vector<32xbf16>
        %add3A_244 = arith.addf %bitcast3A_239, %bitcast3A_243 : vector<32xbf16>
        %max3A_245 = arith.constant 0.000000e+00 : bf16
        %max3A_246 = vector.broadcast %max3A_245 : bf16 to vector<32xbf16>
        %max3A_247 = arith.maximumf %add3A_244, %max3A_246 : vector<32xbf16>
        %unpack3A_248 = tpu.unpack_subelements %max3A_247, 0 {pack_format = #tpu.pack_format<interleaved>} : vector<32xbf16> -> vector<16xf32>
        %unpack3A_249 = tpu.unpack_subelements %max3A_247, 1 {pack_format = #tpu.pack_format<interleaved>} : vector<32xbf16> -> vector<16xf32>
        %mul3A_250 = arith.mulf %unpack3A_248, %get3A_23 : vector<16xf32>
        %add3A_251 = arith.addf %add3A_235, %mul3A_250 : vector<16xf32>
        %mul3A_252 = arith.mulf %unpack3A_249, %get3A_25 : vector<16xf32>
        %add3A_253 = arith.addf %add3A_251, %mul3A_252 : vector<16xf32>
        %get3A_254 = arith.index_cast %scan3A_219 : i32 to index
        %get3A_255 = arith.constant 32 : index
        %get3A_256 = tpu.vector_load %arg13[%get3A_254, %get3A_255] {strides = array<i32>} : memref<64x256xf32, #tpu.memory_space<vmem>>, vector<16xf32>,
        %bitcast3A_257 = vector.bitcast %get3A_256 : vector<16xf32> to vector<32xbf16>
        %get3A_258 = arith.index_cast %scan3A_219 : i32 to index
        %get3A_259 = arith.constant 32 : index
        %get3A_260 = tpu.vector_load %arg14[%get3A_258, %get3A_259] {strides = array<i32>} : memref<64x256xf32, #tpu.memory_space<vmem>>, vector<16xf32>,
        %bitcast3A_261 = vector.bitcast %get3A_260 : vector<16xf32> to vector<32xbf16>
        %add3A_262 = arith.addf %bitcast3A_257, %bitcast3A_261 : vector<32xbf16>
        %max3A_263 = arith.constant 0.000000e+00 : bf16
        %max3A_264 = vector.broadcast %max3A_263 : bf16 to vector<32xbf16>
        %max3A_265 = arith.maximumf %add3A_262, %max3A_264 : vector<32xbf16>
        %unpack3A_266 = tpu.unpack_subelements %max3A_265, 0 {pack_format = #tpu.pack_format<interleaved>} : vector<32xbf16> -> vector<16xf32>
        %unpack3A_267 = tpu.unpack_subelements %max3A_265, 1 {pack_format = #tpu.pack_format<interleaved>} : vector<32xbf16> -> vector<16xf32>
        %mul3A_268 = arith.mulf %unpack3A_266, %get3A_27 : vector<16xf32>
        %add3A_269 = arith.addf %add3A_253, %mul3A_268 : vector<16xf32>
        %mul3A_270 = arith.mulf %unpack3A_267, %get3A_29 : vector<16xf32>
        %add3A_271 = arith.addf %add3A_269, %mul3A_270 : vector<16xf32>
        %get3A_272 = arith.index_cast %scan3A_219 : i32 to index
        %get3A_273 = arith.constant 48 : index
        %get3A_274 = tpu.vector_load %arg13[%get3A_272, %get3A_273] {strides = array<i32>} : memref<64x256xf32, #tpu.memory_space<vmem>>, vector<16xf32>,
        %bitcast3A_275 = vector.bitcast %get3A_274 : vector<16xf32> to vector<32xbf16>
        %get3A_276 = arith.index_cast %scan3A_219 : i32 to index
        %get3A_277 = arith.constant 48 : index
        %get3A_278 = tpu.vector_load %arg14[%get3A_276, %get3A_277] {strides = array<i32>} : memref<64x256xf32, #tpu.memory_space<vmem>>, vector<16xf32>,
        %bitcast3A_279 = vector.bitcast %get3A_278 : vector<16xf32> to vector<32xbf16>
        %add3A_280 = arith.addf %bitcast3A_275, %bitcast3A_279 : vector<32xbf16>
        %max3A_281 = arith.constant 0.000000e+00 : bf16
        %max3A_282 = vector.broadcast %max3A_281 : bf16 to vector<32xbf16>
        %max3A_283 = arith.maximumf %add3A_280, %max3A_282 : vector<32xbf16>
        %unpack3A_284 = tpu.unpack_subelements %max3A_283, 0 {pack_format = #tpu.pack_format<interleaved>} : vector<32xbf16> -> vector<16xf32>
        %unpack3A_285 = tpu.unpack_subelements %max3A_283, 1 {pack_format = #tpu.pack_format<interleaved>} : vector<32xbf16> -> vector<16xf32>
        %mul3A_286 = arith.mulf %unpack3A_284, %get3A_31 : vector<16xf32>
        %add3A_287 = arith.addf %add3A_271, %mul3A_286 : vector<16xf32>
        %mul3A_288 = arith.mulf %unpack3A_285, %get3A_33 : vector<16xf32>
        %add3A_289 = arith.addf %add3A_287, %mul3A_288 : vector<16xf32>
        %get3A_290 = arith.index_cast %scan3A_219 : i32 to index
        %get3A_291 = arith.constant 64 : index
        %get3A_292 = tpu.vector_load %arg13[%get3A_290, %get3A_291] {strides = array<i32>} : memref<64x256xf32, #tpu.memory_space<vmem>>, vector<16xf32>,
        %bitcast3A_293 = vector.bitcast %get3A_292 : vector<16xf32> to vector<32xbf16>
        %get3A_294 = arith.index_cast %scan3A_219 : i32 to index
        %get3A_295 = arith.constant 64 : index
        %get3A_296 = tpu.vector_load %arg14[%get3A_294, %get3A_295] {strides = array<i32>} : memref<64x256xf32, #tpu.memory_space<vmem>>, vector<16xf32>,
        %bitcast3A_297 = vector.bitcast %get3A_296 : vector<16xf32> to vector<32xbf16>
        %add3A_298 = arith.addf %bitcast3A_293, %bitcast3A_297 : vector<32xbf16>
        %max3A_299 = arith.constant 0.000000e+00 : bf16
        %max3A_300 = vector.broadcast %max3A_299 : bf16 to vector<32xbf16>
        %max3A_301 = arith.maximumf %add3A_298, %max3A_300 : vector<32xbf16>
        %unpack3A_302 = tpu.unpack_subelements %max3A_301, 0 {pack_format = #tpu.pack_format<interleaved>} : vector<32xbf16> -> vector<16xf32>
        %unpack3A_303 = tpu.unpack_subelements %max3A_301, 1 {pack_format = #tpu.pack_format<interleaved>} : vector<32xbf16> -> vector<16xf32>
        %mul3A_304 = arith.mulf %unpack3A_302, %get3A_35 : vector<16xf32>
        %add3A_305 = arith.addf %add3A_289, %mul3A_304 : vector<16xf32>
        %mul3A_306 = arith.mulf %unpack3A_303, %get3A_37 : vector<16xf32>
        %add3A_307 = arith.addf %add3A_305, %mul3A_306 : vector<16xf32>
        %get3A_308 = arith.index_cast %scan3A_219 : i32 to index
        %get3A_309 = arith.constant 80 : index
        %get3A_310 = tpu.vector_load %arg13[%get3A_308, %get3A_309] {strides = array<i32>} : memref<64x256xf32, #tpu.memory_space<vmem>>, vector<16xf32>,
        %bitcast3A_311 = vector.bitcast %get3A_310 : vector<16xf32> to vector<32xbf16>
        %get3A_312 = arith.index_cast %scan3A_219 : i32 to index
        %get3A_313 = arith.constant 80 : index
        %get3A_314 = tpu.vector_load %arg14[%get3A_312, %get3A_313] {strides = array<i32>} : memref<64x256xf32, #tpu.memory_space<vmem>>, vector<16xf32>,
        %bitcast3A_315 = vector.bitcast %get3A_314 : vector<16xf32> to vector<32xbf16>
        %add3A_316 = arith.addf %bitcast3A_311, %bitcast3A_315 : vector<32xbf16>
        %max3A_317 = arith.constant 0.000000e+00 : bf16
        %max3A_318 = vector.broadcast %max3A_317 : bf16 to vector<32xbf16>
        %max3A_319 = arith.maximumf %add3A_316, %max3A_318 : vector<32xbf16>
        %unpack3A_320 = tpu.unpack_subelements %max3A_319, 0 {pack_format = #tpu.pack_format<interleaved>} : vector<32xbf16> -> vector<16xf32>
        %unpack3A_321 = tpu.unpack_subelements %max3A_319, 1 {pack_format = #tpu.pack_format<interleaved>} : vector<32xbf16> -> vector<16xf32>
        %mul3A_322 = arith.mulf %unpack3A_320, %get3A_39 : vector<16xf32>
        %add3A_323 = arith.addf %add3A_307, %mul3A_322 : vector<16xf32>
        %mul3A_324 = arith.mulf %unpack3A_321, %get3A_41 : vector<16xf32>
        %add3A_325 = arith.addf %add3A_323, %mul3A_324 : vector<16xf32>
        %get3A_326 = arith.index_cast %scan3A_219 : i32 to index
        %get3A_327 = arith.constant 96 : index
        %get3A_328 = tpu.vector_load %arg13[%get3A_326, %get3A_327] {strides = array<i32>} : memref<64x256xf32, #tpu.memory_space<vmem>>, vector<16xf32>,
        %bitcast3A_329 = vector.bitcast %get3A_328 : vector<16xf32> to vector<32xbf16>
        %get3A_330 = arith.index_cast %scan3A_219 : i32 to index
        %get3A_331 = arith.constant 96 : index
        %get3A_332 = tpu.vector_load %arg14[%get3A_330, %get3A_331] {strides = array<i32>} : memref<64x256xf32, #tpu.memory_space<vmem>>, vector<16xf32>,
        %bitcast3A_333 = vector.bitcast %get3A_332 : vector<16xf32> to vector<32xbf16>
        %add3A_334 = arith.addf %bitcast3A_329, %bitcast3A_333 : vector<32xbf16>
        %max3A_335 = arith.constant 0.000000e+00 : bf16
        %max3A_336 = vector.broadcast %max3A_335 : bf16 to vector<32xbf16>
        %max3A_337 = arith.maximumf %add3A_334, %max3A_336 : vector<32xbf16>
        %unpack3A_338 = tpu.unpack_subelements %max3A_337, 0 {pack_format = #tpu.pack_format<interleaved>} : vector<32xbf16> -> vector<16xf32>
        %unpack3A_339 = tpu.unpack_subelements %max3A_337, 1 {pack_format = #tpu.pack_format<interleaved>} : vector<32xbf16> -> vector<16xf32>
        %mul3A_340 = arith.mulf %unpack3A_338, %get3A_43 : vector<16xf32>
        %add3A_341 = arith.addf %add3A_325, %mul3A_340 : vector<16xf32>
        %mul3A_342 = arith.mulf %unpack3A_339, %get3A_45 : vector<16xf32>
        %add3A_343 = arith.addf %add3A_341, %mul3A_342 : vector<16xf32>
        %get3A_344 = arith.index_cast %scan3A_219 : i32 to index
        %get3A_345 = arith.constant 112 : index
        %get3A_346 = tpu.vector_load %arg13[%get3A_344, %get3A_345] {strides = array<i32>} : memref<64x256xf32, #tpu.memory_space<vmem>>, vector<16xf32>,
        %bitcast3A_347 = vector.bitcast %get3A_346 : vector<16xf32> to vector<32xbf16>
        %get3A_348 = arith.index_cast %scan3A_219 : i32 to index
        %get3A_349 = arith.constant 112 : index
        %get3A_350 = tpu.vector_load %arg14[%get3A_348, %get3A_349] {strides = array<i32>} : memref<64x256xf32, #tpu.memory_space<vmem>>, vector<16xf32>,
        %bitcast3A_351 = vector.bitcast %get3A_350 : vector<16xf32> to vector<32xbf16>
        %add3A_352 = arith.addf %bitcast3A_347, %bitcast3A_351 : vector<32xbf16>
        %max3A_353 = arith.constant 0.000000e+00 : bf16
        %max3A_354 = vector.broadcast %max3A_353 : bf16 to vector<32xbf16>
        %max3A_355 = arith.maximumf %add3A_352, %max3A_354 : vector<32xbf16>
        %unpack3A_356 = tpu.unpack_subelements %max3A_355, 0 {pack_format = #tpu.pack_format<interleaved>} : vector<32xbf16> -> vector<16xf32>
        %unpack3A_357 = tpu.unpack_subelements %max3A_355, 1 {pack_format = #tpu.pack_format<interleaved>} : vector<32xbf16> -> vector<16xf32>
        %mul3A_358 = arith.mulf %unpack3A_356, %get3A_47 : vector<16xf32>
        %add3A_359 = arith.addf %add3A_343, %mul3A_358 : vector<16xf32>
        %mul3A_360 = arith.mulf %unpack3A_357, %get3A_49 : vector<16xf32>
        %add3A_361 = arith.addf %add3A_359, %mul3A_360 : vector<16xf32>
        %get3A_362 = arith.index_cast %scan3A_219 : i32 to index
        %get3A_363 = arith.constant 128 : index
        %get3A_364 = tpu.vector_load %arg13[%get3A_362, %get3A_363] {strides = array<i32>} : memref<64x256xf32, #tpu.memory_space<vmem>>, vector<16xf32>,
        %bitcast3A_365 = vector.bitcast %get3A_364 : vector<16xf32> to vector<32xbf16>
        %get3A_366 = arith.index_cast %scan3A_219 : i32 to index
        %get3A_367 = arith.constant 128 : index
        %get3A_368 = tpu.vector_load %arg14[%get3A_366, %get3A_367] {strides = array<i32>} : memref<64x256xf32, #tpu.memory_space<vmem>>, vector<16xf32>,
        %bitcast3A_369 = vector.bitcast %get3A_368 : vector<16xf32> to vector<32xbf16>
        %add3A_370 = arith.addf %bitcast3A_365, %bitcast3A_369 : vector<32xbf16>
        %max3A_371 = arith.constant 0.000000e+00 : bf16
        %max3A_372 = vector.broadcast %max3A_371 : bf16 to vector<32xbf16>
        %max3A_373 = arith.maximumf %add3A_370, %max3A_372 : vector<32xbf16>
        %unpack3A_374 = tpu.unpack_subelements %max3A_373, 0 {pack_format = #tpu.pack_format<interleaved>} : vector<32xbf16> -> vector<16xf32>
        %unpack3A_375 = tpu.unpack_subelements %max3A_373, 1 {pack_format = #tpu.pack_format<interleaved>} : vector<32xbf16> -> vector<16xf32>
        %mul3A_376 = arith.mulf %unpack3A_374, %get3A_51 : vector<16xf32>
        %add3A_377 = arith.addf %add3A_361, %mul3A_376 : vector<16xf32>
        %mul3A_378 = arith.mulf %unpack3A_375, %get3A_53 : vector<16xf32>
        %add3A_379 = arith.addf %add3A_377, %mul3A_378 : vector<16xf32>
        %get3A_380 = arith.index_cast %scan3A_219 : i32 to index
        %get3A_381 = arith.constant 144 : index
        %get3A_382 = tpu.vector_load %arg13[%get3A_380, %get3A_381] {strides = array<i32>} : memref<64x256xf32, #tpu.memory_space<vmem>>, vector<16xf32>,
        %bitcast3A_383 = vector.bitcast %get3A_382 : vector<16xf32> to vector<32xbf16>
        %get3A_384 = arith.index_cast %scan3A_219 : i32 to index
        %get3A_385 = arith.constant 144 : index
        %get3A_386 = tpu.vector_load %arg14[%get3A_384, %get3A_385] {strides = array<i32>} : memref<64x256xf32, #tpu.memory_space<vmem>>, vector<16xf32>,
        %bitcast3A_387 = vector.bitcast %get3A_386 : vector<16xf32> to vector<32xbf16>
        %add3A_388 = arith.addf %bitcast3A_383, %bitcast3A_387 : vector<32xbf16>
        %max3A_389 = arith.constant 0.000000e+00 : bf16
        %max3A_390 = vector.broadcast %max3A_389 : bf16 to vector<32xbf16>
        %max3A_391 = arith.maximumf %add3A_388, %max3A_390 : vector<32xbf16>
        %unpack3A_392 = tpu.unpack_subelements %max3A_391, 0 {pack_format = #tpu.pack_format<interleaved>} : vector<32xbf16> -> vector<16xf32>
        %unpack3A_393 = tpu.unpack_subelements %max3A_391, 1 {pack_format = #tpu.pack_format<interleaved>} : vector<32xbf16> -> vector<16xf32>
        %mul3A_394 = arith.mulf %unpack3A_392, %get3A_55 : vector<16xf32>
        %add3A_395 = arith.addf %add3A_379, %mul3A_394 : vector<16xf32>
        %mul3A_396 = arith.mulf %unpack3A_393, %get3A_57 : vector<16xf32>
        %add3A_397 = arith.addf %add3A_395, %mul3A_396 : vector<16xf32>
        %get3A_398 = arith.index_cast %scan3A_219 : i32 to index
        %get3A_399 = arith.constant 160 : index
        %get3A_400 = tpu.vector_load %arg13[%get3A_398, %get3A_399] {strides = array<i32>} : memref<64x256xf32, #tpu.memory_space<vmem>>, vector<16xf32>,
        %bitcast3A_401 = vector.bitcast %get3A_400 : vector<16xf32> to vector<32xbf16>
        %get3A_402 = arith.index_cast %scan3A_219 : i32 to index
        %get3A_403 = arith.constant 160 : index
        %get3A_404 = tpu.vector_load %arg14[%get3A_402, %get3A_403] {strides = array<i32>} : memref<64x256xf32, #tpu.memory_space<vmem>>, vector<16xf32>,
        %bitcast3A_405 = vector.bitcast %get3A_404 : vector<16xf32> to vector<32xbf16>
        %add3A_406 = arith.addf %bitcast3A_401, %bitcast3A_405 : vector<32xbf16>
        %max3A_407 = arith.constant 0.000000e+00 : bf16
        %max3A_408 = vector.broadcast %max3A_407 : bf16 to vector<32xbf16>
        %max3A_409 = arith.maximumf %add3A_406, %max3A_408 : vector<32xbf16>
        %unpack3A_410 = tpu.unpack_subelements %max3A_409, 0 {pack_format = #tpu.pack_format<interleaved>} : vector<32xbf16> -> vector<16xf32>
        %unpack3A_411 = tpu.unpack_subelements %max3A_409, 1 {pack_format = #tpu.pack_format<interleaved>} : vector<32xbf16> -> vector<16xf32>
        %mul3A_412 = arith.mulf %unpack3A_410, %get3A_59 : vector<16xf32>
        %add3A_413 = arith.addf %add3A_397, %mul3A_412 : vector<16xf32>
        %mul3A_414 = arith.mulf %unpack3A_411, %get3A_61 : vector<16xf32>
        %add3A_415 = arith.addf %add3A_413, %mul3A_414 : vector<16xf32>
        %get3A_416 = arith.index_cast %scan3A_219 : i32 to index
        %get3A_417 = arith.constant 176 : index
        %get3A_418 = tpu.vector_load %arg13[%get3A_416, %get3A_417] {strides = array<i32>} : memref<64x256xf32, #tpu.memory_space<vmem>>, vector<16xf32>,
        %bitcast3A_419 = vector.bitcast %get3A_418 : vector<16xf32> to vector<32xbf16>
        %get3A_420 = arith.index_cast %scan3A_219 : i32 to index
        %get3A_421 = arith.constant 176 : index
        %get3A_422 = tpu.vector_load %arg14[%get3A_420, %get3A_421] {strides = array<i32>} : memref<64x256xf32, #tpu.memory_space<vmem>>, vector<16xf32>,
        %bitcast3A_423 = vector.bitcast %get3A_422 : vector<16xf32> to vector<32xbf16>
        %add3A_424 = arith.addf %bitcast3A_419, %bitcast3A_423 : vector<32xbf16>
        %max3A_425 = arith.constant 0.000000e+00 : bf16
        %max3A_426 = vector.broadcast %max3A_425 : bf16 to vector<32xbf16>
        %max3A_427 = arith.maximumf %add3A_424, %max3A_426 : vector<32xbf16>
        %unpack3A_428 = tpu.unpack_subelements %max3A_427, 0 {pack_format = #tpu.pack_format<interleaved>} : vector<32xbf16> -> vector<16xf32>
        %unpack3A_429 = tpu.unpack_subelements %max3A_427, 1 {pack_format = #tpu.pack_format<interleaved>} : vector<32xbf16> -> vector<16xf32>
        %mul3A_430 = arith.mulf %unpack3A_428, %get3A_63 : vector<16xf32>
        %add3A_431 = arith.addf %add3A_415, %mul3A_430 : vector<16xf32>
        %mul3A_432 = arith.mulf %unpack3A_429, %get3A_65 : vector<16xf32>
        %add3A_433 = arith.addf %add3A_431, %mul3A_432 : vector<16xf32>
        %get3A_434 = arith.index_cast %scan3A_219 : i32 to index
        %get3A_435 = arith.constant 192 : index
        %get3A_436 = tpu.vector_load %arg13[%get3A_434, %get3A_435] {strides = array<i32>} : memref<64x256xf32, #tpu.memory_space<vmem>>, vector<16xf32>,
        %bitcast3A_437 = vector.bitcast %get3A_436 : vector<16xf32> to vector<32xbf16>
        %get3A_438 = arith.index_cast %scan3A_219 : i32 to index
        %get3A_439 = arith.constant 192 : index
        %get3A_440 = tpu.vector_load %arg14[%get3A_438, %get3A_439] {strides = array<i32>} : memref<64x256xf32, #tpu.memory_space<vmem>>, vector<16xf32>,
        %bitcast3A_441 = vector.bitcast %get3A_440 : vector<16xf32> to vector<32xbf16>
        %add3A_442 = arith.addf %bitcast3A_437, %bitcast3A_441 : vector<32xbf16>
        %max3A_443 = arith.constant 0.000000e+00 : bf16
        %max3A_444 = vector.broadcast %max3A_443 : bf16 to vector<32xbf16>
        %max3A_445 = arith.maximumf %add3A_442, %max3A_444 : vector<32xbf16>
        %unpack3A_446 = tpu.unpack_subelements %max3A_445, 0 {pack_format = #tpu.pack_format<interleaved>} : vector<32xbf16> -> vector<16xf32>
        %unpack3A_447 = tpu.unpack_subelements %max3A_445, 1 {pack_format = #tpu.pack_format<interleaved>} : vector<32xbf16> -> vector<16xf32>
        %mul3A_448 = arith.mulf %unpack3A_446, %get3A_67 : vector<16xf32>
        %add3A_449 = arith.addf %add3A_433, %mul3A_448 : vector<16xf32>
        %mul3A_450 = arith.mulf %unpack3A_447, %get3A_69 : vector<16xf32>
        %add3A_451 = arith.addf %add3A_449, %mul3A_450 : vector<16xf32>
        %get3A_452 = arith.index_cast %scan3A_219 : i32 to index
        %get3A_453 = arith.constant 208 : index
        %get3A_454 = tpu.vector_load %arg13[%get3A_452, %get3A_453] {strides = array<i32>} : memref<64x256xf32, #tpu.memory_space<vmem>>, vector<16xf32>,
        %bitcast3A_455 = vector.bitcast %get3A_454 : vector<16xf32> to vector<32xbf16>
        %get3A_456 = arith.index_cast %scan3A_219 : i32 to index
        %get3A_457 = arith.constant 208 : index
        %get3A_458 = tpu.vector_load %arg14[%get3A_456, %get3A_457] {strides = array<i32>} : memref<64x256xf32, #tpu.memory_space<vmem>>, vector<16xf32>,
        %bitcast3A_459 = vector.bitcast %get3A_458 : vector<16xf32> to vector<32xbf16>
        %add3A_460 = arith.addf %bitcast3A_455, %bitcast3A_459 : vector<32xbf16>
        %max3A_461 = arith.constant 0.000000e+00 : bf16
        %max3A_462 = vector.broadcast %max3A_461 : bf16 to vector<32xbf16>
        %max3A_463 = arith.maximumf %add3A_460, %max3A_462 : vector<32xbf16>
        %unpack3A_464 = tpu.unpack_subelements %max3A_463, 0 {pack_format = #tpu.pack_format<interleaved>} : vector<32xbf16> -> vector<16xf32>
        %unpack3A_465 = tpu.unpack_subelements %max3A_463, 1 {pack_format = #tpu.pack_format<interleaved>} : vector<32xbf16> -> vector<16xf32>
        %mul3A_466 = arith.mulf %unpack3A_464, %get3A_71 : vector<16xf32>
        %add3A_467 = arith.addf %add3A_451, %mul3A_466 : vector<16xf32>
        %mul3A_468 = arith.mulf %unpack3A_465, %get3A_73 : vector<16xf32>
        %add3A_469 = arith.addf %add3A_467, %mul3A_468 : vector<16xf32>
        %get3A_470 = arith.index_cast %scan3A_219 : i32 to index
        %get3A_471 = arith.constant 224 : index
        %get3A_472 = tpu.vector_load %arg13[%get3A_470, %get3A_471] {strides = array<i32>} : memref<64x256xf32, #tpu.memory_space<vmem>>, vector<16xf32>,
        %bitcast3A_473 = vector.bitcast %get3A_472 : vector<16xf32> to vector<32xbf16>
        %get3A_474 = arith.index_cast %scan3A_219 : i32 to index
        %get3A_475 = arith.constant 224 : index
        %get3A_476 = tpu.vector_load %arg14[%get3A_474, %get3A_475] {strides = array<i32>} : memref<64x256xf32, #tpu.memory_space<vmem>>, vector<16xf32>,
        %bitcast3A_477 = vector.bitcast %get3A_476 : vector<16xf32> to vector<32xbf16>
        %add3A_478 = arith.addf %bitcast3A_473, %bitcast3A_477 : vector<32xbf16>
        %max3A_479 = arith.constant 0.000000e+00 : bf16
        %max3A_480 = vector.broadcast %max3A_479 : bf16 to vector<32xbf16>
        %max3A_481 = arith.maximumf %add3A_478, %max3A_480 : vector<32xbf16>
        %unpack3A_482 = tpu.unpack_subelements %max3A_481, 0 {pack_format = #tpu.pack_format<interleaved>} : vector<32xbf16> -> vector<16xf32>
        %unpack3A_483 = tpu.unpack_subelements %max3A_481, 1 {pack_format = #tpu.pack_format<interleaved>} : vector<32xbf16> -> vector<16xf32>
        %mul3A_484 = arith.mulf %unpack3A_482, %get3A_75 : vector<16xf32>
        %add3A_485 = arith.addf %add3A_469, %mul3A_484 : vector<16xf32>
        %mul3A_486 = arith.mulf %unpack3A_483, %get3A_77 : vector<16xf32>
        %add3A_487 = arith.addf %add3A_485, %mul3A_486 : vector<16xf32>
        %get3A_488 = arith.index_cast %scan3A_219 : i32 to index
        %get3A_489 = arith.constant 240 : index
        %get3A_490 = tpu.vector_load %arg13[%get3A_488, %get3A_489] {strides = array<i32>} : memref<64x256xf32, #tpu.memory_space<vmem>>, vector<16xf32>,
        %bitcast3A_491 = vector.bitcast %get3A_490 : vector<16xf32> to vector<32xbf16>
        %get3A_492 = arith.index_cast %scan3A_219 : i32 to index
        %get3A_493 = arith.constant 240 : index
        %get3A_494 = tpu.vector_load %arg14[%get3A_492, %get3A_493] {strides = array<i32>} : memref<64x256xf32, #tpu.memory_space<vmem>>, vector<16xf32>,
        %bitcast3A_495 = vector.bitcast %get3A_494 : vector<16xf32> to vector<32xbf16>
        %add3A_496 = arith.addf %bitcast3A_491, %bitcast3A_495 : vector<32xbf16>
        %max3A_497 = arith.constant 0.000000e+00 : bf16
        %max3A_498 = vector.broadcast %max3A_497 : bf16 to vector<32xbf16>
        %max3A_499 = arith.maximumf %add3A_496, %max3A_498 : vector<32xbf16>
        %unpack3A_500 = tpu.unpack_subelements %max3A_499, 0 {pack_format = #tpu.pack_format<interleaved>} : vector<32xbf16> -> vector<16xf32>
        %unpack3A_501 = tpu.unpack_subelements %max3A_499, 1 {pack_format = #tpu.pack_format<interleaved>} : vector<32xbf16> -> vector<16xf32>
        %mul3A_502 = arith.mulf %unpack3A_500, %get3A_79 : vector<16xf32>
        %add3A_503 = arith.addf %add3A_487, %mul3A_502 : vector<16xf32>
        %mul3A_504 = arith.mulf %unpack3A_501, %get3A_81 : vector<16xf32>
        %add3A_505 = arith.addf %add3A_503, %mul3A_504 : vector<16xf32>
        %mul3A_506 = arith.constant 16 : i32
        %mul3A_507 = arith.muli %scan3A_219, %mul3A_506 : i32
        %swap3A = arith.index_cast %mul3A_507 : i32 to index
        %swap3A_508 = tpu.vector_load %arg17[%swap3A] {strides = array<i32>} : memref<1024xf32, #tpu.memory_space<vmem>>, vector<16xf32>,
        tpu.vector_store %arg17[%swap3A], %add3A_505 {strides = array<i32>} : memref<1024xf32, #tpu.memory_space<vmem>>, vector<16xf32>,
        %scan3A_509 = arith.constant 0 : i32
        scf.yield %scan3A_509 : i32
      }
      %scan3A_169 = arith.constant 64 : i32
      %scan3A_170 = arith.constant 0 : i32
      %scan3A_171 = arith.constant 0 : i32
      %scan3A_172 = arith.constant 4 : i32
      %scan3A_173 = arith.addi %scan3A_171, %scan3A_172 : i32
      %scan3A_174 = arith.constant 1 : i32
      %scan3A_175 = scf.for %scan3A_219 = %scan3A_171 to %scan3A_173 step %scan3A_174 iter_args(%scan3A_220 = %scan3A_170) -> (i32)  : i32 {
        %mul3A_221 = arith.constant 16 : i32
        %mul3A_222 = arith.muli %scan3A_219, %mul3A_221 : i32
        %add3A_223 = vector.broadcast %mul3A_222 : i32 to vector<16xi32>
        %add3A_224 = arith.addi %add3A_223, %iota3A : vector<16xi32>
        %mul3A_225 = arith.constant 16 : i32
        %mul3A_226 = vector.broadcast %mul3A_225 : i32 to vector<16xi32>
        %mul3A_227 = arith.muli %add3A_224, %mul3A_226 : vector<16xi32>
        %broadcast_in_dim3A_228 = arith.constant 0.000000e+00 : f32
        %broadcast_in_dim3A_229 = vector.broadcast %broadcast_in_dim3A_228 : f32 to vector<16xf32>
        %add3A_230 = arith.constant 0 : i32
        %add3A_231 = vector.broadcast %add3A_230 : i32 to vector<16xi32>
        %add3A_232 = arith.addi %mul3A_227, %add3A_231 : vector<16xi32>
        %gather3A = tpu.vector_load_idx %arg17[%add3A_232] : memref<1024xf32, #tpu.memory_space<vmem>>[vector<16xi32>], vector<16xf32>,
        %add3A_233 = arith.addf %broadcast_in_dim3A_229, %gather3A : vector<16xf32>
        %add3A_234 = arith.constant 1 : i32
        %add3A_235 = vector.broadcast %add3A_234 : i32 to vector<16xi32>
        %add3A_236 = arith.addi %mul3A_227, %add3A_235 : vector<16xi32>
        %gather3A_237 = tpu.vector_load_idx %arg17[%add3A_236] : memref<1024xf32, #tpu.memory_space<vmem>>[vector<16xi32>], vector<16xf32>,
        %add3A_238 = arith.addf %add3A_233, %gather3A_237 : vector<16xf32>
        %add3A_239 = arith.constant 2 : i32
        %add3A_240 = vector.broadcast %add3A_239 : i32 to vector<16xi32>
        %add3A_241 = arith.addi %mul3A_227, %add3A_240 : vector<16xi32>
        %gather3A_242 = tpu.vector_load_idx %arg17[%add3A_241] : memref<1024xf32, #tpu.memory_space<vmem>>[vector<16xi32>], vector<16xf32>,
        %add3A_243 = arith.addf %add3A_238, %gather3A_242 : vector<16xf32>
        %add3A_244 = arith.constant 3 : i32
        %add3A_245 = vector.broadcast %add3A_244 : i32 to vector<16xi32>
        %add3A_246 = arith.addi %mul3A_227, %add3A_245 : vector<16xi32>
        %gather3A_247 = tpu.vector_load_idx %arg17[%add3A_246] : memref<1024xf32, #tpu.memory_space<vmem>>[vector<16xi32>], vector<16xf32>,
        %add3A_248 = arith.addf %add3A_243, %gather3A_247 : vector<16xf32>
        %add3A_249 = arith.constant 4 : i32
        %add3A_250 = vector.broadcast %add3A_249 : i32 to vector<16xi32>
        %add3A_251 = arith.addi %mul3A_227, %add3A_250 : vector<16xi32>
        %gather3A_252 = tpu.vector_load_idx %arg17[%add3A_251] : memref<1024xf32, #tpu.memory_space<vmem>>[vector<16xi32>], vector<16xf32>,
        %add3A_253 = arith.addf %add3A_248, %gather3A_252 : vector<16xf32>
        %add3A_254 = arith.constant 5 : i32
        %add3A_255 = vector.broadcast %add3A_254 : i32 to vector<16xi32>
        %add3A_256 = arith.addi %mul3A_227, %add3A_255 : vector<16xi32>
        %gather3A_257 = tpu.vector_load_idx %arg17[%add3A_256] : memref<1024xf32, #tpu.memory_space<vmem>>[vector<16xi32>], vector<16xf32>,
        %add3A_258 = arith.addf %add3A_253, %gather3A_257 : vector<16xf32>
        %add3A_259 = arith.constant 6 : i32
        %add3A_260 = vector.broadcast %add3A_259 : i32 to vector<16xi32>
        %add3A_261 = arith.addi %mul3A_227, %add3A_260 : vector<16xi32>
        %gather3A_262 = tpu.vector_load_idx %arg17[%add3A_261] : memref<1024xf32, #tpu.memory_space<vmem>>[vector<16xi32>], vector<16xf32>,
        %add3A_263 = arith.addf %add3A_258, %gather3A_262 : vector<16xf32>
        %add3A_264 = arith.constant 7 : i32
        %add3A_265 = vector.broadcast %add3A_264 : i32 to vector<16xi32>
        %add3A_266 = arith.addi %mul3A_227, %add3A_265 : vector<16xi32>
        %gather3A_267 = tpu.vector_load_idx %arg17[%add3A_266] : memref<1024xf32, #tpu.memory_space<vmem>>[vector<16xi32>], vector<16xf32>,
        %add3A_268 = arith.addf %add3A_263, %gather3A_267 : vector<16xf32>
        %add3A_269 = arith.constant 8 : i32
        %add3A_270 = vector.broadcast %add3A_269 : i32 to vector<16xi32>
        %add3A_271 = arith.addi %mul3A_227, %add3A_270 : vector<16xi32>
        %gather3A_272 = tpu.vector_load_idx %arg17[%add3A_271] : memref<1024xf32, #tpu.memory_space<vmem>>[vector<16xi32>], vector<16xf32>,
        %add3A_273 = arith.addf %add3A_268, %gather3A_272 : vector<16xf32>
        %add3A_274 = arith.constant 9 : i32
        %add3A_275 = vector.broadcast %add3A_274 : i32 to vector<16xi32>
        %add3A_276 = arith.addi %mul3A_227, %add3A_275 : vector<16xi32>
        %gather3A_277 = tpu.vector_load_idx %arg17[%add3A_276] : memref<1024xf32, #tpu.memory_space<vmem>>[vector<16xi32>], vector<16xf32>,
        %add3A_278 = arith.addf %add3A_273, %gather3A_277 : vector<16xf32>
        %add3A_279 = arith.constant 10 : i32
        %add3A_280 = vector.broadcast %add3A_279 : i32 to vector<16xi32>
        %add3A_281 = arith.addi %mul3A_227, %add3A_280 : vector<16xi32>
        %gather3A_282 = tpu.vector_load_idx %arg17[%add3A_281] : memref<1024xf32, #tpu.memory_space<vmem>>[vector<16xi32>], vector<16xf32>,
        %add3A_283 = arith.addf %add3A_278, %gather3A_282 : vector<16xf32>
        %add3A_284 = arith.constant 11 : i32
        %add3A_285 = vector.broadcast %add3A_284 : i32 to vector<16xi32>
        %add3A_286 = arith.addi %mul3A_227, %add3A_285 : vector<16xi32>
        %gather3A_287 = tpu.vector_load_idx %arg17[%add3A_286] : memref<1024xf32, #tpu.memory_space<vmem>>[vector<16xi32>], vector<16xf32>,
        %add3A_288 = arith.addf %add3A_283, %gather3A_287 : vector<16xf32>
        %add3A_289 = arith.constant 12 : i32
        %add3A_290 = vector.broadcast %add3A_289 : i32 to vector<16xi32>
        %add3A_291 = arith.addi %mul3A_227, %add3A_290 : vector<16xi32>
        %gather3A_292 = tpu.vector_load_idx %arg17[%add3A_291] : memref<1024xf32, #tpu.memory_space<vmem>>[vector<16xi32>], vector<16xf32>,
        %add3A_293 = arith.addf %add3A_288, %gather3A_292 : vector<16xf32>
        %add3A_294 = arith.constant 13 : i32
        %add3A_295 = vector.broadcast %add3A_294 : i32 to vector<16xi32>
        %add3A_296 = arith.addi %mul3A_227, %add3A_295 : vector<16xi32>
        %gather3A_297 = tpu.vector_load_idx %arg17[%add3A_296] : memref<1024xf32, #tpu.memory_space<vmem>>[vector<16xi32>], vector<16xf32>,
        %add3A_298 = arith.addf %add3A_293, %gather3A_297 : vector<16xf32>
        %add3A_299 = arith.constant 14 : i32
        %add3A_300 = vector.broadcast %add3A_299 : i32 to vector<16xi32>
        %add3A_301 = arith.addi %mul3A_227, %add3A_300 : vector<16xi32>
        %gather3A_302 = tpu.vector_load_idx %arg17[%add3A_301] : memref<1024xf32, #tpu.memory_space<vmem>>[vector<16xi32>], vector<16xf32>,
        %add3A_303 = arith.addf %add3A_298, %gather3A_302 : vector<16xf32>
        %add3A_304 = arith.constant 15 : i32
        %add3A_305 = vector.broadcast %add3A_304 : i32 to vector<16xi32>
        %add3A_306 = arith.addi %mul3A_227, %add3A_305 : vector<16xi32>
        %gather3A_307 = tpu.vector_load_idx %arg17[%add3A_306] : memref<1024xf32, #tpu.memory_space<vmem>>[vector<16xi32>], vector<16xf32>,
        %add3A_308 = arith.addf %add3A_303, %gather3A_307 : vector<16xf32>
        %mul3A_309 = arith.constant 64 : i32
        %mul3A_310 = arith.muli %mul3A_137, %mul3A_309 : i32
        %mul3A_311 = arith.constant 16 : i32
        %mul3A_312 = arith.muli %scan3A_219, %mul3A_311 : i32
        %add3A_313 = arith.addi %mul3A_310, %mul3A_312 : i32
        %get3A_314 = arith.index_cast %add3A_313 : i32 to index
        %get3A_315 = tpu.vector_load %arg12[%get3A_314] {strides = array<i32>} : memref<5888xi32, #tpu.memory_space<vmem>>, vector<16xi32>,
        tpu.vector_store_idx %arg20[%get3A_315], %add3A_308 {add = true} : memref<10240xf32, #tpu.memory_space<vmem>>[vector<16xi32>], vector<16xf32>,
        %scan3A_316 = arith.constant 0 : i32
        scf.yield %scan3A_316 : i32
      }
      %scan3A_176 = arith.constant 4 : i32
      %add3A_177 = arith.constant 2 : i32
      %add3A_178 = arith.addi %mul3A_137, %add3A_177 : i32
      %sub3A_179 = arith.constant 1 : i32
      %sub3A_180 = arith.subi %select_n3A_18, %sub3A_179 : i32
      %min3A_181 = arith.minsi %add3A_178, %sub3A_180 : i32
      %mul3A_182 = arith.constant 64 : i32
      %mul3A_183 = arith.muli %min3A_181, %mul3A_182 : i32
      %dma_start3A_184 = tpu.memref_slice %arg10[%mul3A_183] : memref<5888xi32, #tpu.memory_space<vmem>> -> memref<64xi32, #tpu.memory_space<vmem>>
      %dma_start3A_185 = arith.constant 0 : i32
      %dma_start3A_186 = arith.constant 0 : i32
      %dma_start3A_187 = tpu.memref_slice %arg2[%dma_start3A_185, %dma_start3A_186] : memref<10000x256xf32, #tpu.memory_space<hbm>> -> memref<10000x256xf32, #tpu.memory_space<hbm>>
      tpu.enqueue_indirect_dma source(%dma_start3A_187 : memref<10000x256xf32, #tpu.memory_space<hbm>>) target(%arg13 : memref<64x256xf32, #tpu.memory_space<vmem>>) offsets(%dma_start3A_184 : memref<64xi32, #tpu.memory_space<vmem>>) semaphore(%arg21 : memref<!tpu.dma_semaphore, #tpu.memory_space<semaphore_mem>>)
      %dma_start3A_188 = tpu.memref_slice %arg11[%mul3A_183] : memref<5888xi32, #tpu.memory_space<vmem>> -> memref<64xi32, #tpu.memory_space<vmem>>
      %dma_start3A_189 = arith.constant 0 : i32
      %dma_start3A_190 = arith.constant 0 : i32
      %dma_start3A_191 = tpu.memref_slice %arg3[%dma_start3A_189, %dma_start3A_190] : memref<10000x256xf32, #tpu.memory_space<hbm>> -> memref<10000x256xf32, #tpu.memory_space<hbm>>
      tpu.enqueue_indirect_dma source(%dma_start3A_191 : memref<10000x256xf32, #tpu.memory_space<hbm>>) target(%arg14 : memref<64x256xf32, #tpu.memory_space<vmem>>) offsets(%dma_start3A_188 : memref<64xi32, #tpu.memory_space<vmem>>) semaphore(%arg22 : memref<!tpu.dma_semaphore, #tpu.memory_space<semaphore_mem>>)
      %dma_wait3A_192 = arith.constant 0 : i32
      %dma_wait3A_193 = tpu.memref_slice %arg10[%dma_wait3A_192] : memref<5888xi32, #tpu.memory_space<vmem>> -> memref<64xi32, #tpu.memory_space<vmem>>
      %dma_wait3A_194 = arith.constant 0 : i32
      %dma_wait3A_195 = arith.constant 0 : i32
      %dma_wait3A_196 = tpu.memref_slice %arg2[%dma_wait3A_194, %dma_wait3A_195] : memref<10000x256xf32, #tpu.memory_space<hbm>> -> memref<10000x256xf32, #tpu.memory_space<hbm>>
      tpu.wait_indirect_dma semaphore(%arg23 : memref<!tpu.dma_semaphore, #tpu.memory_space<semaphore_mem>>) src(%dma_wait3A_196 : memref<10000x256xf32, #tpu.memory_space<hbm>>) dst(%arg15 : memref<64x256xf32, #tpu.memory_space<vmem>>)
      %dma_wait3A_197 = arith.constant 0 : i32
      %dma_wait3A_198 = tpu.memref_slice %arg11[%dma_wait3A_197] : memref<5888xi32, #tpu.memory_space<vmem>> -> memref<64xi32, #tpu.memory_space<vmem>>
      %dma_wait3A_199 = arith.constant 0 : i32
      %dma_wait3A_200 = arith.constant 0 : i32
      %dma_wait3A_201 = tpu.memref_slice %arg3[%dma_wait3A_199, %dma_wait3A_200] : memref<10000x256xf32, #tpu.memory_space<hbm>> -> memref<10000x256xf32, #tpu.memory_space<hbm>>
      tpu.wait_indirect_dma semaphore(%arg24 : memref<!tpu.dma_semaphore, #tpu.memory_space<semaphore_mem>>) src(%dma_wait3A_201 : memref<10000x256xf32, #tpu.memory_space<hbm>>) dst(%arg16 : memref<64x256xf32, #tpu.memory_space<vmem>>)
      %add3A_202 = arith.constant 1 : i32
      %add3A_203 = arith.addi %mul3A_137, %add3A_202 : i32
      %scan3A_204 = arith.constant 0 : i32
      %scan3A_205 = arith.constant 0 : i32
      %scan3A_206 = arith.constant 64 : i32
      %scan3A_207 = arith.addi %scan3A_205, %scan3A_206 : i32
      %scan3A_208 = arith.constant 1 : i32
      %scan3A_209 = scf.for %scan3A_219 = %scan3A_205 to %scan3A_207 step %scan3A_208 iter_args(%scan3A_220 = %scan3A_204) -> (i32)  : i32 {
        %get3A_221 = arith.index_cast %scan3A_219 : i32 to index
        %get3A_222 = arith.constant 0 : index
        %get3A_223 = tpu.vector_load %arg15[%get3A_221, %get3A_222] {strides = array<i32>} : memref<64x256xf32, #tpu.memory_space<vmem>>, vector<16xf32>,
        %bitcast3A = vector.bitcast %get3A_223 : vector<16xf32> to vector<32xbf16>
        %get3A_224 = arith.index_cast %scan3A_219 : i32 to index
        %get3A_225 = arith.constant 0 : index
        %get3A_226 = tpu.vector_load %arg16[%get3A_224, %get3A_225] {strides = array<i32>} : memref<64x256xf32, #tpu.memory_space<vmem>>, vector<16xf32>,
        %bitcast3A_227 = vector.bitcast %get3A_226 : vector<16xf32> to vector<32xbf16>
        %add3A_228 = arith.addf %bitcast3A, %bitcast3A_227 : vector<32xbf16>
        %max3A = arith.constant 0.000000e+00 : bf16
        %max3A_229 = vector.broadcast %max3A : bf16 to vector<32xbf16>
        %max3A_230 = arith.maximumf %add3A_228, %max3A_229 : vector<32xbf16>
        %unpack3A = tpu.unpack_subelements %max3A_230, 0 {pack_format = #tpu.pack_format<interleaved>} : vector<32xbf16> -> vector<16xf32>
        %unpack3A_231 = tpu.unpack_subelements %max3A_230, 1 {pack_format = #tpu.pack_format<interleaved>} : vector<32xbf16> -> vector<16xf32>
        %mul3A_232 = arith.mulf %unpack3A, %get3A_19 : vector<16xf32>
        %add3A_233 = arith.addf %get3A_83, %mul3A_232 : vector<16xf32>
        %mul3A_234 = arith.mulf %unpack3A_231, %get3A_21 : vector<16xf32>
        %add3A_235 = arith.addf %add3A_233, %mul3A_234 : vector<16xf32>
        %get3A_236 = arith.index_cast %scan3A_219 : i32 to index
        %get3A_237 = arith.constant 16 : index
        %get3A_238 = tpu.vector_load %arg15[%get3A_236, %get3A_237] {strides = array<i32>} : memref<64x256xf32, #tpu.memory_space<vmem>>, vector<16xf32>,
        %bitcast3A_239 = vector.bitcast %get3A_238 : vector<16xf32> to vector<32xbf16>
        %get3A_240 = arith.index_cast %scan3A_219 : i32 to index
        %get3A_241 = arith.constant 16 : index
        %get3A_242 = tpu.vector_load %arg16[%get3A_240, %get3A_241] {strides = array<i32>} : memref<64x256xf32, #tpu.memory_space<vmem>>, vector<16xf32>,
        %bitcast3A_243 = vector.bitcast %get3A_242 : vector<16xf32> to vector<32xbf16>
        %add3A_244 = arith.addf %bitcast3A_239, %bitcast3A_243 : vector<32xbf16>
        %max3A_245 = arith.constant 0.000000e+00 : bf16
        %max3A_246 = vector.broadcast %max3A_245 : bf16 to vector<32xbf16>
        %max3A_247 = arith.maximumf %add3A_244, %max3A_246 : vector<32xbf16>
        %unpack3A_248 = tpu.unpack_subelements %max3A_247, 0 {pack_format = #tpu.pack_format<interleaved>} : vector<32xbf16> -> vector<16xf32>
        %unpack3A_249 = tpu.unpack_subelements %max3A_247, 1 {pack_format = #tpu.pack_format<interleaved>} : vector<32xbf16> -> vector<16xf32>
        %mul3A_250 = arith.mulf %unpack3A_248, %get3A_23 : vector<16xf32>
        %add3A_251 = arith.addf %add3A_235, %mul3A_250 : vector<16xf32>
        %mul3A_252 = arith.mulf %unpack3A_249, %get3A_25 : vector<16xf32>
        %add3A_253 = arith.addf %add3A_251, %mul3A_252 : vector<16xf32>
        %get3A_254 = arith.index_cast %scan3A_219 : i32 to index
        %get3A_255 = arith.constant 32 : index
        %get3A_256 = tpu.vector_load %arg15[%get3A_254, %get3A_255] {strides = array<i32>} : memref<64x256xf32, #tpu.memory_space<vmem>>, vector<16xf32>,
        %bitcast3A_257 = vector.bitcast %get3A_256 : vector<16xf32> to vector<32xbf16>
        %get3A_258 = arith.index_cast %scan3A_219 : i32 to index
        %get3A_259 = arith.constant 32 : index
        %get3A_260 = tpu.vector_load %arg16[%get3A_258, %get3A_259] {strides = array<i32>} : memref<64x256xf32, #tpu.memory_space<vmem>>, vector<16xf32>,
        %bitcast3A_261 = vector.bitcast %get3A_260 : vector<16xf32> to vector<32xbf16>
        %add3A_262 = arith.addf %bitcast3A_257, %bitcast3A_261 : vector<32xbf16>
        %max3A_263 = arith.constant 0.000000e+00 : bf16
        %max3A_264 = vector.broadcast %max3A_263 : bf16 to vector<32xbf16>
        %max3A_265 = arith.maximumf %add3A_262, %max3A_264 : vector<32xbf16>
        %unpack3A_266 = tpu.unpack_subelements %max3A_265, 0 {pack_format = #tpu.pack_format<interleaved>} : vector<32xbf16> -> vector<16xf32>
        %unpack3A_267 = tpu.unpack_subelements %max3A_265, 1 {pack_format = #tpu.pack_format<interleaved>} : vector<32xbf16> -> vector<16xf32>
        %mul3A_268 = arith.mulf %unpack3A_266, %get3A_27 : vector<16xf32>
        %add3A_269 = arith.addf %add3A_253, %mul3A_268 : vector<16xf32>
        %mul3A_270 = arith.mulf %unpack3A_267, %get3A_29 : vector<16xf32>
        %add3A_271 = arith.addf %add3A_269, %mul3A_270 : vector<16xf32>
        %get3A_272 = arith.index_cast %scan3A_219 : i32 to index
        %get3A_273 = arith.constant 48 : index
        %get3A_274 = tpu.vector_load %arg15[%get3A_272, %get3A_273] {strides = array<i32>} : memref<64x256xf32, #tpu.memory_space<vmem>>, vector<16xf32>,
        %bitcast3A_275 = vector.bitcast %get3A_274 : vector<16xf32> to vector<32xbf16>
        %get3A_276 = arith.index_cast %scan3A_219 : i32 to index
        %get3A_277 = arith.constant 48 : index
        %get3A_278 = tpu.vector_load %arg16[%get3A_276, %get3A_277] {strides = array<i32>} : memref<64x256xf32, #tpu.memory_space<vmem>>, vector<16xf32>,
        %bitcast3A_279 = vector.bitcast %get3A_278 : vector<16xf32> to vector<32xbf16>
        %add3A_280 = arith.addf %bitcast3A_275, %bitcast3A_279 : vector<32xbf16>
        %max3A_281 = arith.constant 0.000000e+00 : bf16
        %max3A_282 = vector.broadcast %max3A_281 : bf16 to vector<32xbf16>
        %max3A_283 = arith.maximumf %add3A_280, %max3A_282 : vector<32xbf16>
        %unpack3A_284 = tpu.unpack_subelements %max3A_283, 0 {pack_format = #tpu.pack_format<interleaved>} : vector<32xbf16> -> vector<16xf32>
        %unpack3A_285 = tpu.unpack_subelements %max3A_283, 1 {pack_format = #tpu.pack_format<interleaved>} : vector<32xbf16> -> vector<16xf32>
        %mul3A_286 = arith.mulf %unpack3A_284, %get3A_31 : vector<16xf32>
        %add3A_287 = arith.addf %add3A_271, %mul3A_286 : vector<16xf32>
        %mul3A_288 = arith.mulf %unpack3A_285, %get3A_33 : vector<16xf32>
        %add3A_289 = arith.addf %add3A_287, %mul3A_288 : vector<16xf32>
        %get3A_290 = arith.index_cast %scan3A_219 : i32 to index
        %get3A_291 = arith.constant 64 : index
        %get3A_292 = tpu.vector_load %arg15[%get3A_290, %get3A_291] {strides = array<i32>} : memref<64x256xf32, #tpu.memory_space<vmem>>, vector<16xf32>,
        %bitcast3A_293 = vector.bitcast %get3A_292 : vector<16xf32> to vector<32xbf16>
        %get3A_294 = arith.index_cast %scan3A_219 : i32 to index
        %get3A_295 = arith.constant 64 : index
        %get3A_296 = tpu.vector_load %arg16[%get3A_294, %get3A_295] {strides = array<i32>} : memref<64x256xf32, #tpu.memory_space<vmem>>, vector<16xf32>,
        %bitcast3A_297 = vector.bitcast %get3A_296 : vector<16xf32> to vector<32xbf16>
        %add3A_298 = arith.addf %bitcast3A_293, %bitcast3A_297 : vector<32xbf16>
        %max3A_299 = arith.constant 0.000000e+00 : bf16
        %max3A_300 = vector.broadcast %max3A_299 : bf16 to vector<32xbf16>
        %max3A_301 = arith.maximumf %add3A_298, %max3A_300 : vector<32xbf16>
        %unpack3A_302 = tpu.unpack_subelements %max3A_301, 0 {pack_format = #tpu.pack_format<interleaved>} : vector<32xbf16> -> vector<16xf32>
        %unpack3A_303 = tpu.unpack_subelements %max3A_301, 1 {pack_format = #tpu.pack_format<interleaved>} : vector<32xbf16> -> vector<16xf32>
        %mul3A_304 = arith.mulf %unpack3A_302, %get3A_35 : vector<16xf32>
        %add3A_305 = arith.addf %add3A_289, %mul3A_304 : vector<16xf32>
        %mul3A_306 = arith.mulf %unpack3A_303, %get3A_37 : vector<16xf32>
        %add3A_307 = arith.addf %add3A_305, %mul3A_306 : vector<16xf32>
        %get3A_308 = arith.index_cast %scan3A_219 : i32 to index
        %get3A_309 = arith.constant 80 : index
        %get3A_310 = tpu.vector_load %arg15[%get3A_308, %get3A_309] {strides = array<i32>} : memref<64x256xf32, #tpu.memory_space<vmem>>, vector<16xf32>,
        %bitcast3A_311 = vector.bitcast %get3A_310 : vector<16xf32> to vector<32xbf16>
        %get3A_312 = arith.index_cast %scan3A_219 : i32 to index
        %get3A_313 = arith.constant 80 : index
        %get3A_314 = tpu.vector_load %arg16[%get3A_312, %get3A_313] {strides = array<i32>} : memref<64x256xf32, #tpu.memory_space<vmem>>, vector<16xf32>,
        %bitcast3A_315 = vector.bitcast %get3A_314 : vector<16xf32> to vector<32xbf16>
        %add3A_316 = arith.addf %bitcast3A_311, %bitcast3A_315 : vector<32xbf16>
        %max3A_317 = arith.constant 0.000000e+00 : bf16
        %max3A_318 = vector.broadcast %max3A_317 : bf16 to vector<32xbf16>
        %max3A_319 = arith.maximumf %add3A_316, %max3A_318 : vector<32xbf16>
        %unpack3A_320 = tpu.unpack_subelements %max3A_319, 0 {pack_format = #tpu.pack_format<interleaved>} : vector<32xbf16> -> vector<16xf32>
        %unpack3A_321 = tpu.unpack_subelements %max3A_319, 1 {pack_format = #tpu.pack_format<interleaved>} : vector<32xbf16> -> vector<16xf32>
        %mul3A_322 = arith.mulf %unpack3A_320, %get3A_39 : vector<16xf32>
        %add3A_323 = arith.addf %add3A_307, %mul3A_322 : vector<16xf32>
        %mul3A_324 = arith.mulf %unpack3A_321, %get3A_41 : vector<16xf32>
        %add3A_325 = arith.addf %add3A_323, %mul3A_324 : vector<16xf32>
        %get3A_326 = arith.index_cast %scan3A_219 : i32 to index
        %get3A_327 = arith.constant 96 : index
        %get3A_328 = tpu.vector_load %arg15[%get3A_326, %get3A_327] {strides = array<i32>} : memref<64x256xf32, #tpu.memory_space<vmem>>, vector<16xf32>,
        %bitcast3A_329 = vector.bitcast %get3A_328 : vector<16xf32> to vector<32xbf16>
        %get3A_330 = arith.index_cast %scan3A_219 : i32 to index
        %get3A_331 = arith.constant 96 : index
        %get3A_332 = tpu.vector_load %arg16[%get3A_330, %get3A_331] {strides = array<i32>} : memref<64x256xf32, #tpu.memory_space<vmem>>, vector<16xf32>,
        %bitcast3A_333 = vector.bitcast %get3A_332 : vector<16xf32> to vector<32xbf16>
        %add3A_334 = arith.addf %bitcast3A_329, %bitcast3A_333 : vector<32xbf16>
        %max3A_335 = arith.constant 0.000000e+00 : bf16
        %max3A_336 = vector.broadcast %max3A_335 : bf16 to vector<32xbf16>
        %max3A_337 = arith.maximumf %add3A_334, %max3A_336 : vector<32xbf16>
        %unpack3A_338 = tpu.unpack_subelements %max3A_337, 0 {pack_format = #tpu.pack_format<interleaved>} : vector<32xbf16> -> vector<16xf32>
        %unpack3A_339 = tpu.unpack_subelements %max3A_337, 1 {pack_format = #tpu.pack_format<interleaved>} : vector<32xbf16> -> vector<16xf32>
        %mul3A_340 = arith.mulf %unpack3A_338, %get3A_43 : vector<16xf32>
        %add3A_341 = arith.addf %add3A_325, %mul3A_340 : vector<16xf32>
        %mul3A_342 = arith.mulf %unpack3A_339, %get3A_45 : vector<16xf32>
        %add3A_343 = arith.addf %add3A_341, %mul3A_342 : vector<16xf32>
        %get3A_344 = arith.index_cast %scan3A_219 : i32 to index
        %get3A_345 = arith.constant 112 : index
        %get3A_346 = tpu.vector_load %arg15[%get3A_344, %get3A_345] {strides = array<i32>} : memref<64x256xf32, #tpu.memory_space<vmem>>, vector<16xf32>,
        %bitcast3A_347 = vector.bitcast %get3A_346 : vector<16xf32> to vector<32xbf16>
        %get3A_348 = arith.index_cast %scan3A_219 : i32 to index
        %get3A_349 = arith.constant 112 : index
        %get3A_350 = tpu.vector_load %arg16[%get3A_348, %get3A_349] {strides = array<i32>} : memref<64x256xf32, #tpu.memory_space<vmem>>, vector<16xf32>,
        %bitcast3A_351 = vector.bitcast %get3A_350 : vector<16xf32> to vector<32xbf16>
        %add3A_352 = arith.addf %bitcast3A_347, %bitcast3A_351 : vector<32xbf16>
        %max3A_353 = arith.constant 0.000000e+00 : bf16
        %max3A_354 = vector.broadcast %max3A_353 : bf16 to vector<32xbf16>
        %max3A_355 = arith.maximumf %add3A_352, %max3A_354 : vector<32xbf16>
        %unpack3A_356 = tpu.unpack_subelements %max3A_355, 0 {pack_format = #tpu.pack_format<interleaved>} : vector<32xbf16> -> vector<16xf32>
        %unpack3A_357 = tpu.unpack_subelements %max3A_355, 1 {pack_format = #tpu.pack_format<interleaved>} : vector<32xbf16> -> vector<16xf32>
        %mul3A_358 = arith.mulf %unpack3A_356, %get3A_47 : vector<16xf32>
        %add3A_359 = arith.addf %add3A_343, %mul3A_358 : vector<16xf32>
        %mul3A_360 = arith.mulf %unpack3A_357, %get3A_49 : vector<16xf32>
        %add3A_361 = arith.addf %add3A_359, %mul3A_360 : vector<16xf32>
        %get3A_362 = arith.index_cast %scan3A_219 : i32 to index
        %get3A_363 = arith.constant 128 : index
        %get3A_364 = tpu.vector_load %arg15[%get3A_362, %get3A_363] {strides = array<i32>} : memref<64x256xf32, #tpu.memory_space<vmem>>, vector<16xf32>,
        %bitcast3A_365 = vector.bitcast %get3A_364 : vector<16xf32> to vector<32xbf16>
        %get3A_366 = arith.index_cast %scan3A_219 : i32 to index
        %get3A_367 = arith.constant 128 : index
        %get3A_368 = tpu.vector_load %arg16[%get3A_366, %get3A_367] {strides = array<i32>} : memref<64x256xf32, #tpu.memory_space<vmem>>, vector<16xf32>,
        %bitcast3A_369 = vector.bitcast %get3A_368 : vector<16xf32> to vector<32xbf16>
        %add3A_370 = arith.addf %bitcast3A_365, %bitcast3A_369 : vector<32xbf16>
        %max3A_371 = arith.constant 0.000000e+00 : bf16
        %max3A_372 = vector.broadcast %max3A_371 : bf16 to vector<32xbf16>
        %max3A_373 = arith.maximumf %add3A_370, %max3A_372 : vector<32xbf16>
        %unpack3A_374 = tpu.unpack_subelements %max3A_373, 0 {pack_format = #tpu.pack_format<interleaved>} : vector<32xbf16> -> vector<16xf32>
        %unpack3A_375 = tpu.unpack_subelements %max3A_373, 1 {pack_format = #tpu.pack_format<interleaved>} : vector<32xbf16> -> vector<16xf32>
        %mul3A_376 = arith.mulf %unpack3A_374, %get3A_51 : vector<16xf32>
        %add3A_377 = arith.addf %add3A_361, %mul3A_376 : vector<16xf32>
        %mul3A_378 = arith.mulf %unpack3A_375, %get3A_53 : vector<16xf32>
        %add3A_379 = arith.addf %add3A_377, %mul3A_378 : vector<16xf32>
        %get3A_380 = arith.index_cast %scan3A_219 : i32 to index
        %get3A_381 = arith.constant 144 : index
        %get3A_382 = tpu.vector_load %arg15[%get3A_380, %get3A_381] {strides = array<i32>} : memref<64x256xf32, #tpu.memory_space<vmem>>, vector<16xf32>,
        %bitcast3A_383 = vector.bitcast %get3A_382 : vector<16xf32> to vector<32xbf16>
        %get3A_384 = arith.index_cast %scan3A_219 : i32 to index
        %get3A_385 = arith.constant 144 : index
        %get3A_386 = tpu.vector_load %arg16[%get3A_384, %get3A_385] {strides = array<i32>} : memref<64x256xf32, #tpu.memory_space<vmem>>, vector<16xf32>,
        %bitcast3A_387 = vector.bitcast %get3A_386 : vector<16xf32> to vector<32xbf16>
        %add3A_388 = arith.addf %bitcast3A_383, %bitcast3A_387 : vector<32xbf16>
        %max3A_389 = arith.constant 0.000000e+00 : bf16
        %max3A_390 = vector.broadcast %max3A_389 : bf16 to vector<32xbf16>
        %max3A_391 = arith.maximumf %add3A_388, %max3A_390 : vector<32xbf16>
        %unpack3A_392 = tpu.unpack_subelements %max3A_391, 0 {pack_format = #tpu.pack_format<interleaved>} : vector<32xbf16> -> vector<16xf32>
        %unpack3A_393 = tpu.unpack_subelements %max3A_391, 1 {pack_format = #tpu.pack_format<interleaved>} : vector<32xbf16> -> vector<16xf32>
        %mul3A_394 = arith.mulf %unpack3A_392, %get3A_55 : vector<16xf32>
        %add3A_395 = arith.addf %add3A_379, %mul3A_394 : vector<16xf32>
        %mul3A_396 = arith.mulf %unpack3A_393, %get3A_57 : vector<16xf32>
        %add3A_397 = arith.addf %add3A_395, %mul3A_396 : vector<16xf32>
        %get3A_398 = arith.index_cast %scan3A_219 : i32 to index
        %get3A_399 = arith.constant 160 : index
        %get3A_400 = tpu.vector_load %arg15[%get3A_398, %get3A_399] {strides = array<i32>} : memref<64x256xf32, #tpu.memory_space<vmem>>, vector<16xf32>,
        %bitcast3A_401 = vector.bitcast %get3A_400 : vector<16xf32> to vector<32xbf16>
        %get3A_402 = arith.index_cast %scan3A_219 : i32 to index
        %get3A_403 = arith.constant 160 : index
        %get3A_404 = tpu.vector_load %arg16[%get3A_402, %get3A_403] {strides = array<i32>} : memref<64x256xf32, #tpu.memory_space<vmem>>, vector<16xf32>,
        %bitcast3A_405 = vector.bitcast %get3A_404 : vector<16xf32> to vector<32xbf16>
        %add3A_406 = arith.addf %bitcast3A_401, %bitcast3A_405 : vector<32xbf16>
        %max3A_407 = arith.constant 0.000000e+00 : bf16
        %max3A_408 = vector.broadcast %max3A_407 : bf16 to vector<32xbf16>
        %max3A_409 = arith.maximumf %add3A_406, %max3A_408 : vector<32xbf16>
        %unpack3A_410 = tpu.unpack_subelements %max3A_409, 0 {pack_format = #tpu.pack_format<interleaved>} : vector<32xbf16> -> vector<16xf32>
        %unpack3A_411 = tpu.unpack_subelements %max3A_409, 1 {pack_format = #tpu.pack_format<interleaved>} : vector<32xbf16> -> vector<16xf32>
        %mul3A_412 = arith.mulf %unpack3A_410, %get3A_59 : vector<16xf32>
        %add3A_413 = arith.addf %add3A_397, %mul3A_412 : vector<16xf32>
        %mul3A_414 = arith.mulf %unpack3A_411, %get3A_61 : vector<16xf32>
        %add3A_415 = arith.addf %add3A_413, %mul3A_414 : vector<16xf32>
        %get3A_416 = arith.index_cast %scan3A_219 : i32 to index
        %get3A_417 = arith.constant 176 : index
        %get3A_418 = tpu.vector_load %arg15[%get3A_416, %get3A_417] {strides = array<i32>} : memref<64x256xf32, #tpu.memory_space<vmem>>, vector<16xf32>,
        %bitcast3A_419 = vector.bitcast %get3A_418 : vector<16xf32> to vector<32xbf16>
        %get3A_420 = arith.index_cast %scan3A_219 : i32 to index
        %get3A_421 = arith.constant 176 : index
        %get3A_422 = tpu.vector_load %arg16[%get3A_420, %get3A_421] {strides = array<i32>} : memref<64x256xf32, #tpu.memory_space<vmem>>, vector<16xf32>,
        %bitcast3A_423 = vector.bitcast %get3A_422 : vector<16xf32> to vector<32xbf16>
        %add3A_424 = arith.addf %bitcast3A_419, %bitcast3A_423 : vector<32xbf16>
        %max3A_425 = arith.constant 0.000000e+00 : bf16
        %max3A_426 = vector.broadcast %max3A_425 : bf16 to vector<32xbf16>
        %max3A_427 = arith.maximumf %add3A_424, %max3A_426 : vector<32xbf16>
        %unpack3A_428 = tpu.unpack_subelements %max3A_427, 0 {pack_format = #tpu.pack_format<interleaved>} : vector<32xbf16> -> vector<16xf32>
        %unpack3A_429 = tpu.unpack_subelements %max3A_427, 1 {pack_format = #tpu.pack_format<interleaved>} : vector<32xbf16> -> vector<16xf32>
        %mul3A_430 = arith.mulf %unpack3A_428, %get3A_63 : vector<16xf32>
        %add3A_431 = arith.addf %add3A_415, %mul3A_430 : vector<16xf32>
        %mul3A_432 = arith.mulf %unpack3A_429, %get3A_65 : vector<16xf32>
        %add3A_433 = arith.addf %add3A_431, %mul3A_432 : vector<16xf32>
        %get3A_434 = arith.index_cast %scan3A_219 : i32 to index
        %get3A_435 = arith.constant 192 : index
        %get3A_436 = tpu.vector_load %arg15[%get3A_434, %get3A_435] {strides = array<i32>} : memref<64x256xf32, #tpu.memory_space<vmem>>, vector<16xf32>,
        %bitcast3A_437 = vector.bitcast %get3A_436 : vector<16xf32> to vector<32xbf16>
        %get3A_438 = arith.index_cast %scan3A_219 : i32 to index
        %get3A_439 = arith.constant 192 : index
        %get3A_440 = tpu.vector_load %arg16[%get3A_438, %get3A_439] {strides = array<i32>} : memref<64x256xf32, #tpu.memory_space<vmem>>, vector<16xf32>,
        %bitcast3A_441 = vector.bitcast %get3A_440 : vector<16xf32> to vector<32xbf16>
        %add3A_442 = arith.addf %bitcast3A_437, %bitcast3A_441 : vector<32xbf16>
        %max3A_443 = arith.constant 0.000000e+00 : bf16
        %max3A_444 = vector.broadcast %max3A_443 : bf16 to vector<32xbf16>
        %max3A_445 = arith.maximumf %add3A_442, %max3A_444 : vector<32xbf16>
        %unpack3A_446 = tpu.unpack_subelements %max3A_445, 0 {pack_format = #tpu.pack_format<interleaved>} : vector<32xbf16> -> vector<16xf32>
        %unpack3A_447 = tpu.unpack_subelements %max3A_445, 1 {pack_format = #tpu.pack_format<interleaved>} : vector<32xbf16> -> vector<16xf32>
        %mul3A_448 = arith.mulf %unpack3A_446, %get3A_67 : vector<16xf32>
        %add3A_449 = arith.addf %add3A_433, %mul3A_448 : vector<16xf32>
        %mul3A_450 = arith.mulf %unpack3A_447, %get3A_69 : vector<16xf32>
        %add3A_451 = arith.addf %add3A_449, %mul3A_450 : vector<16xf32>
        %get3A_452 = arith.index_cast %scan3A_219 : i32 to index
        %get3A_453 = arith.constant 208 : index
        %get3A_454 = tpu.vector_load %arg15[%get3A_452, %get3A_453] {strides = array<i32>} : memref<64x256xf32, #tpu.memory_space<vmem>>, vector<16xf32>,
        %bitcast3A_455 = vector.bitcast %get3A_454 : vector<16xf32> to vector<32xbf16>
        %get3A_456 = arith.index_cast %scan3A_219 : i32 to index
        %get3A_457 = arith.constant 208 : index
        %get3A_458 = tpu.vector_load %arg16[%get3A_456, %get3A_457] {strides = array<i32>} : memref<64x256xf32, #tpu.memory_space<vmem>>, vector<16xf32>,
        %bitcast3A_459 = vector.bitcast %get3A_458 : vector<16xf32> to vector<32xbf16>
        %add3A_460 = arith.addf %bitcast3A_455, %bitcast3A_459 : vector<32xbf16>
        %max3A_461 = arith.constant 0.000000e+00 : bf16
        %max3A_462 = vector.broadcast %max3A_461 : bf16 to vector<32xbf16>
        %max3A_463 = arith.maximumf %add3A_460, %max3A_462 : vector<32xbf16>
        %unpack3A_464 = tpu.unpack_subelements %max3A_463, 0 {pack_format = #tpu.pack_format<interleaved>} : vector<32xbf16> -> vector<16xf32>
        %unpack3A_465 = tpu.unpack_subelements %max3A_463, 1 {pack_format = #tpu.pack_format<interleaved>} : vector<32xbf16> -> vector<16xf32>
        %mul3A_466 = arith.mulf %unpack3A_464, %get3A_71 : vector<16xf32>
        %add3A_467 = arith.addf %add3A_451, %mul3A_466 : vector<16xf32>
        %mul3A_468 = arith.mulf %unpack3A_465, %get3A_73 : vector<16xf32>
        %add3A_469 = arith.addf %add3A_467, %mul3A_468 : vector<16xf32>
        %get3A_470 = arith.index_cast %scan3A_219 : i32 to index
        %get3A_471 = arith.constant 224 : index
        %get3A_472 = tpu.vector_load %arg15[%get3A_470, %get3A_471] {strides = array<i32>} : memref<64x256xf32, #tpu.memory_space<vmem>>, vector<16xf32>,
        %bitcast3A_473 = vector.bitcast %get3A_472 : vector<16xf32> to vector<32xbf16>
        %get3A_474 = arith.index_cast %scan3A_219 : i32 to index
        %get3A_475 = arith.constant 224 : index
        %get3A_476 = tpu.vector_load %arg16[%get3A_474, %get3A_475] {strides = array<i32>} : memref<64x256xf32, #tpu.memory_space<vmem>>, vector<16xf32>,
        %bitcast3A_477 = vector.bitcast %get3A_476 : vector<16xf32> to vector<32xbf16>
        %add3A_478 = arith.addf %bitcast3A_473, %bitcast3A_477 : vector<32xbf16>
        %max3A_479 = arith.constant 0.000000e+00 : bf16
        %max3A_480 = vector.broadcast %max3A_479 : bf16 to vector<32xbf16>
        %max3A_481 = arith.maximumf %add3A_478, %max3A_480 : vector<32xbf16>
        %unpack3A_482 = tpu.unpack_subelements %max3A_481, 0 {pack_format = #tpu.pack_format<interleaved>} : vector<32xbf16> -> vector<16xf32>
        %unpack3A_483 = tpu.unpack_subelements %max3A_481, 1 {pack_format = #tpu.pack_format<interleaved>} : vector<32xbf16> -> vector<16xf32>
        %mul3A_484 = arith.mulf %unpack3A_482, %get3A_75 : vector<16xf32>
        %add3A_485 = arith.addf %add3A_469, %mul3A_484 : vector<16xf32>
        %mul3A_486 = arith.mulf %unpack3A_483, %get3A_77 : vector<16xf32>
        %add3A_487 = arith.addf %add3A_485, %mul3A_486 : vector<16xf32>
        %get3A_488 = arith.index_cast %scan3A_219 : i32 to index
        %get3A_489 = arith.constant 240 : index
        %get3A_490 = tpu.vector_load %arg15[%get3A_488, %get3A_489] {strides = array<i32>} : memref<64x256xf32, #tpu.memory_space<vmem>>, vector<16xf32>,
        %bitcast3A_491 = vector.bitcast %get3A_490 : vector<16xf32> to vector<32xbf16>
        %get3A_492 = arith.index_cast %scan3A_219 : i32 to index
        %get3A_493 = arith.constant 240 : index
        %get3A_494 = tpu.vector_load %arg16[%get3A_492, %get3A_493] {strides = array<i32>} : memref<64x256xf32, #tpu.memory_space<vmem>>, vector<16xf32>,
        %bitcast3A_495 = vector.bitcast %get3A_494 : vector<16xf32> to vector<32xbf16>
        %add3A_496 = arith.addf %bitcast3A_491, %bitcast3A_495 : vector<32xbf16>
        %max3A_497 = arith.constant 0.000000e+00 : bf16
        %max3A_498 = vector.broadcast %max3A_497 : bf16 to vector<32xbf16>
        %max3A_499 = arith.maximumf %add3A_496, %max3A_498 : vector<32xbf16>
        %unpack3A_500 = tpu.unpack_subelements %max3A_499, 0 {pack_format = #tpu.pack_format<interleaved>} : vector<32xbf16> -> vector<16xf32>
        %unpack3A_501 = tpu.unpack_subelements %max3A_499, 1 {pack_format = #tpu.pack_format<interleaved>} : vector<32xbf16> -> vector<16xf32>
        %mul3A_502 = arith.mulf %unpack3A_500, %get3A_79 : vector<16xf32>
        %add3A_503 = arith.addf %add3A_487, %mul3A_502 : vector<16xf32>
        %mul3A_504 = arith.mulf %unpack3A_501, %get3A_81 : vector<16xf32>
        %add3A_505 = arith.addf %add3A_503, %mul3A_504 : vector<16xf32>
        %mul3A_506 = arith.constant 16 : i32
        %mul3A_507 = arith.muli %scan3A_219, %mul3A_506 : i32
        %swap3A = arith.index_cast %mul3A_507 : i32 to index
        %swap3A_508 = tpu.vector_load %arg17[%swap3A] {strides = array<i32>} : memref<1024xf32, #tpu.memory_space<vmem>>, vector<16xf32>,
        tpu.vector_store %arg17[%swap3A], %add3A_505 {strides = array<i32>} : memref<1024xf32, #tpu.memory_space<vmem>>, vector<16xf32>,
        %scan3A_509 = arith.constant 0 : i32
        scf.yield %scan3A_509 : i32
      }
      %scan3A_210 = arith.constant 64 : i32
      %scan3A_211 = arith.constant 0 : i32
      %scan3A_212 = arith.constant 0 : i32
      %scan3A_213 = arith.constant 4 : i32
      %scan3A_214 = arith.addi %scan3A_212, %scan3A_213 : i32
      %scan3A_215 = arith.constant 1 : i32
      %scan3A_216 = scf.for %scan3A_219 = %scan3A_212 to %scan3A_214 step %scan3A_215 iter_args(%scan3A_220 = %scan3A_211) -> (i32)  : i32 {
        %mul3A_221 = arith.constant 16 : i32
        %mul3A_222 = arith.muli %scan3A_219, %mul3A_221 : i32
        %add3A_223 = vector.broadcast %mul3A_222 : i32 to vector<16xi32>
        %add3A_224 = arith.addi %add3A_223, %iota3A : vector<16xi32>
        %mul3A_225 = arith.constant 16 : i32
        %mul3A_226 = vector.broadcast %mul3A_225 : i32 to vector<16xi32>
        %mul3A_227 = arith.muli %add3A_224, %mul3A_226 : vector<16xi32>
        %broadcast_in_dim3A_228 = arith.constant 0.000000e+00 : f32
        %broadcast_in_dim3A_229 = vector.broadcast %broadcast_in_dim3A_228 : f32 to vector<16xf32>
        %add3A_230 = arith.constant 0 : i32
        %add3A_231 = vector.broadcast %add3A_230 : i32 to vector<16xi32>
        %add3A_232 = arith.addi %mul3A_227, %add3A_231 : vector<16xi32>
        %gather3A = tpu.vector_load_idx %arg17[%add3A_232] : memref<1024xf32, #tpu.memory_space<vmem>>[vector<16xi32>], vector<16xf32>,
        %add3A_233 = arith.addf %broadcast_in_dim3A_229, %gather3A : vector<16xf32>
        %add3A_234 = arith.constant 1 : i32
        %add3A_235 = vector.broadcast %add3A_234 : i32 to vector<16xi32>
        %add3A_236 = arith.addi %mul3A_227, %add3A_235 : vector<16xi32>
        %gather3A_237 = tpu.vector_load_idx %arg17[%add3A_236] : memref<1024xf32, #tpu.memory_space<vmem>>[vector<16xi32>], vector<16xf32>,
        %add3A_238 = arith.addf %add3A_233, %gather3A_237 : vector<16xf32>
        %add3A_239 = arith.constant 2 : i32
        %add3A_240 = vector.broadcast %add3A_239 : i32 to vector<16xi32>
        %add3A_241 = arith.addi %mul3A_227, %add3A_240 : vector<16xi32>
        %gather3A_242 = tpu.vector_load_idx %arg17[%add3A_241] : memref<1024xf32, #tpu.memory_space<vmem>>[vector<16xi32>], vector<16xf32>,
        %add3A_243 = arith.addf %add3A_238, %gather3A_242 : vector<16xf32>
        %add3A_244 = arith.constant 3 : i32
        %add3A_245 = vector.broadcast %add3A_244 : i32 to vector<16xi32>
        %add3A_246 = arith.addi %mul3A_227, %add3A_245 : vector<16xi32>
        %gather3A_247 = tpu.vector_load_idx %arg17[%add3A_246] : memref<1024xf32, #tpu.memory_space<vmem>>[vector<16xi32>], vector<16xf32>,
        %add3A_248 = arith.addf %add3A_243, %gather3A_247 : vector<16xf32>
        %add3A_249 = arith.constant 4 : i32
        %add3A_250 = vector.broadcast %add3A_249 : i32 to vector<16xi32>
        %add3A_251 = arith.addi %mul3A_227, %add3A_250 : vector<16xi32>
        %gather3A_252 = tpu.vector_load_idx %arg17[%add3A_251] : memref<1024xf32, #tpu.memory_space<vmem>>[vector<16xi32>], vector<16xf32>,
        %add3A_253 = arith.addf %add3A_248, %gather3A_252 : vector<16xf32>
        %add3A_254 = arith.constant 5 : i32
        %add3A_255 = vector.broadcast %add3A_254 : i32 to vector<16xi32>
        %add3A_256 = arith.addi %mul3A_227, %add3A_255 : vector<16xi32>
        %gather3A_257 = tpu.vector_load_idx %arg17[%add3A_256] : memref<1024xf32, #tpu.memory_space<vmem>>[vector<16xi32>], vector<16xf32>,
        %add3A_258 = arith.addf %add3A_253, %gather3A_257 : vector<16xf32>
        %add3A_259 = arith.constant 6 : i32
        %add3A_260 = vector.broadcast %add3A_259 : i32 to vector<16xi32>
        %add3A_261 = arith.addi %mul3A_227, %add3A_260 : vector<16xi32>
        %gather3A_262 = tpu.vector_load_idx %arg17[%add3A_261] : memref<1024xf32, #tpu.memory_space<vmem>>[vector<16xi32>], vector<16xf32>,
        %add3A_263 = arith.addf %add3A_258, %gather3A_262 : vector<16xf32>
        %add3A_264 = arith.constant 7 : i32
        %add3A_265 = vector.broadcast %add3A_264 : i32 to vector<16xi32>
        %add3A_266 = arith.addi %mul3A_227, %add3A_265 : vector<16xi32>
        %gather3A_267 = tpu.vector_load_idx %arg17[%add3A_266] : memref<1024xf32, #tpu.memory_space<vmem>>[vector<16xi32>], vector<16xf32>,
        %add3A_268 = arith.addf %add3A_263, %gather3A_267 : vector<16xf32>
        %add3A_269 = arith.constant 8 : i32
        %add3A_270 = vector.broadcast %add3A_269 : i32 to vector<16xi32>
        %add3A_271 = arith.addi %mul3A_227, %add3A_270 : vector<16xi32>
        %gather3A_272 = tpu.vector_load_idx %arg17[%add3A_271] : memref<1024xf32, #tpu.memory_space<vmem>>[vector<16xi32>], vector<16xf32>,
        %add3A_273 = arith.addf %add3A_268, %gather3A_272 : vector<16xf32>
        %add3A_274 = arith.constant 9 : i32
        %add3A_275 = vector.broadcast %add3A_274 : i32 to vector<16xi32>
        %add3A_276 = arith.addi %mul3A_227, %add3A_275 : vector<16xi32>
        %gather3A_277 = tpu.vector_load_idx %arg17[%add3A_276] : memref<1024xf32, #tpu.memory_space<vmem>>[vector<16xi32>], vector<16xf32>,
        %add3A_278 = arith.addf %add3A_273, %gather3A_277 : vector<16xf32>
        %add3A_279 = arith.constant 10 : i32
        %add3A_280 = vector.broadcast %add3A_279 : i32 to vector<16xi32>
        %add3A_281 = arith.addi %mul3A_227, %add3A_280 : vector<16xi32>
        %gather3A_282 = tpu.vector_load_idx %arg17[%add3A_281] : memref<1024xf32, #tpu.memory_space<vmem>>[vector<16xi32>], vector<16xf32>,
        %add3A_283 = arith.addf %add3A_278, %gather3A_282 : vector<16xf32>
        %add3A_284 = arith.constant 11 : i32
        %add3A_285 = vector.broadcast %add3A_284 : i32 to vector<16xi32>
        %add3A_286 = arith.addi %mul3A_227, %add3A_285 : vector<16xi32>
        %gather3A_287 = tpu.vector_load_idx %arg17[%add3A_286] : memref<1024xf32, #tpu.memory_space<vmem>>[vector<16xi32>], vector<16xf32>,
        %add3A_288 = arith.addf %add3A_283, %gather3A_287 : vector<16xf32>
        %add3A_289 = arith.constant 12 : i32
        %add3A_290 = vector.broadcast %add3A_289 : i32 to vector<16xi32>
        %add3A_291 = arith.addi %mul3A_227, %add3A_290 : vector<16xi32>
        %gather3A_292 = tpu.vector_load_idx %arg17[%add3A_291] : memref<1024xf32, #tpu.memory_space<vmem>>[vector<16xi32>], vector<16xf32>,
        %add3A_293 = arith.addf %add3A_288, %gather3A_292 : vector<16xf32>
        %add3A_294 = arith.constant 13 : i32
        %add3A_295 = vector.broadcast %add3A_294 : i32 to vector<16xi32>
        %add3A_296 = arith.addi %mul3A_227, %add3A_295 : vector<16xi32>
        %gather3A_297 = tpu.vector_load_idx %arg17[%add3A_296] : memref<1024xf32, #tpu.memory_space<vmem>>[vector<16xi32>], vector<16xf32>,
        %add3A_298 = arith.addf %add3A_293, %gather3A_297 : vector<16xf32>
        %add3A_299 = arith.constant 14 : i32
        %add3A_300 = vector.broadcast %add3A_299 : i32 to vector<16xi32>
        %add3A_301 = arith.addi %mul3A_227, %add3A_300 : vector<16xi32>
        %gather3A_302 = tpu.vector_load_idx %arg17[%add3A_301] : memref<1024xf32, #tpu.memory_space<vmem>>[vector<16xi32>], vector<16xf32>,
        %add3A_303 = arith.addf %add3A_298, %gather3A_302 : vector<16xf32>
        %add3A_304 = arith.constant 15 : i32
        %add3A_305 = vector.broadcast %add3A_304 : i32 to vector<16xi32>
        %add3A_306 = arith.addi %mul3A_227, %add3A_305 : vector<16xi32>
        %gather3A_307 = tpu.vector_load_idx %arg17[%add3A_306] : memref<1024xf32, #tpu.memory_space<vmem>>[vector<16xi32>], vector<16xf32>,
        %add3A_308 = arith.addf %add3A_303, %gather3A_307 : vector<16xf32>
        %mul3A_309 = arith.constant 64 : i32
        %mul3A_310 = arith.muli %add3A_203, %mul3A_309 : i32
        %mul3A_311 = arith.constant 16 : i32
        %mul3A_312 = arith.muli %scan3A_219, %mul3A_311 : i32
        %add3A_313 = arith.addi %mul3A_310, %mul3A_312 : i32
        %get3A_314 = arith.index_cast %add3A_313 : i32 to index
        %get3A_315 = tpu.vector_load %arg12[%get3A_314] {strides = array<i32>} : memref<5888xi32, #tpu.memory_space<vmem>>, vector<16xi32>,
        tpu.vector_store_idx %arg20[%get3A_315], %add3A_308 {add = true} : memref<10240xf32, #tpu.memory_space<vmem>>[vector<16xi32>], vector<16xf32>,
        %scan3A_316 = arith.constant 0 : i32
        scf.yield %scan3A_316 : i32
      }
      %scan3A_217 = arith.constant 4 : i32
      %while3A_218 = arith.constant 0 : i32
      scf.yield %while3A_218 : i32
    }
    %while3A_123 = arith.constant 1 : i32
    %while3A_124 = scf.for %while3A_134 = %while3A_120 to %while3A_116 step %while3A_123 iter_args(%while3A_135 = %while3A_122) -> (i32)  : i32 {
      %mul3A_136 = arith.constant 2 : i32
      %mul3A_137 = arith.muli %while3A_134, %mul3A_136 : i32
      %add3A_138 = arith.constant 1 : i32
      %add3A_139 = arith.addi %mul3A_137, %add3A_138 : i32
      %sub3A_140 = arith.constant 1 : i32
      %sub3A_141 = arith.subi %select_n3A_18, %sub3A_140 : i32
      %min3A_142 = arith.minsi %add3A_139, %sub3A_141 : i32
      %mul3A_143 = arith.constant 64 : i32
      %mul3A_144 = arith.muli %min3A_142, %mul3A_143 : i32
      %dma_start3A_145 = tpu.memref_slice %arg10[%mul3A_144] : memref<5888xi32, #tpu.memory_space<vmem>> -> memref<64xi32, #tpu.memory_space<vmem>>
      %dma_start3A_146 = arith.constant 0 : i32
      %dma_start3A_147 = arith.constant 0 : i32
      %dma_start3A_148 = tpu.memref_slice %arg2[%dma_start3A_146, %dma_start3A_147] : memref<10000x256xf32, #tpu.memory_space<hbm>> -> memref<10000x256xf32, #tpu.memory_space<hbm>>
      tpu.enqueue_indirect_dma source(%dma_start3A_148 : memref<10000x256xf32, #tpu.memory_space<hbm>>) target(%arg15 : memref<64x256xf32, #tpu.memory_space<vmem>>) offsets(%dma_start3A_145 : memref<64xi32, #tpu.memory_space<vmem>>) semaphore(%arg23 : memref<!tpu.dma_semaphore, #tpu.memory_space<semaphore_mem>>)
      %dma_start3A_149 = tpu.memref_slice %arg11[%mul3A_144] : memref<5888xi32, #tpu.memory_space<vmem>> -> memref<64xi32, #tpu.memory_space<vmem>>
      %dma_start3A_150 = arith.constant 0 : i32
      %dma_start3A_151 = arith.constant 0 : i32
      %dma_start3A_152 = tpu.memref_slice %arg3[%dma_start3A_150, %dma_start3A_151] : memref<10000x256xf32, #tpu.memory_space<hbm>> -> memref<10000x256xf32, #tpu.memory_space<hbm>>
      tpu.enqueue_indirect_dma source(%dma_start3A_152 : memref<10000x256xf32, #tpu.memory_space<hbm>>) target(%arg16 : memref<64x256xf32, #tpu.memory_space<vmem>>) offsets(%dma_start3A_149 : memref<64xi32, #tpu.memory_space<vmem>>) semaphore(%arg24 : memref<!tpu.dma_semaphore, #tpu.memory_space<semaphore_mem>>)
      %dma_wait3A_153 = arith.constant 0 : i32
      %dma_wait3A_154 = tpu.memref_slice %arg10[%dma_wait3A_153] : memref<5888xi32, #tpu.memory_space<vmem>> -> memref<64xi32, #tpu.memory_space<vmem>>
      %dma_wait3A_155 = arith.constant 0 : i32
      %dma_wait3A_156 = arith.constant 0 : i32
      %dma_wait3A_157 = tpu.memref_slice %arg2[%dma_wait3A_155, %dma_wait3A_156] : memref<10000x256xf32, #tpu.memory_space<hbm>> -> memref<10000x256xf32, #tpu.memory_space<hbm>>
      tpu.wait_indirect_dma semaphore(%arg21 : memref<!tpu.dma_semaphore, #tpu.memory_space<semaphore_mem>>) src(%dma_wait3A_157 : memref<10000x256xf32, #tpu.memory_space<hbm>>) dst(%arg13 : memref<64x256xf32, #tpu.memory_space<vmem>>)
      %dma_wait3A_158 = arith.constant 0 : i32
      %dma_wait3A_159 = tpu.memref_slice %arg11[%dma_wait3A_158] : memref<5888xi32, #tpu.memory_space<vmem>> -> memref<64xi32, #tpu.memory_space<vmem>>
      %dma_wait3A_160 = arith.constant 0 : i32
      %dma_wait3A_161 = arith.constant 0 : i32
      %dma_wait3A_162 = tpu.memref_slice %arg3[%dma_wait3A_160, %dma_wait3A_161] : memref<10000x256xf32, #tpu.memory_space<hbm>> -> memref<10000x256xf32, #tpu.memory_space<hbm>>
      tpu.wait_indirect_dma semaphore(%arg22 : memref<!tpu.dma_semaphore, #tpu.memory_space<semaphore_mem>>) src(%dma_wait3A_162 : memref<10000x256xf32, #tpu.memory_space<hbm>>) dst(%arg14 : memref<64x256xf32, #tpu.memory_space<vmem>>)
      %scan3A_163 = arith.constant 0 : i32
      %scan3A_164 = arith.constant 0 : i32
      %scan3A_165 = arith.constant 64 : i32
      %scan3A_166 = arith.addi %scan3A_164, %scan3A_165 : i32
      %scan3A_167 = arith.constant 1 : i32
      %scan3A_168 = scf.for %scan3A_219 = %scan3A_164 to %scan3A_166 step %scan3A_167 iter_args(%scan3A_220 = %scan3A_163) -> (i32)  : i32 {
        %get3A_221 = arith.index_cast %scan3A_219 : i32 to index
        %get3A_222 = arith.constant 0 : index
        %get3A_223 = tpu.vector_load %arg13[%get3A_221, %get3A_222] {strides = array<i32>} : memref<64x256xf32, #tpu.memory_space<vmem>>, vector<16xf32>,
        %bitcast3A = vector.bitcast %get3A_223 : vector<16xf32> to vector<32xbf16>
        %get3A_224 = arith.index_cast %scan3A_219 : i32 to index
        %get3A_225 = arith.constant 0 : index
        %get3A_226 = tpu.vector_load %arg14[%get3A_224, %get3A_225] {strides = array<i32>} : memref<64x256xf32, #tpu.memory_space<vmem>>, vector<16xf32>,
        %bitcast3A_227 = vector.bitcast %get3A_226 : vector<16xf32> to vector<32xbf16>
        %add3A_228 = arith.addf %bitcast3A, %bitcast3A_227 : vector<32xbf16>
        %max3A = arith.constant 0.000000e+00 : bf16
        %max3A_229 = vector.broadcast %max3A : bf16 to vector<32xbf16>
        %max3A_230 = arith.maximumf %add3A_228, %max3A_229 : vector<32xbf16>
        %unpack3A = tpu.unpack_subelements %max3A_230, 0 {pack_format = #tpu.pack_format<interleaved>} : vector<32xbf16> -> vector<16xf32>
        %unpack3A_231 = tpu.unpack_subelements %max3A_230, 1 {pack_format = #tpu.pack_format<interleaved>} : vector<32xbf16> -> vector<16xf32>
        %mul3A_232 = arith.mulf %unpack3A, %get3A_19 : vector<16xf32>
        %add3A_233 = arith.addf %get3A_83, %mul3A_232 : vector<16xf32>
        %mul3A_234 = arith.mulf %unpack3A_231, %get3A_21 : vector<16xf32>
        %add3A_235 = arith.addf %add3A_233, %mul3A_234 : vector<16xf32>
        %get3A_236 = arith.index_cast %scan3A_219 : i32 to index
        %get3A_237 = arith.constant 16 : index
        %get3A_238 = tpu.vector_load %arg13[%get3A_236, %get3A_237] {strides = array<i32>} : memref<64x256xf32, #tpu.memory_space<vmem>>, vector<16xf32>,
        %bitcast3A_239 = vector.bitcast %get3A_238 : vector<16xf32> to vector<32xbf16>
        %get3A_240 = arith.index_cast %scan3A_219 : i32 to index
        %get3A_241 = arith.constant 16 : index
        %get3A_242 = tpu.vector_load %arg14[%get3A_240, %get3A_241] {strides = array<i32>} : memref<64x256xf32, #tpu.memory_space<vmem>>, vector<16xf32>,
        %bitcast3A_243 = vector.bitcast %get3A_242 : vector<16xf32> to vector<32xbf16>
        %add3A_244 = arith.addf %bitcast3A_239, %bitcast3A_243 : vector<32xbf16>
        %max3A_245 = arith.constant 0.000000e+00 : bf16
        %max3A_246 = vector.broadcast %max3A_245 : bf16 to vector<32xbf16>
        %max3A_247 = arith.maximumf %add3A_244, %max3A_246 : vector<32xbf16>
        %unpack3A_248 = tpu.unpack_subelements %max3A_247, 0 {pack_format = #tpu.pack_format<interleaved>} : vector<32xbf16> -> vector<16xf32>
        %unpack3A_249 = tpu.unpack_subelements %max3A_247, 1 {pack_format = #tpu.pack_format<interleaved>} : vector<32xbf16> -> vector<16xf32>
        %mul3A_250 = arith.mulf %unpack3A_248, %get3A_23 : vector<16xf32>
        %add3A_251 = arith.addf %add3A_235, %mul3A_250 : vector<16xf32>
        %mul3A_252 = arith.mulf %unpack3A_249, %get3A_25 : vector<16xf32>
        %add3A_253 = arith.addf %add3A_251, %mul3A_252 : vector<16xf32>
        %get3A_254 = arith.index_cast %scan3A_219 : i32 to index
        %get3A_255 = arith.constant 32 : index
        %get3A_256 = tpu.vector_load %arg13[%get3A_254, %get3A_255] {strides = array<i32>} : memref<64x256xf32, #tpu.memory_space<vmem>>, vector<16xf32>,
        %bitcast3A_257 = vector.bitcast %get3A_256 : vector<16xf32> to vector<32xbf16>
        %get3A_258 = arith.index_cast %scan3A_219 : i32 to index
        %get3A_259 = arith.constant 32 : index
        %get3A_260 = tpu.vector_load %arg14[%get3A_258, %get3A_259] {strides = array<i32>} : memref<64x256xf32, #tpu.memory_space<vmem>>, vector<16xf32>,
        %bitcast3A_261 = vector.bitcast %get3A_260 : vector<16xf32> to vector<32xbf16>
        %add3A_262 = arith.addf %bitcast3A_257, %bitcast3A_261 : vector<32xbf16>
        %max3A_263 = arith.constant 0.000000e+00 : bf16
        %max3A_264 = vector.broadcast %max3A_263 : bf16 to vector<32xbf16>
        %max3A_265 = arith.maximumf %add3A_262, %max3A_264 : vector<32xbf16>
        %unpack3A_266 = tpu.unpack_subelements %max3A_265, 0 {pack_format = #tpu.pack_format<interleaved>} : vector<32xbf16> -> vector<16xf32>
        %unpack3A_267 = tpu.unpack_subelements %max3A_265, 1 {pack_format = #tpu.pack_format<interleaved>} : vector<32xbf16> -> vector<16xf32>
        %mul3A_268 = arith.mulf %unpack3A_266, %get3A_27 : vector<16xf32>
        %add3A_269 = arith.addf %add3A_253, %mul3A_268 : vector<16xf32>
        %mul3A_270 = arith.mulf %unpack3A_267, %get3A_29 : vector<16xf32>
        %add3A_271 = arith.addf %add3A_269, %mul3A_270 : vector<16xf32>
        %get3A_272 = arith.index_cast %scan3A_219 : i32 to index
        %get3A_273 = arith.constant 48 : index
        %get3A_274 = tpu.vector_load %arg13[%get3A_272, %get3A_273] {strides = array<i32>} : memref<64x256xf32, #tpu.memory_space<vmem>>, vector<16xf32>,
        %bitcast3A_275 = vector.bitcast %get3A_274 : vector<16xf32> to vector<32xbf16>
        %get3A_276 = arith.index_cast %scan3A_219 : i32 to index
        %get3A_277 = arith.constant 48 : index
        %get3A_278 = tpu.vector_load %arg14[%get3A_276, %get3A_277] {strides = array<i32>} : memref<64x256xf32, #tpu.memory_space<vmem>>, vector<16xf32>,
        %bitcast3A_279 = vector.bitcast %get3A_278 : vector<16xf32> to vector<32xbf16>
        %add3A_280 = arith.addf %bitcast3A_275, %bitcast3A_279 : vector<32xbf16>
        %max3A_281 = arith.constant 0.000000e+00 : bf16
        %max3A_282 = vector.broadcast %max3A_281 : bf16 to vector<32xbf16>
        %max3A_283 = arith.maximumf %add3A_280, %max3A_282 : vector<32xbf16>
        %unpack3A_284 = tpu.unpack_subelements %max3A_283, 0 {pack_format = #tpu.pack_format<interleaved>} : vector<32xbf16> -> vector<16xf32>
        %unpack3A_285 = tpu.unpack_subelements %max3A_283, 1 {pack_format = #tpu.pack_format<interleaved>} : vector<32xbf16> -> vector<16xf32>
        %mul3A_286 = arith.mulf %unpack3A_284, %get3A_31 : vector<16xf32>
        %add3A_287 = arith.addf %add3A_271, %mul3A_286 : vector<16xf32>
        %mul3A_288 = arith.mulf %unpack3A_285, %get3A_33 : vector<16xf32>
        %add3A_289 = arith.addf %add3A_287, %mul3A_288 : vector<16xf32>
        %get3A_290 = arith.index_cast %scan3A_219 : i32 to index
        %get3A_291 = arith.constant 64 : index
        %get3A_292 = tpu.vector_load %arg13[%get3A_290, %get3A_291] {strides = array<i32>} : memref<64x256xf32, #tpu.memory_space<vmem>>, vector<16xf32>,
        %bitcast3A_293 = vector.bitcast %get3A_292 : vector<16xf32> to vector<32xbf16>
        %get3A_294 = arith.index_cast %scan3A_219 : i32 to index
        %get3A_295 = arith.constant 64 : index
        %get3A_296 = tpu.vector_load %arg14[%get3A_294, %get3A_295] {strides = array<i32>} : memref<64x256xf32, #tpu.memory_space<vmem>>, vector<16xf32>,
        %bitcast3A_297 = vector.bitcast %get3A_296 : vector<16xf32> to vector<32xbf16>
        %add3A_298 = arith.addf %bitcast3A_293, %bitcast3A_297 : vector<32xbf16>
        %max3A_299 = arith.constant 0.000000e+00 : bf16
        %max3A_300 = vector.broadcast %max3A_299 : bf16 to vector<32xbf16>
        %max3A_301 = arith.maximumf %add3A_298, %max3A_300 : vector<32xbf16>
        %unpack3A_302 = tpu.unpack_subelements %max3A_301, 0 {pack_format = #tpu.pack_format<interleaved>} : vector<32xbf16> -> vector<16xf32>
        %unpack3A_303 = tpu.unpack_subelements %max3A_301, 1 {pack_format = #tpu.pack_format<interleaved>} : vector<32xbf16> -> vector<16xf32>
        %mul3A_304 = arith.mulf %unpack3A_302, %get3A_35 : vector<16xf32>
        %add3A_305 = arith.addf %add3A_289, %mul3A_304 : vector<16xf32>
        %mul3A_306 = arith.mulf %unpack3A_303, %get3A_37 : vector<16xf32>
        %add3A_307 = arith.addf %add3A_305, %mul3A_306 : vector<16xf32>
        %get3A_308 = arith.index_cast %scan3A_219 : i32 to index
        %get3A_309 = arith.constant 80 : index
        %get3A_310 = tpu.vector_load %arg13[%get3A_308, %get3A_309] {strides = array<i32>} : memref<64x256xf32, #tpu.memory_space<vmem>>, vector<16xf32>,
        %bitcast3A_311 = vector.bitcast %get3A_310 : vector<16xf32> to vector<32xbf16>
        %get3A_312 = arith.index_cast %scan3A_219 : i32 to index
        %get3A_313 = arith.constant 80 : index
        %get3A_314 = tpu.vector_load %arg14[%get3A_312, %get3A_313] {strides = array<i32>} : memref<64x256xf32, #tpu.memory_space<vmem>>, vector<16xf32>,
        %bitcast3A_315 = vector.bitcast %get3A_314 : vector<16xf32> to vector<32xbf16>
        %add3A_316 = arith.addf %bitcast3A_311, %bitcast3A_315 : vector<32xbf16>
        %max3A_317 = arith.constant 0.000000e+00 : bf16
        %max3A_318 = vector.broadcast %max3A_317 : bf16 to vector<32xbf16>
        %max3A_319 = arith.maximumf %add3A_316, %max3A_318 : vector<32xbf16>
        %unpack3A_320 = tpu.unpack_subelements %max3A_319, 0 {pack_format = #tpu.pack_format<interleaved>} : vector<32xbf16> -> vector<16xf32>
        %unpack3A_321 = tpu.unpack_subelements %max3A_319, 1 {pack_format = #tpu.pack_format<interleaved>} : vector<32xbf16> -> vector<16xf32>
        %mul3A_322 = arith.mulf %unpack3A_320, %get3A_39 : vector<16xf32>
        %add3A_323 = arith.addf %add3A_307, %mul3A_322 : vector<16xf32>
        %mul3A_324 = arith.mulf %unpack3A_321, %get3A_41 : vector<16xf32>
        %add3A_325 = arith.addf %add3A_323, %mul3A_324 : vector<16xf32>
        %get3A_326 = arith.index_cast %scan3A_219 : i32 to index
        %get3A_327 = arith.constant 96 : index
        %get3A_328 = tpu.vector_load %arg13[%get3A_326, %get3A_327] {strides = array<i32>} : memref<64x256xf32, #tpu.memory_space<vmem>>, vector<16xf32>,
        %bitcast3A_329 = vector.bitcast %get3A_328 : vector<16xf32> to vector<32xbf16>
        %get3A_330 = arith.index_cast %scan3A_219 : i32 to index
        %get3A_331 = arith.constant 96 : index
        %get3A_332 = tpu.vector_load %arg14[%get3A_330, %get3A_331] {strides = array<i32>} : memref<64x256xf32, #tpu.memory_space<vmem>>, vector<16xf32>,
        %bitcast3A_333 = vector.bitcast %get3A_332 : vector<16xf32> to vector<32xbf16>
        %add3A_334 = arith.addf %bitcast3A_329, %bitcast3A_333 : vector<32xbf16>
        %max3A_335 = arith.constant 0.000000e+00 : bf16
        %max3A_336 = vector.broadcast %max3A_335 : bf16 to vector<32xbf16>
        %max3A_337 = arith.maximumf %add3A_334, %max3A_336 : vector<32xbf16>
        %unpack3A_338 = tpu.unpack_subelements %max3A_337, 0 {pack_format = #tpu.pack_format<interleaved>} : vector<32xbf16> -> vector<16xf32>
        %unpack3A_339 = tpu.unpack_subelements %max3A_337, 1 {pack_format = #tpu.pack_format<interleaved>} : vector<32xbf16> -> vector<16xf32>
        %mul3A_340 = arith.mulf %unpack3A_338, %get3A_43 : vector<16xf32>
        %add3A_341 = arith.addf %add3A_325, %mul3A_340 : vector<16xf32>
        %mul3A_342 = arith.mulf %unpack3A_339, %get3A_45 : vector<16xf32>
        %add3A_343 = arith.addf %add3A_341, %mul3A_342 : vector<16xf32>
        %get3A_344 = arith.index_cast %scan3A_219 : i32 to index
        %get3A_345 = arith.constant 112 : index
        %get3A_346 = tpu.vector_load %arg13[%get3A_344, %get3A_345] {strides = array<i32>} : memref<64x256xf32, #tpu.memory_space<vmem>>, vector<16xf32>,
        %bitcast3A_347 = vector.bitcast %get3A_346 : vector<16xf32> to vector<32xbf16>
        %get3A_348 = arith.index_cast %scan3A_219 : i32 to index
        %get3A_349 = arith.constant 112 : index
        %get3A_350 = tpu.vector_load %arg14[%get3A_348, %get3A_349] {strides = array<i32>} : memref<64x256xf32, #tpu.memory_space<vmem>>, vector<16xf32>,
        %bitcast3A_351 = vector.bitcast %get3A_350 : vector<16xf32> to vector<32xbf16>
        %add3A_352 = arith.addf %bitcast3A_347, %bitcast3A_351 : vector<32xbf16>
        %max3A_353 = arith.constant 0.000000e+00 : bf16
        %max3A_354 = vector.broadcast %max3A_353 : bf16 to vector<32xbf16>
        %max3A_355 = arith.maximumf %add3A_352, %max3A_354 : vector<32xbf16>
        %unpack3A_356 = tpu.unpack_subelements %max3A_355, 0 {pack_format = #tpu.pack_format<interleaved>} : vector<32xbf16> -> vector<16xf32>
        %unpack3A_357 = tpu.unpack_subelements %max3A_355, 1 {pack_format = #tpu.pack_format<interleaved>} : vector<32xbf16> -> vector<16xf32>
        %mul3A_358 = arith.mulf %unpack3A_356, %get3A_47 : vector<16xf32>
        %add3A_359 = arith.addf %add3A_343, %mul3A_358 : vector<16xf32>
        %mul3A_360 = arith.mulf %unpack3A_357, %get3A_49 : vector<16xf32>
        %add3A_361 = arith.addf %add3A_359, %mul3A_360 : vector<16xf32>
        %get3A_362 = arith.index_cast %scan3A_219 : i32 to index
        %get3A_363 = arith.constant 128 : index
        %get3A_364 = tpu.vector_load %arg13[%get3A_362, %get3A_363] {strides = array<i32>} : memref<64x256xf32, #tpu.memory_space<vmem>>, vector<16xf32>,
        %bitcast3A_365 = vector.bitcast %get3A_364 : vector<16xf32> to vector<32xbf16>
        %get3A_366 = arith.index_cast %scan3A_219 : i32 to index
        %get3A_367 = arith.constant 128 : index
        %get3A_368 = tpu.vector_load %arg14[%get3A_366, %get3A_367] {strides = array<i32>} : memref<64x256xf32, #tpu.memory_space<vmem>>, vector<16xf32>,
        %bitcast3A_369 = vector.bitcast %get3A_368 : vector<16xf32> to vector<32xbf16>
        %add3A_370 = arith.addf %bitcast3A_365, %bitcast3A_369 : vector<32xbf16>
        %max3A_371 = arith.constant 0.000000e+00 : bf16
        %max3A_372 = vector.broadcast %max3A_371 : bf16 to vector<32xbf16>
        %max3A_373 = arith.maximumf %add3A_370, %max3A_372 : vector<32xbf16>
        %unpack3A_374 = tpu.unpack_subelements %max3A_373, 0 {pack_format = #tpu.pack_format<interleaved>} : vector<32xbf16> -> vector<16xf32>
        %unpack3A_375 = tpu.unpack_subelements %max3A_373, 1 {pack_format = #tpu.pack_format<interleaved>} : vector<32xbf16> -> vector<16xf32>
        %mul3A_376 = arith.mulf %unpack3A_374, %get3A_51 : vector<16xf32>
        %add3A_377 = arith.addf %add3A_361, %mul3A_376 : vector<16xf32>
        %mul3A_378 = arith.mulf %unpack3A_375, %get3A_53 : vector<16xf32>
        %add3A_379 = arith.addf %add3A_377, %mul3A_378 : vector<16xf32>
        %get3A_380 = arith.index_cast %scan3A_219 : i32 to index
        %get3A_381 = arith.constant 144 : index
        %get3A_382 = tpu.vector_load %arg13[%get3A_380, %get3A_381] {strides = array<i32>} : memref<64x256xf32, #tpu.memory_space<vmem>>, vector<16xf32>,
        %bitcast3A_383 = vector.bitcast %get3A_382 : vector<16xf32> to vector<32xbf16>
        %get3A_384 = arith.index_cast %scan3A_219 : i32 to index
        %get3A_385 = arith.constant 144 : index
        %get3A_386 = tpu.vector_load %arg14[%get3A_384, %get3A_385] {strides = array<i32>} : memref<64x256xf32, #tpu.memory_space<vmem>>, vector<16xf32>,
        %bitcast3A_387 = vector.bitcast %get3A_386 : vector<16xf32> to vector<32xbf16>
        %add3A_388 = arith.addf %bitcast3A_383, %bitcast3A_387 : vector<32xbf16>
        %max3A_389 = arith.constant 0.000000e+00 : bf16
        %max3A_390 = vector.broadcast %max3A_389 : bf16 to vector<32xbf16>
        %max3A_391 = arith.maximumf %add3A_388, %max3A_390 : vector<32xbf16>
        %unpack3A_392 = tpu.unpack_subelements %max3A_391, 0 {pack_format = #tpu.pack_format<interleaved>} : vector<32xbf16> -> vector<16xf32>
        %unpack3A_393 = tpu.unpack_subelements %max3A_391, 1 {pack_format = #tpu.pack_format<interleaved>} : vector<32xbf16> -> vector<16xf32>
        %mul3A_394 = arith.mulf %unpack3A_392, %get3A_55 : vector<16xf32>
        %add3A_395 = arith.addf %add3A_379, %mul3A_394 : vector<16xf32>
        %mul3A_396 = arith.mulf %unpack3A_393, %get3A_57 : vector<16xf32>
        %add3A_397 = arith.addf %add3A_395, %mul3A_396 : vector<16xf32>
        %get3A_398 = arith.index_cast %scan3A_219 : i32 to index
        %get3A_399 = arith.constant 160 : index
        %get3A_400 = tpu.vector_load %arg13[%get3A_398, %get3A_399] {strides = array<i32>} : memref<64x256xf32, #tpu.memory_space<vmem>>, vector<16xf32>,
        %bitcast3A_401 = vector.bitcast %get3A_400 : vector<16xf32> to vector<32xbf16>
        %get3A_402 = arith.index_cast %scan3A_219 : i32 to index
        %get3A_403 = arith.constant 160 : index
        %get3A_404 = tpu.vector_load %arg14[%get3A_402, %get3A_403] {strides = array<i32>} : memref<64x256xf32, #tpu.memory_space<vmem>>, vector<16xf32>,
        %bitcast3A_405 = vector.bitcast %get3A_404 : vector<16xf32> to vector<32xbf16>
        %add3A_406 = arith.addf %bitcast3A_401, %bitcast3A_405 : vector<32xbf16>
        %max3A_407 = arith.constant 0.000000e+00 : bf16
        %max3A_408 = vector.broadcast %max3A_407 : bf16 to vector<32xbf16>
        %max3A_409 = arith.maximumf %add3A_406, %max3A_408 : vector<32xbf16>
        %unpack3A_410 = tpu.unpack_subelements %max3A_409, 0 {pack_format = #tpu.pack_format<interleaved>} : vector<32xbf16> -> vector<16xf32>
        %unpack3A_411 = tpu.unpack_subelements %max3A_409, 1 {pack_format = #tpu.pack_format<interleaved>} : vector<32xbf16> -> vector<16xf32>
        %mul3A_412 = arith.mulf %unpack3A_410, %get3A_59 : vector<16xf32>
        %add3A_413 = arith.addf %add3A_397, %mul3A_412 : vector<16xf32>
        %mul3A_414 = arith.mulf %unpack3A_411, %get3A_61 : vector<16xf32>
        %add3A_415 = arith.addf %add3A_413, %mul3A_414 : vector<16xf32>
        %get3A_416 = arith.index_cast %scan3A_219 : i32 to index
        %get3A_417 = arith.constant 176 : index
        %get3A_418 = tpu.vector_load %arg13[%get3A_416, %get3A_417] {strides = array<i32>} : memref<64x256xf32, #tpu.memory_space<vmem>>, vector<16xf32>,
        %bitcast3A_419 = vector.bitcast %get3A_418 : vector<16xf32> to vector<32xbf16>
        %get3A_420 = arith.index_cast %scan3A_219 : i32 to index
        %get3A_421 = arith.constant 176 : index
        %get3A_422 = tpu.vector_load %arg14[%get3A_420, %get3A_421] {strides = array<i32>} : memref<64x256xf32, #tpu.memory_space<vmem>>, vector<16xf32>,
        %bitcast3A_423 = vector.bitcast %get3A_422 : vector<16xf32> to vector<32xbf16>
        %add3A_424 = arith.addf %bitcast3A_419, %bitcast3A_423 : vector<32xbf16>
        %max3A_425 = arith.constant 0.000000e+00 : bf16
        %max3A_426 = vector.broadcast %max3A_425 : bf16 to vector<32xbf16>
        %max3A_427 = arith.maximumf %add3A_424, %max3A_426 : vector<32xbf16>
        %unpack3A_428 = tpu.unpack_subelements %max3A_427, 0 {pack_format = #tpu.pack_format<interleaved>} : vector<32xbf16> -> vector<16xf32>
        %unpack3A_429 = tpu.unpack_subelements %max3A_427, 1 {pack_format = #tpu.pack_format<interleaved>} : vector<32xbf16> -> vector<16xf32>
        %mul3A_430 = arith.mulf %unpack3A_428, %get3A_63 : vector<16xf32>
        %add3A_431 = arith.addf %add3A_415, %mul3A_430 : vector<16xf32>
        %mul3A_432 = arith.mulf %unpack3A_429, %get3A_65 : vector<16xf32>
        %add3A_433 = arith.addf %add3A_431, %mul3A_432 : vector<16xf32>
        %get3A_434 = arith.index_cast %scan3A_219 : i32 to index
        %get3A_435 = arith.constant 192 : index
        %get3A_436 = tpu.vector_load %arg13[%get3A_434, %get3A_435] {strides = array<i32>} : memref<64x256xf32, #tpu.memory_space<vmem>>, vector<16xf32>,
        %bitcast3A_437 = vector.bitcast %get3A_436 : vector<16xf32> to vector<32xbf16>
        %get3A_438 = arith.index_cast %scan3A_219 : i32 to index
        %get3A_439 = arith.constant 192 : index
        %get3A_440 = tpu.vector_load %arg14[%get3A_438, %get3A_439] {strides = array<i32>} : memref<64x256xf32, #tpu.memory_space<vmem>>, vector<16xf32>,
        %bitcast3A_441 = vector.bitcast %get3A_440 : vector<16xf32> to vector<32xbf16>
        %add3A_442 = arith.addf %bitcast3A_437, %bitcast3A_441 : vector<32xbf16>
        %max3A_443 = arith.constant 0.000000e+00 : bf16
        %max3A_444 = vector.broadcast %max3A_443 : bf16 to vector<32xbf16>
        %max3A_445 = arith.maximumf %add3A_442, %max3A_444 : vector<32xbf16>
        %unpack3A_446 = tpu.unpack_subelements %max3A_445, 0 {pack_format = #tpu.pack_format<interleaved>} : vector<32xbf16> -> vector<16xf32>
        %unpack3A_447 = tpu.unpack_subelements %max3A_445, 1 {pack_format = #tpu.pack_format<interleaved>} : vector<32xbf16> -> vector<16xf32>
        %mul3A_448 = arith.mulf %unpack3A_446, %get3A_67 : vector<16xf32>
        %add3A_449 = arith.addf %add3A_433, %mul3A_448 : vector<16xf32>
        %mul3A_450 = arith.mulf %unpack3A_447, %get3A_69 : vector<16xf32>
        %add3A_451 = arith.addf %add3A_449, %mul3A_450 : vector<16xf32>
        %get3A_452 = arith.index_cast %scan3A_219 : i32 to index
        %get3A_453 = arith.constant 208 : index
        %get3A_454 = tpu.vector_load %arg13[%get3A_452, %get3A_453] {strides = array<i32>} : memref<64x256xf32, #tpu.memory_space<vmem>>, vector<16xf32>,
        %bitcast3A_455 = vector.bitcast %get3A_454 : vector<16xf32> to vector<32xbf16>
        %get3A_456 = arith.index_cast %scan3A_219 : i32 to index
        %get3A_457 = arith.constant 208 : index
        %get3A_458 = tpu.vector_load %arg14[%get3A_456, %get3A_457] {strides = array<i32>} : memref<64x256xf32, #tpu.memory_space<vmem>>, vector<16xf32>,
        %bitcast3A_459 = vector.bitcast %get3A_458 : vector<16xf32> to vector<32xbf16>
        %add3A_460 = arith.addf %bitcast3A_455, %bitcast3A_459 : vector<32xbf16>
        %max3A_461 = arith.constant 0.000000e+00 : bf16
        %max3A_462 = vector.broadcast %max3A_461 : bf16 to vector<32xbf16>
        %max3A_463 = arith.maximumf %add3A_460, %max3A_462 : vector<32xbf16>
        %unpack3A_464 = tpu.unpack_subelements %max3A_463, 0 {pack_format = #tpu.pack_format<interleaved>} : vector<32xbf16> -> vector<16xf32>
        %unpack3A_465 = tpu.unpack_subelements %max3A_463, 1 {pack_format = #tpu.pack_format<interleaved>} : vector<32xbf16> -> vector<16xf32>
        %mul3A_466 = arith.mulf %unpack3A_464, %get3A_71 : vector<16xf32>
        %add3A_467 = arith.addf %add3A_451, %mul3A_466 : vector<16xf32>
        %mul3A_468 = arith.mulf %unpack3A_465, %get3A_73 : vector<16xf32>
        %add3A_469 = arith.addf %add3A_467, %mul3A_468 : vector<16xf32>
        %get3A_470 = arith.index_cast %scan3A_219 : i32 to index
        %get3A_471 = arith.constant 224 : index
        %get3A_472 = tpu.vector_load %arg13[%get3A_470, %get3A_471] {strides = array<i32>} : memref<64x256xf32, #tpu.memory_space<vmem>>, vector<16xf32>,
        %bitcast3A_473 = vector.bitcast %get3A_472 : vector<16xf32> to vector<32xbf16>
        %get3A_474 = arith.index_cast %scan3A_219 : i32 to index
        %get3A_475 = arith.constant 224 : index
        %get3A_476 = tpu.vector_load %arg14[%get3A_474, %get3A_475] {strides = array<i32>} : memref<64x256xf32, #tpu.memory_space<vmem>>, vector<16xf32>,
        %bitcast3A_477 = vector.bitcast %get3A_476 : vector<16xf32> to vector<32xbf16>
        %add3A_478 = arith.addf %bitcast3A_473, %bitcast3A_477 : vector<32xbf16>
        %max3A_479 = arith.constant 0.000000e+00 : bf16
        %max3A_480 = vector.broadcast %max3A_479 : bf16 to vector<32xbf16>
        %max3A_481 = arith.maximumf %add3A_478, %max3A_480 : vector<32xbf16>
        %unpack3A_482 = tpu.unpack_subelements %max3A_481, 0 {pack_format = #tpu.pack_format<interleaved>} : vector<32xbf16> -> vector<16xf32>
        %unpack3A_483 = tpu.unpack_subelements %max3A_481, 1 {pack_format = #tpu.pack_format<interleaved>} : vector<32xbf16> -> vector<16xf32>
        %mul3A_484 = arith.mulf %unpack3A_482, %get3A_75 : vector<16xf32>
        %add3A_485 = arith.addf %add3A_469, %mul3A_484 : vector<16xf32>
        %mul3A_486 = arith.mulf %unpack3A_483, %get3A_77 : vector<16xf32>
        %add3A_487 = arith.addf %add3A_485, %mul3A_486 : vector<16xf32>
        %get3A_488 = arith.index_cast %scan3A_219 : i32 to index
        %get3A_489 = arith.constant 240 : index
        %get3A_490 = tpu.vector_load %arg13[%get3A_488, %get3A_489] {strides = array<i32>} : memref<64x256xf32, #tpu.memory_space<vmem>>, vector<16xf32>,
        %bitcast3A_491 = vector.bitcast %get3A_490 : vector<16xf32> to vector<32xbf16>
        %get3A_492 = arith.index_cast %scan3A_219 : i32 to index
        %get3A_493 = arith.constant 240 : index
        %get3A_494 = tpu.vector_load %arg14[%get3A_492, %get3A_493] {strides = array<i32>} : memref<64x256xf32, #tpu.memory_space<vmem>>, vector<16xf32>,
        %bitcast3A_495 = vector.bitcast %get3A_494 : vector<16xf32> to vector<32xbf16>
        %add3A_496 = arith.addf %bitcast3A_491, %bitcast3A_495 : vector<32xbf16>
        %max3A_497 = arith.constant 0.000000e+00 : bf16
        %max3A_498 = vector.broadcast %max3A_497 : bf16 to vector<32xbf16>
        %max3A_499 = arith.maximumf %add3A_496, %max3A_498 : vector<32xbf16>
        %unpack3A_500 = tpu.unpack_subelements %max3A_499, 0 {pack_format = #tpu.pack_format<interleaved>} : vector<32xbf16> -> vector<16xf32>
        %unpack3A_501 = tpu.unpack_subelements %max3A_499, 1 {pack_format = #tpu.pack_format<interleaved>} : vector<32xbf16> -> vector<16xf32>
        %mul3A_502 = arith.mulf %unpack3A_500, %get3A_79 : vector<16xf32>
        %add3A_503 = arith.addf %add3A_487, %mul3A_502 : vector<16xf32>
        %mul3A_504 = arith.mulf %unpack3A_501, %get3A_81 : vector<16xf32>
        %add3A_505 = arith.addf %add3A_503, %mul3A_504 : vector<16xf32>
        %mul3A_506 = arith.constant 16 : i32
        %mul3A_507 = arith.muli %scan3A_219, %mul3A_506 : i32
        %swap3A = arith.index_cast %mul3A_507 : i32 to index
        %swap3A_508 = tpu.vector_load %arg17[%swap3A] {strides = array<i32>} : memref<1024xf32, #tpu.memory_space<vmem>>, vector<16xf32>,
        tpu.vector_store %arg17[%swap3A], %add3A_505 {strides = array<i32>} : memref<1024xf32, #tpu.memory_space<vmem>>, vector<16xf32>,
        %scan3A_509 = arith.constant 0 : i32
        scf.yield %scan3A_509 : i32
      }
      %scan3A_169 = arith.constant 64 : i32
      %scan3A_170 = arith.constant 0 : i32
      %scan3A_171 = arith.constant 0 : i32
      %scan3A_172 = arith.constant 4 : i32
      %scan3A_173 = arith.addi %scan3A_171, %scan3A_172 : i32
      %scan3A_174 = arith.constant 1 : i32
      %scan3A_175 = scf.for %scan3A_219 = %scan3A_171 to %scan3A_173 step %scan3A_174 iter_args(%scan3A_220 = %scan3A_170) -> (i32)  : i32 {
        %mul3A_221 = arith.constant 16 : i32
        %mul3A_222 = arith.muli %scan3A_219, %mul3A_221 : i32
        %add3A_223 = vector.broadcast %mul3A_222 : i32 to vector<16xi32>
        %add3A_224 = arith.addi %add3A_223, %iota3A : vector<16xi32>
        %mul3A_225 = arith.constant 16 : i32
        %mul3A_226 = vector.broadcast %mul3A_225 : i32 to vector<16xi32>
        %mul3A_227 = arith.muli %add3A_224, %mul3A_226 : vector<16xi32>
        %broadcast_in_dim3A_228 = arith.constant 0.000000e+00 : f32
        %broadcast_in_dim3A_229 = vector.broadcast %broadcast_in_dim3A_228 : f32 to vector<16xf32>
        %add3A_230 = arith.constant 0 : i32
        %add3A_231 = vector.broadcast %add3A_230 : i32 to vector<16xi32>
        %add3A_232 = arith.addi %mul3A_227, %add3A_231 : vector<16xi32>
        %gather3A = tpu.vector_load_idx %arg17[%add3A_232] : memref<1024xf32, #tpu.memory_space<vmem>>[vector<16xi32>], vector<16xf32>,
        %add3A_233 = arith.addf %broadcast_in_dim3A_229, %gather3A : vector<16xf32>
        %add3A_234 = arith.constant 1 : i32
        %add3A_235 = vector.broadcast %add3A_234 : i32 to vector<16xi32>
        %add3A_236 = arith.addi %mul3A_227, %add3A_235 : vector<16xi32>
        %gather3A_237 = tpu.vector_load_idx %arg17[%add3A_236] : memref<1024xf32, #tpu.memory_space<vmem>>[vector<16xi32>], vector<16xf32>,
        %add3A_238 = arith.addf %add3A_233, %gather3A_237 : vector<16xf32>
        %add3A_239 = arith.constant 2 : i32
        %add3A_240 = vector.broadcast %add3A_239 : i32 to vector<16xi32>
        %add3A_241 = arith.addi %mul3A_227, %add3A_240 : vector<16xi32>
        %gather3A_242 = tpu.vector_load_idx %arg17[%add3A_241] : memref<1024xf32, #tpu.memory_space<vmem>>[vector<16xi32>], vector<16xf32>,
        %add3A_243 = arith.addf %add3A_238, %gather3A_242 : vector<16xf32>
        %add3A_244 = arith.constant 3 : i32
        %add3A_245 = vector.broadcast %add3A_244 : i32 to vector<16xi32>
        %add3A_246 = arith.addi %mul3A_227, %add3A_245 : vector<16xi32>
        %gather3A_247 = tpu.vector_load_idx %arg17[%add3A_246] : memref<1024xf32, #tpu.memory_space<vmem>>[vector<16xi32>], vector<16xf32>,
        %add3A_248 = arith.addf %add3A_243, %gather3A_247 : vector<16xf32>
        %add3A_249 = arith.constant 4 : i32
        %add3A_250 = vector.broadcast %add3A_249 : i32 to vector<16xi32>
        %add3A_251 = arith.addi %mul3A_227, %add3A_250 : vector<16xi32>
        %gather3A_252 = tpu.vector_load_idx %arg17[%add3A_251] : memref<1024xf32, #tpu.memory_space<vmem>>[vector<16xi32>], vector<16xf32>,
        %add3A_253 = arith.addf %add3A_248, %gather3A_252 : vector<16xf32>
        %add3A_254 = arith.constant 5 : i32
        %add3A_255 = vector.broadcast %add3A_254 : i32 to vector<16xi32>
        %add3A_256 = arith.addi %mul3A_227, %add3A_255 : vector<16xi32>
        %gather3A_257 = tpu.vector_load_idx %arg17[%add3A_256] : memref<1024xf32, #tpu.memory_space<vmem>>[vector<16xi32>], vector<16xf32>,
        %add3A_258 = arith.addf %add3A_253, %gather3A_257 : vector<16xf32>
        %add3A_259 = arith.constant 6 : i32
        %add3A_260 = vector.broadcast %add3A_259 : i32 to vector<16xi32>
        %add3A_261 = arith.addi %mul3A_227, %add3A_260 : vector<16xi32>
        %gather3A_262 = tpu.vector_load_idx %arg17[%add3A_261] : memref<1024xf32, #tpu.memory_space<vmem>>[vector<16xi32>], vector<16xf32>,
        %add3A_263 = arith.addf %add3A_258, %gather3A_262 : vector<16xf32>
        %add3A_264 = arith.constant 7 : i32
        %add3A_265 = vector.broadcast %add3A_264 : i32 to vector<16xi32>
        %add3A_266 = arith.addi %mul3A_227, %add3A_265 : vector<16xi32>
        %gather3A_267 = tpu.vector_load_idx %arg17[%add3A_266] : memref<1024xf32, #tpu.memory_space<vmem>>[vector<16xi32>], vector<16xf32>,
        %add3A_268 = arith.addf %add3A_263, %gather3A_267 : vector<16xf32>
        %add3A_269 = arith.constant 8 : i32
        %add3A_270 = vector.broadcast %add3A_269 : i32 to vector<16xi32>
        %add3A_271 = arith.addi %mul3A_227, %add3A_270 : vector<16xi32>
        %gather3A_272 = tpu.vector_load_idx %arg17[%add3A_271] : memref<1024xf32, #tpu.memory_space<vmem>>[vector<16xi32>], vector<16xf32>,
        %add3A_273 = arith.addf %add3A_268, %gather3A_272 : vector<16xf32>
        %add3A_274 = arith.constant 9 : i32
        %add3A_275 = vector.broadcast %add3A_274 : i32 to vector<16xi32>
        %add3A_276 = arith.addi %mul3A_227, %add3A_275 : vector<16xi32>
        %gather3A_277 = tpu.vector_load_idx %arg17[%add3A_276] : memref<1024xf32, #tpu.memory_space<vmem>>[vector<16xi32>], vector<16xf32>,
        %add3A_278 = arith.addf %add3A_273, %gather3A_277 : vector<16xf32>
        %add3A_279 = arith.constant 10 : i32
        %add3A_280 = vector.broadcast %add3A_279 : i32 to vector<16xi32>
        %add3A_281 = arith.addi %mul3A_227, %add3A_280 : vector<16xi32>
        %gather3A_282 = tpu.vector_load_idx %arg17[%add3A_281] : memref<1024xf32, #tpu.memory_space<vmem>>[vector<16xi32>], vector<16xf32>,
        %add3A_283 = arith.addf %add3A_278, %gather3A_282 : vector<16xf32>
        %add3A_284 = arith.constant 11 : i32
        %add3A_285 = vector.broadcast %add3A_284 : i32 to vector<16xi32>
        %add3A_286 = arith.addi %mul3A_227, %add3A_285 : vector<16xi32>
        %gather3A_287 = tpu.vector_load_idx %arg17[%add3A_286] : memref<1024xf32, #tpu.memory_space<vmem>>[vector<16xi32>], vector<16xf32>,
        %add3A_288 = arith.addf %add3A_283, %gather3A_287 : vector<16xf32>
        %add3A_289 = arith.constant 12 : i32
        %add3A_290 = vector.broadcast %add3A_289 : i32 to vector<16xi32>
        %add3A_291 = arith.addi %mul3A_227, %add3A_290 : vector<16xi32>
        %gather3A_292 = tpu.vector_load_idx %arg17[%add3A_291] : memref<1024xf32, #tpu.memory_space<vmem>>[vector<16xi32>], vector<16xf32>,
        %add3A_293 = arith.addf %add3A_288, %gather3A_292 : vector<16xf32>
        %add3A_294 = arith.constant 13 : i32
        %add3A_295 = vector.broadcast %add3A_294 : i32 to vector<16xi32>
        %add3A_296 = arith.addi %mul3A_227, %add3A_295 : vector<16xi32>
        %gather3A_297 = tpu.vector_load_idx %arg17[%add3A_296] : memref<1024xf32, #tpu.memory_space<vmem>>[vector<16xi32>], vector<16xf32>,
        %add3A_298 = arith.addf %add3A_293, %gather3A_297 : vector<16xf32>
        %add3A_299 = arith.constant 14 : i32
        %add3A_300 = vector.broadcast %add3A_299 : i32 to vector<16xi32>
        %add3A_301 = arith.addi %mul3A_227, %add3A_300 : vector<16xi32>
        %gather3A_302 = tpu.vector_load_idx %arg17[%add3A_301] : memref<1024xf32, #tpu.memory_space<vmem>>[vector<16xi32>], vector<16xf32>,
        %add3A_303 = arith.addf %add3A_298, %gather3A_302 : vector<16xf32>
        %add3A_304 = arith.constant 15 : i32
        %add3A_305 = vector.broadcast %add3A_304 : i32 to vector<16xi32>
        %add3A_306 = arith.addi %mul3A_227, %add3A_305 : vector<16xi32>
        %gather3A_307 = tpu.vector_load_idx %arg17[%add3A_306] : memref<1024xf32, #tpu.memory_space<vmem>>[vector<16xi32>], vector<16xf32>,
        %add3A_308 = arith.addf %add3A_303, %gather3A_307 : vector<16xf32>
        %mul3A_309 = arith.constant 64 : i32
        %mul3A_310 = arith.muli %mul3A_137, %mul3A_309 : i32
        %mul3A_311 = arith.constant 16 : i32
        %mul3A_312 = arith.muli %scan3A_219, %mul3A_311 : i32
        %add3A_313 = arith.addi %mul3A_310, %mul3A_312 : i32
        %get3A_314 = arith.index_cast %add3A_313 : i32 to index
        %get3A_315 = tpu.vector_load %arg12[%get3A_314] {strides = array<i32>} : memref<5888xi32, #tpu.memory_space<vmem>>, vector<16xi32>,
        tpu.vector_store_idx %arg20[%get3A_315], %add3A_308 {add = true} : memref<10240xf32, #tpu.memory_space<vmem>>[vector<16xi32>], vector<16xf32>,
        %scan3A_316 = arith.constant 0 : i32
        scf.yield %scan3A_316 : i32
      }
      %scan3A_176 = arith.constant 4 : i32
      %add3A_177 = arith.constant 2 : i32
      %add3A_178 = arith.addi %mul3A_137, %add3A_177 : i32
      %sub3A_179 = arith.constant 1 : i32
      %sub3A_180 = arith.subi %select_n3A_18, %sub3A_179 : i32
      %min3A_181 = arith.minsi %add3A_178, %sub3A_180 : i32
      %mul3A_182 = arith.constant 64 : i32
      %mul3A_183 = arith.muli %min3A_181, %mul3A_182 : i32
      %dma_start3A_184 = tpu.memref_slice %arg10[%mul3A_183] : memref<5888xi32, #tpu.memory_space<vmem>> -> memref<64xi32, #tpu.memory_space<vmem>>
      %dma_start3A_185 = arith.constant 0 : i32
      %dma_start3A_186 = arith.constant 0 : i32
      %dma_start3A_187 = tpu.memref_slice %arg2[%dma_start3A_185, %dma_start3A_186] : memref<10000x256xf32, #tpu.memory_space<hbm>> -> memref<10000x256xf32, #tpu.memory_space<hbm>>
      tpu.enqueue_indirect_dma source(%dma_start3A_187 : memref<10000x256xf32, #tpu.memory_space<hbm>>) target(%arg13 : memref<64x256xf32, #tpu.memory_space<vmem>>) offsets(%dma_start3A_184 : memref<64xi32, #tpu.memory_space<vmem>>) semaphore(%arg21 : memref<!tpu.dma_semaphore, #tpu.memory_space<semaphore_mem>>)
      %dma_start3A_188 = tpu.memref_slice %arg11[%mul3A_183] : memref<5888xi32, #tpu.memory_space<vmem>> -> memref<64xi32, #tpu.memory_space<vmem>>
      %dma_start3A_189 = arith.constant 0 : i32
      %dma_start3A_190 = arith.constant 0 : i32
      %dma_start3A_191 = tpu.memref_slice %arg3[%dma_start3A_189, %dma_start3A_190] : memref<10000x256xf32, #tpu.memory_space<hbm>> -> memref<10000x256xf32, #tpu.memory_space<hbm>>
      tpu.enqueue_indirect_dma source(%dma_start3A_191 : memref<10000x256xf32, #tpu.memory_space<hbm>>) target(%arg14 : memref<64x256xf32, #tpu.memory_space<vmem>>) offsets(%dma_start3A_188 : memref<64xi32, #tpu.memory_space<vmem>>) semaphore(%arg22 : memref<!tpu.dma_semaphore, #tpu.memory_space<semaphore_mem>>)
      %dma_wait3A_192 = arith.constant 0 : i32
      %dma_wait3A_193 = tpu.memref_slice %arg10[%dma_wait3A_192] : memref<5888xi32, #tpu.memory_space<vmem>> -> memref<64xi32, #tpu.memory_space<vmem>>
      %dma_wait3A_194 = arith.constant 0 : i32
      %dma_wait3A_195 = arith.constant 0 : i32
      %dma_wait3A_196 = tpu.memref_slice %arg2[%dma_wait3A_194, %dma_wait3A_195] : memref<10000x256xf32, #tpu.memory_space<hbm>> -> memref<10000x256xf32, #tpu.memory_space<hbm>>
      tpu.wait_indirect_dma semaphore(%arg23 : memref<!tpu.dma_semaphore, #tpu.memory_space<semaphore_mem>>) src(%dma_wait3A_196 : memref<10000x256xf32, #tpu.memory_space<hbm>>) dst(%arg15 : memref<64x256xf32, #tpu.memory_space<vmem>>)
      %dma_wait3A_197 = arith.constant 0 : i32
      %dma_wait3A_198 = tpu.memref_slice %arg11[%dma_wait3A_197] : memref<5888xi32, #tpu.memory_space<vmem>> -> memref<64xi32, #tpu.memory_space<vmem>>
      %dma_wait3A_199 = arith.constant 0 : i32
      %dma_wait3A_200 = arith.constant 0 : i32
      %dma_wait3A_201 = tpu.memref_slice %arg3[%dma_wait3A_199, %dma_wait3A_200] : memref<10000x256xf32, #tpu.memory_space<hbm>> -> memref<10000x256xf32, #tpu.memory_space<hbm>>
      tpu.wait_indirect_dma semaphore(%arg24 : memref<!tpu.dma_semaphore, #tpu.memory_space<semaphore_mem>>) src(%dma_wait3A_201 : memref<10000x256xf32, #tpu.memory_space<hbm>>) dst(%arg16 : memref<64x256xf32, #tpu.memory_space<vmem>>)
      %add3A_202 = arith.constant 1 : i32
      %add3A_203 = arith.addi %mul3A_137, %add3A_202 : i32
      %scan3A_204 = arith.constant 0 : i32
      %scan3A_205 = arith.constant 0 : i32
      %scan3A_206 = arith.constant 64 : i32
      %scan3A_207 = arith.addi %scan3A_205, %scan3A_206 : i32
      %scan3A_208 = arith.constant 1 : i32
      %scan3A_209 = scf.for %scan3A_219 = %scan3A_205 to %scan3A_207 step %scan3A_208 iter_args(%scan3A_220 = %scan3A_204) -> (i32)  : i32 {
        %get3A_221 = arith.index_cast %scan3A_219 : i32 to index
        %get3A_222 = arith.constant 0 : index
        %get3A_223 = tpu.vector_load %arg15[%get3A_221, %get3A_222] {strides = array<i32>} : memref<64x256xf32, #tpu.memory_space<vmem>>, vector<16xf32>,
        %bitcast3A = vector.bitcast %get3A_223 : vector<16xf32> to vector<32xbf16>
        %get3A_224 = arith.index_cast %scan3A_219 : i32 to index
        %get3A_225 = arith.constant 0 : index
        %get3A_226 = tpu.vector_load %arg16[%get3A_224, %get3A_225] {strides = array<i32>} : memref<64x256xf32, #tpu.memory_space<vmem>>, vector<16xf32>,
        %bitcast3A_227 = vector.bitcast %get3A_226 : vector<16xf32> to vector<32xbf16>
        %add3A_228 = arith.addf %bitcast3A, %bitcast3A_227 : vector<32xbf16>
        %max3A = arith.constant 0.000000e+00 : bf16
        %max3A_229 = vector.broadcast %max3A : bf16 to vector<32xbf16>
        %max3A_230 = arith.maximumf %add3A_228, %max3A_229 : vector<32xbf16>
        %unpack3A = tpu.unpack_subelements %max3A_230, 0 {pack_format = #tpu.pack_format<interleaved>} : vector<32xbf16> -> vector<16xf32>
        %unpack3A_231 = tpu.unpack_subelements %max3A_230, 1 {pack_format = #tpu.pack_format<interleaved>} : vector<32xbf16> -> vector<16xf32>
        %mul3A_232 = arith.mulf %unpack3A, %get3A_19 : vector<16xf32>
        %add3A_233 = arith.addf %get3A_83, %mul3A_232 : vector<16xf32>
        %mul3A_234 = arith.mulf %unpack3A_231, %get3A_21 : vector<16xf32>
        %add3A_235 = arith.addf %add3A_233, %mul3A_234 : vector<16xf32>
        %get3A_236 = arith.index_cast %scan3A_219 : i32 to index
        %get3A_237 = arith.constant 16 : index
        %get3A_238 = tpu.vector_load %arg15[%get3A_236, %get3A_237] {strides = array<i32>} : memref<64x256xf32, #tpu.memory_space<vmem>>, vector<16xf32>,
        %bitcast3A_239 = vector.bitcast %get3A_238 : vector<16xf32> to vector<32xbf16>
        %get3A_240 = arith.index_cast %scan3A_219 : i32 to index
        %get3A_241 = arith.constant 16 : index
        %get3A_242 = tpu.vector_load %arg16[%get3A_240, %get3A_241] {strides = array<i32>} : memref<64x256xf32, #tpu.memory_space<vmem>>, vector<16xf32>,
        %bitcast3A_243 = vector.bitcast %get3A_242 : vector<16xf32> to vector<32xbf16>
        %add3A_244 = arith.addf %bitcast3A_239, %bitcast3A_243 : vector<32xbf16>
        %max3A_245 = arith.constant 0.000000e+00 : bf16
        %max3A_246 = vector.broadcast %max3A_245 : bf16 to vector<32xbf16>
        %max3A_247 = arith.maximumf %add3A_244, %max3A_246 : vector<32xbf16>
        %unpack3A_248 = tpu.unpack_subelements %max3A_247, 0 {pack_format = #tpu.pack_format<interleaved>} : vector<32xbf16> -> vector<16xf32>
        %unpack3A_249 = tpu.unpack_subelements %max3A_247, 1 {pack_format = #tpu.pack_format<interleaved>} : vector<32xbf16> -> vector<16xf32>
        %mul3A_250 = arith.mulf %unpack3A_248, %get3A_23 : vector<16xf32>
        %add3A_251 = arith.addf %add3A_235, %mul3A_250 : vector<16xf32>
        %mul3A_252 = arith.mulf %unpack3A_249, %get3A_25 : vector<16xf32>
        %add3A_253 = arith.addf %add3A_251, %mul3A_252 : vector<16xf32>
        %get3A_254 = arith.index_cast %scan3A_219 : i32 to index
        %get3A_255 = arith.constant 32 : index
        %get3A_256 = tpu.vector_load %arg15[%get3A_254, %get3A_255] {strides = array<i32>} : memref<64x256xf32, #tpu.memory_space<vmem>>, vector<16xf32>,
        %bitcast3A_257 = vector.bitcast %get3A_256 : vector<16xf32> to vector<32xbf16>
        %get3A_258 = arith.index_cast %scan3A_219 : i32 to index
        %get3A_259 = arith.constant 32 : index
        %get3A_260 = tpu.vector_load %arg16[%get3A_258, %get3A_259] {strides = array<i32>} : memref<64x256xf32, #tpu.memory_space<vmem>>, vector<16xf32>,
        %bitcast3A_261 = vector.bitcast %get3A_260 : vector<16xf32> to vector<32xbf16>
        %add3A_262 = arith.addf %bitcast3A_257, %bitcast3A_261 : vector<32xbf16>
        %max3A_263 = arith.constant 0.000000e+00 : bf16
        %max3A_264 = vector.broadcast %max3A_263 : bf16 to vector<32xbf16>
        %max3A_265 = arith.maximumf %add3A_262, %max3A_264 : vector<32xbf16>
        %unpack3A_266 = tpu.unpack_subelements %max3A_265, 0 {pack_format = #tpu.pack_format<interleaved>} : vector<32xbf16> -> vector<16xf32>
        %unpack3A_267 = tpu.unpack_subelements %max3A_265, 1 {pack_format = #tpu.pack_format<interleaved>} : vector<32xbf16> -> vector<16xf32>
        %mul3A_268 = arith.mulf %unpack3A_266, %get3A_27 : vector<16xf32>
        %add3A_269 = arith.addf %add3A_253, %mul3A_268 : vector<16xf32>
        %mul3A_270 = arith.mulf %unpack3A_267, %get3A_29 : vector<16xf32>
        %add3A_271 = arith.addf %add3A_269, %mul3A_270 : vector<16xf32>
        %get3A_272 = arith.index_cast %scan3A_219 : i32 to index
        %get3A_273 = arith.constant 48 : index
        %get3A_274 = tpu.vector_load %arg15[%get3A_272, %get3A_273] {strides = array<i32>} : memref<64x256xf32, #tpu.memory_space<vmem>>, vector<16xf32>,
        %bitcast3A_275 = vector.bitcast %get3A_274 : vector<16xf32> to vector<32xbf16>
        %get3A_276 = arith.index_cast %scan3A_219 : i32 to index
        %get3A_277 = arith.constant 48 : index
        %get3A_278 = tpu.vector_load %arg16[%get3A_276, %get3A_277] {strides = array<i32>} : memref<64x256xf32, #tpu.memory_space<vmem>>, vector<16xf32>,
        %bitcast3A_279 = vector.bitcast %get3A_278 : vector<16xf32> to vector<32xbf16>
        %add3A_280 = arith.addf %bitcast3A_275, %bitcast3A_279 : vector<32xbf16>
        %max3A_281 = arith.constant 0.000000e+00 : bf16
        %max3A_282 = vector.broadcast %max3A_281 : bf16 to vector<32xbf16>
        %max3A_283 = arith.maximumf %add3A_280, %max3A_282 : vector<32xbf16>
        %unpack3A_284 = tpu.unpack_subelements %max3A_283, 0 {pack_format = #tpu.pack_format<interleaved>} : vector<32xbf16> -> vector<16xf32>
        %unpack3A_285 = tpu.unpack_subelements %max3A_283, 1 {pack_format = #tpu.pack_format<interleaved>} : vector<32xbf16> -> vector<16xf32>
        %mul3A_286 = arith.mulf %unpack3A_284, %get3A_31 : vector<16xf32>
        %add3A_287 = arith.addf %add3A_271, %mul3A_286 : vector<16xf32>
        %mul3A_288 = arith.mulf %unpack3A_285, %get3A_33 : vector<16xf32>
        %add3A_289 = arith.addf %add3A_287, %mul3A_288 : vector<16xf32>
        %get3A_290 = arith.index_cast %scan3A_219 : i32 to index
        %get3A_291 = arith.constant 64 : index
        %get3A_292 = tpu.vector_load %arg15[%get3A_290, %get3A_291] {strides = array<i32>} : memref<64x256xf32, #tpu.memory_space<vmem>>, vector<16xf32>,
        %bitcast3A_293 = vector.bitcast %get3A_292 : vector<16xf32> to vector<32xbf16>
        %get3A_294 = arith.index_cast %scan3A_219 : i32 to index
        %get3A_295 = arith.constant 64 : index
        %get3A_296 = tpu.vector_load %arg16[%get3A_294, %get3A_295] {strides = array<i32>} : memref<64x256xf32, #tpu.memory_space<vmem>>, vector<16xf32>,
        %bitcast3A_297 = vector.bitcast %get3A_296 : vector<16xf32> to vector<32xbf16>
        %add3A_298 = arith.addf %bitcast3A_293, %bitcast3A_297 : vector<32xbf16>
        %max3A_299 = arith.constant 0.000000e+00 : bf16
        %max3A_300 = vector.broadcast %max3A_299 : bf16 to vector<32xbf16>
        %max3A_301 = arith.maximumf %add3A_298, %max3A_300 : vector<32xbf16>
        %unpack3A_302 = tpu.unpack_subelements %max3A_301, 0 {pack_format = #tpu.pack_format<interleaved>} : vector<32xbf16> -> vector<16xf32>
        %unpack3A_303 = tpu.unpack_subelements %max3A_301, 1 {pack_format = #tpu.pack_format<interleaved>} : vector<32xbf16> -> vector<16xf32>
        %mul3A_304 = arith.mulf %unpack3A_302, %get3A_35 : vector<16xf32>
        %add3A_305 = arith.addf %add3A_289, %mul3A_304 : vector<16xf32>
        %mul3A_306 = arith.mulf %unpack3A_303, %get3A_37 : vector<16xf32>
        %add3A_307 = arith.addf %add3A_305, %mul3A_306 : vector<16xf32>
        %get3A_308 = arith.index_cast %scan3A_219 : i32 to index
        %get3A_309 = arith.constant 80 : index
        %get3A_310 = tpu.vector_load %arg15[%get3A_308, %get3A_309] {strides = array<i32>} : memref<64x256xf32, #tpu.memory_space<vmem>>, vector<16xf32>,
        %bitcast3A_311 = vector.bitcast %get3A_310 : vector<16xf32> to vector<32xbf16>
        %get3A_312 = arith.index_cast %scan3A_219 : i32 to index
        %get3A_313 = arith.constant 80 : index
        %get3A_314 = tpu.vector_load %arg16[%get3A_312, %get3A_313] {strides = array<i32>} : memref<64x256xf32, #tpu.memory_space<vmem>>, vector<16xf32>,
        %bitcast3A_315 = vector.bitcast %get3A_314 : vector<16xf32> to vector<32xbf16>
        %add3A_316 = arith.addf %bitcast3A_311, %bitcast3A_315 : vector<32xbf16>
        %max3A_317 = arith.constant 0.000000e+00 : bf16
        %max3A_318 = vector.broadcast %max3A_317 : bf16 to vector<32xbf16>
        %max3A_319 = arith.maximumf %add3A_316, %max3A_318 : vector<32xbf16>
        %unpack3A_320 = tpu.unpack_subelements %max3A_319, 0 {pack_format = #tpu.pack_format<interleaved>} : vector<32xbf16> -> vector<16xf32>
        %unpack3A_321 = tpu.unpack_subelements %max3A_319, 1 {pack_format = #tpu.pack_format<interleaved>} : vector<32xbf16> -> vector<16xf32>
        %mul3A_322 = arith.mulf %unpack3A_320, %get3A_39 : vector<16xf32>
        %add3A_323 = arith.addf %add3A_307, %mul3A_322 : vector<16xf32>
        %mul3A_324 = arith.mulf %unpack3A_321, %get3A_41 : vector<16xf32>
        %add3A_325 = arith.addf %add3A_323, %mul3A_324 : vector<16xf32>
        %get3A_326 = arith.index_cast %scan3A_219 : i32 to index
        %get3A_327 = arith.constant 96 : index
        %get3A_328 = tpu.vector_load %arg15[%get3A_326, %get3A_327] {strides = array<i32>} : memref<64x256xf32, #tpu.memory_space<vmem>>, vector<16xf32>,
        %bitcast3A_329 = vector.bitcast %get3A_328 : vector<16xf32> to vector<32xbf16>
        %get3A_330 = arith.index_cast %scan3A_219 : i32 to index
        %get3A_331 = arith.constant 96 : index
        %get3A_332 = tpu.vector_load %arg16[%get3A_330, %get3A_331] {strides = array<i32>} : memref<64x256xf32, #tpu.memory_space<vmem>>, vector<16xf32>,
        %bitcast3A_333 = vector.bitcast %get3A_332 : vector<16xf32> to vector<32xbf16>
        %add3A_334 = arith.addf %bitcast3A_329, %bitcast3A_333 : vector<32xbf16>
        %max3A_335 = arith.constant 0.000000e+00 : bf16
        %max3A_336 = vector.broadcast %max3A_335 : bf16 to vector<32xbf16>
        %max3A_337 = arith.maximumf %add3A_334, %max3A_336 : vector<32xbf16>
        %unpack3A_338 = tpu.unpack_subelements %max3A_337, 0 {pack_format = #tpu.pack_format<interleaved>} : vector<32xbf16> -> vector<16xf32>
        %unpack3A_339 = tpu.unpack_subelements %max3A_337, 1 {pack_format = #tpu.pack_format<interleaved>} : vector<32xbf16> -> vector<16xf32>
        %mul3A_340 = arith.mulf %unpack3A_338, %get3A_43 : vector<16xf32>
        %add3A_341 = arith.addf %add3A_325, %mul3A_340 : vector<16xf32>
        %mul3A_342 = arith.mulf %unpack3A_339, %get3A_45 : vector<16xf32>
        %add3A_343 = arith.addf %add3A_341, %mul3A_342 : vector<16xf32>
        %get3A_344 = arith.index_cast %scan3A_219 : i32 to index
        %get3A_345 = arith.constant 112 : index
        %get3A_346 = tpu.vector_load %arg15[%get3A_344, %get3A_345] {strides = array<i32>} : memref<64x256xf32, #tpu.memory_space<vmem>>, vector<16xf32>,
        %bitcast3A_347 = vector.bitcast %get3A_346 : vector<16xf32> to vector<32xbf16>
        %get3A_348 = arith.index_cast %scan3A_219 : i32 to index
        %get3A_349 = arith.constant 112 : index
        %get3A_350 = tpu.vector_load %arg16[%get3A_348, %get3A_349] {strides = array<i32>} : memref<64x256xf32, #tpu.memory_space<vmem>>, vector<16xf32>,
        %bitcast3A_351 = vector.bitcast %get3A_350 : vector<16xf32> to vector<32xbf16>
        %add3A_352 = arith.addf %bitcast3A_347, %bitcast3A_351 : vector<32xbf16>
        %max3A_353 = arith.constant 0.000000e+00 : bf16
        %max3A_354 = vector.broadcast %max3A_353 : bf16 to vector<32xbf16>
        %max3A_355 = arith.maximumf %add3A_352, %max3A_354 : vector<32xbf16>
        %unpack3A_356 = tpu.unpack_subelements %max3A_355, 0 {pack_format = #tpu.pack_format<interleaved>} : vector<32xbf16> -> vector<16xf32>
        %unpack3A_357 = tpu.unpack_subelements %max3A_355, 1 {pack_format = #tpu.pack_format<interleaved>} : vector<32xbf16> -> vector<16xf32>
        %mul3A_358 = arith.mulf %unpack3A_356, %get3A_47 : vector<16xf32>
        %add3A_359 = arith.addf %add3A_343, %mul3A_358 : vector<16xf32>
        %mul3A_360 = arith.mulf %unpack3A_357, %get3A_49 : vector<16xf32>
        %add3A_361 = arith.addf %add3A_359, %mul3A_360 : vector<16xf32>
        %get3A_362 = arith.index_cast %scan3A_219 : i32 to index
        %get3A_363 = arith.constant 128 : index
        %get3A_364 = tpu.vector_load %arg15[%get3A_362, %get3A_363] {strides = array<i32>} : memref<64x256xf32, #tpu.memory_space<vmem>>, vector<16xf32>,
        %bitcast3A_365 = vector.bitcast %get3A_364 : vector<16xf32> to vector<32xbf16>
        %get3A_366 = arith.index_cast %scan3A_219 : i32 to index
        %get3A_367 = arith.constant 128 : index
        %get3A_368 = tpu.vector_load %arg16[%get3A_366, %get3A_367] {strides = array<i32>} : memref<64x256xf32, #tpu.memory_space<vmem>>, vector<16xf32>,
        %bitcast3A_369 = vector.bitcast %get3A_368 : vector<16xf32> to vector<32xbf16>
        %add3A_370 = arith.addf %bitcast3A_365, %bitcast3A_369 : vector<32xbf16>
        %max3A_371 = arith.constant 0.000000e+00 : bf16
        %max3A_372 = vector.broadcast %max3A_371 : bf16 to vector<32xbf16>
        %max3A_373 = arith.maximumf %add3A_370, %max3A_372 : vector<32xbf16>
        %unpack3A_374 = tpu.unpack_subelements %max3A_373, 0 {pack_format = #tpu.pack_format<interleaved>} : vector<32xbf16> -> vector<16xf32>
        %unpack3A_375 = tpu.unpack_subelements %max3A_373, 1 {pack_format = #tpu.pack_format<interleaved>} : vector<32xbf16> -> vector<16xf32>
        %mul3A_376 = arith.mulf %unpack3A_374, %get3A_51 : vector<16xf32>
        %add3A_377 = arith.addf %add3A_361, %mul3A_376 : vector<16xf32>
        %mul3A_378 = arith.mulf %unpack3A_375, %get3A_53 : vector<16xf32>
        %add3A_379 = arith.addf %add3A_377, %mul3A_378 : vector<16xf32>
        %get3A_380 = arith.index_cast %scan3A_219 : i32 to index
        %get3A_381 = arith.constant 144 : index
        %get3A_382 = tpu.vector_load %arg15[%get3A_380, %get3A_381] {strides = array<i32>} : memref<64x256xf32, #tpu.memory_space<vmem>>, vector<16xf32>,
        %bitcast3A_383 = vector.bitcast %get3A_382 : vector<16xf32> to vector<32xbf16>
        %get3A_384 = arith.index_cast %scan3A_219 : i32 to index
        %get3A_385 = arith.constant 144 : index
        %get3A_386 = tpu.vector_load %arg16[%get3A_384, %get3A_385] {strides = array<i32>} : memref<64x256xf32, #tpu.memory_space<vmem>>, vector<16xf32>,
        %bitcast3A_387 = vector.bitcast %get3A_386 : vector<16xf32> to vector<32xbf16>
        %add3A_388 = arith.addf %bitcast3A_383, %bitcast3A_387 : vector<32xbf16>
        %max3A_389 = arith.constant 0.000000e+00 : bf16
        %max3A_390 = vector.broadcast %max3A_389 : bf16 to vector<32xbf16>
        %max3A_391 = arith.maximumf %add3A_388, %max3A_390 : vector<32xbf16>
        %unpack3A_392 = tpu.unpack_subelements %max3A_391, 0 {pack_format = #tpu.pack_format<interleaved>} : vector<32xbf16> -> vector<16xf32>
        %unpack3A_393 = tpu.unpack_subelements %max3A_391, 1 {pack_format = #tpu.pack_format<interleaved>} : vector<32xbf16> -> vector<16xf32>
        %mul3A_394 = arith.mulf %unpack3A_392, %get3A_55 : vector<16xf32>
        %add3A_395 = arith.addf %add3A_379, %mul3A_394 : vector<16xf32>
        %mul3A_396 = arith.mulf %unpack3A_393, %get3A_57 : vector<16xf32>
        %add3A_397 = arith.addf %add3A_395, %mul3A_396 : vector<16xf32>
        %get3A_398 = arith.index_cast %scan3A_219 : i32 to index
        %get3A_399 = arith.constant 160 : index
        %get3A_400 = tpu.vector_load %arg15[%get3A_398, %get3A_399] {strides = array<i32>} : memref<64x256xf32, #tpu.memory_space<vmem>>, vector<16xf32>,
        %bitcast3A_401 = vector.bitcast %get3A_400 : vector<16xf32> to vector<32xbf16>
        %get3A_402 = arith.index_cast %scan3A_219 : i32 to index
        %get3A_403 = arith.constant 160 : index
        %get3A_404 = tpu.vector_load %arg16[%get3A_402, %get3A_403] {strides = array<i32>} : memref<64x256xf32, #tpu.memory_space<vmem>>, vector<16xf32>,
        %bitcast3A_405 = vector.bitcast %get3A_404 : vector<16xf32> to vector<32xbf16>
        %add3A_406 = arith.addf %bitcast3A_401, %bitcast3A_405 : vector<32xbf16>
        %max3A_407 = arith.constant 0.000000e+00 : bf16
        %max3A_408 = vector.broadcast %max3A_407 : bf16 to vector<32xbf16>
        %max3A_409 = arith.maximumf %add3A_406, %max3A_408 : vector<32xbf16>
        %unpack3A_410 = tpu.unpack_subelements %max3A_409, 0 {pack_format = #tpu.pack_format<interleaved>} : vector<32xbf16> -> vector<16xf32>
        %unpack3A_411 = tpu.unpack_subelements %max3A_409, 1 {pack_format = #tpu.pack_format<interleaved>} : vector<32xbf16> -> vector<16xf32>
        %mul3A_412 = arith.mulf %unpack3A_410, %get3A_59 : vector<16xf32>
        %add3A_413 = arith.addf %add3A_397, %mul3A_412 : vector<16xf32>
        %mul3A_414 = arith.mulf %unpack3A_411, %get3A_61 : vector<16xf32>
        %add3A_415 = arith.addf %add3A_413, %mul3A_414 : vector<16xf32>
        %get3A_416 = arith.index_cast %scan3A_219 : i32 to index
        %get3A_417 = arith.constant 176 : index
        %get3A_418 = tpu.vector_load %arg15[%get3A_416, %get3A_417] {strides = array<i32>} : memref<64x256xf32, #tpu.memory_space<vmem>>, vector<16xf32>,
        %bitcast3A_419 = vector.bitcast %get3A_418 : vector<16xf32> to vector<32xbf16>
        %get3A_420 = arith.index_cast %scan3A_219 : i32 to index
        %get3A_421 = arith.constant 176 : index
        %get3A_422 = tpu.vector_load %arg16[%get3A_420, %get3A_421] {strides = array<i32>} : memref<64x256xf32, #tpu.memory_space<vmem>>, vector<16xf32>,
        %bitcast3A_423 = vector.bitcast %get3A_422 : vector<16xf32> to vector<32xbf16>
        %add3A_424 = arith.addf %bitcast3A_419, %bitcast3A_423 : vector<32xbf16>
        %max3A_425 = arith.constant 0.000000e+00 : bf16
        %max3A_426 = vector.broadcast %max3A_425 : bf16 to vector<32xbf16>
        %max3A_427 = arith.maximumf %add3A_424, %max3A_426 : vector<32xbf16>
        %unpack3A_428 = tpu.unpack_subelements %max3A_427, 0 {pack_format = #tpu.pack_format<interleaved>} : vector<32xbf16> -> vector<16xf32>
        %unpack3A_429 = tpu.unpack_subelements %max3A_427, 1 {pack_format = #tpu.pack_format<interleaved>} : vector<32xbf16> -> vector<16xf32>
        %mul3A_430 = arith.mulf %unpack3A_428, %get3A_63 : vector<16xf32>
        %add3A_431 = arith.addf %add3A_415, %mul3A_430 : vector<16xf32>
        %mul3A_432 = arith.mulf %unpack3A_429, %get3A_65 : vector<16xf32>
        %add3A_433 = arith.addf %add3A_431, %mul3A_432 : vector<16xf32>
        %get3A_434 = arith.index_cast %scan3A_219 : i32 to index
        %get3A_435 = arith.constant 192 : index
        %get3A_436 = tpu.vector_load %arg15[%get3A_434, %get3A_435] {strides = array<i32>} : memref<64x256xf32, #tpu.memory_space<vmem>>, vector<16xf32>,
        %bitcast3A_437 = vector.bitcast %get3A_436 : vector<16xf32> to vector<32xbf16>
        %get3A_438 = arith.index_cast %scan3A_219 : i32 to index
        %get3A_439 = arith.constant 192 : index
        %get3A_440 = tpu.vector_load %arg16[%get3A_438, %get3A_439] {strides = array<i32>} : memref<64x256xf32, #tpu.memory_space<vmem>>, vector<16xf32>,
        %bitcast3A_441 = vector.bitcast %get3A_440 : vector<16xf32> to vector<32xbf16>
        %add3A_442 = arith.addf %bitcast3A_437, %bitcast3A_441 : vector<32xbf16>
        %max3A_443 = arith.constant 0.000000e+00 : bf16
        %max3A_444 = vector.broadcast %max3A_443 : bf16 to vector<32xbf16>
        %max3A_445 = arith.maximumf %add3A_442, %max3A_444 : vector<32xbf16>
        %unpack3A_446 = tpu.unpack_subelements %max3A_445, 0 {pack_format = #tpu.pack_format<interleaved>} : vector<32xbf16> -> vector<16xf32>
        %unpack3A_447 = tpu.unpack_subelements %max3A_445, 1 {pack_format = #tpu.pack_format<interleaved>} : vector<32xbf16> -> vector<16xf32>
        %mul3A_448 = arith.mulf %unpack3A_446, %get3A_67 : vector<16xf32>
        %add3A_449 = arith.addf %add3A_433, %mul3A_448 : vector<16xf32>
        %mul3A_450 = arith.mulf %unpack3A_447, %get3A_69 : vector<16xf32>
        %add3A_451 = arith.addf %add3A_449, %mul3A_450 : vector<16xf32>
        %get3A_452 = arith.index_cast %scan3A_219 : i32 to index
        %get3A_453 = arith.constant 208 : index
        %get3A_454 = tpu.vector_load %arg15[%get3A_452, %get3A_453] {strides = array<i32>} : memref<64x256xf32, #tpu.memory_space<vmem>>, vector<16xf32>,
        %bitcast3A_455 = vector.bitcast %get3A_454 : vector<16xf32> to vector<32xbf16>
        %get3A_456 = arith.index_cast %scan3A_219 : i32 to index
        %get3A_457 = arith.constant 208 : index
        %get3A_458 = tpu.vector_load %arg16[%get3A_456, %get3A_457] {strides = array<i32>} : memref<64x256xf32, #tpu.memory_space<vmem>>, vector<16xf32>,
        %bitcast3A_459 = vector.bitcast %get3A_458 : vector<16xf32> to vector<32xbf16>
        %add3A_460 = arith.addf %bitcast3A_455, %bitcast3A_459 : vector<32xbf16>
        %max3A_461 = arith.constant 0.000000e+00 : bf16
        %max3A_462 = vector.broadcast %max3A_461 : bf16 to vector<32xbf16>
        %max3A_463 = arith.maximumf %add3A_460, %max3A_462 : vector<32xbf16>
        %unpack3A_464 = tpu.unpack_subelements %max3A_463, 0 {pack_format = #tpu.pack_format<interleaved>} : vector<32xbf16> -> vector<16xf32>
        %unpack3A_465 = tpu.unpack_subelements %max3A_463, 1 {pack_format = #tpu.pack_format<interleaved>} : vector<32xbf16> -> vector<16xf32>
        %mul3A_466 = arith.mulf %unpack3A_464, %get3A_71 : vector<16xf32>
        %add3A_467 = arith.addf %add3A_451, %mul3A_466 : vector<16xf32>
        %mul3A_468 = arith.mulf %unpack3A_465, %get3A_73 : vector<16xf32>
        %add3A_469 = arith.addf %add3A_467, %mul3A_468 : vector<16xf32>
        %get3A_470 = arith.index_cast %scan3A_219 : i32 to index
        %get3A_471 = arith.constant 224 : index
        %get3A_472 = tpu.vector_load %arg15[%get3A_470, %get3A_471] {strides = array<i32>} : memref<64x256xf32, #tpu.memory_space<vmem>>, vector<16xf32>,
        %bitcast3A_473 = vector.bitcast %get3A_472 : vector<16xf32> to vector<32xbf16>
        %get3A_474 = arith.index_cast %scan3A_219 : i32 to index
        %get3A_475 = arith.constant 224 : index
        %get3A_476 = tpu.vector_load %arg16[%get3A_474, %get3A_475] {strides = array<i32>} : memref<64x256xf32, #tpu.memory_space<vmem>>, vector<16xf32>,
        %bitcast3A_477 = vector.bitcast %get3A_476 : vector<16xf32> to vector<32xbf16>
        %add3A_478 = arith.addf %bitcast3A_473, %bitcast3A_477 : vector<32xbf16>
        %max3A_479 = arith.constant 0.000000e+00 : bf16
        %max3A_480 = vector.broadcast %max3A_479 : bf16 to vector<32xbf16>
        %max3A_481 = arith.maximumf %add3A_478, %max3A_480 : vector<32xbf16>
        %unpack3A_482 = tpu.unpack_subelements %max3A_481, 0 {pack_format = #tpu.pack_format<interleaved>} : vector<32xbf16> -> vector<16xf32>
        %unpack3A_483 = tpu.unpack_subelements %max3A_481, 1 {pack_format = #tpu.pack_format<interleaved>} : vector<32xbf16> -> vector<16xf32>
        %mul3A_484 = arith.mulf %unpack3A_482, %get3A_75 : vector<16xf32>
        %add3A_485 = arith.addf %add3A_469, %mul3A_484 : vector<16xf32>
        %mul3A_486 = arith.mulf %unpack3A_483, %get3A_77 : vector<16xf32>
        %add3A_487 = arith.addf %add3A_485, %mul3A_486 : vector<16xf32>
        %get3A_488 = arith.index_cast %scan3A_219 : i32 to index
        %get3A_489 = arith.constant 240 : index
        %get3A_490 = tpu.vector_load %arg15[%get3A_488, %get3A_489] {strides = array<i32>} : memref<64x256xf32, #tpu.memory_space<vmem>>, vector<16xf32>,
        %bitcast3A_491 = vector.bitcast %get3A_490 : vector<16xf32> to vector<32xbf16>
        %get3A_492 = arith.index_cast %scan3A_219 : i32 to index
        %get3A_493 = arith.constant 240 : index
        %get3A_494 = tpu.vector_load %arg16[%get3A_492, %get3A_493] {strides = array<i32>} : memref<64x256xf32, #tpu.memory_space<vmem>>, vector<16xf32>,
        %bitcast3A_495 = vector.bitcast %get3A_494 : vector<16xf32> to vector<32xbf16>
        %add3A_496 = arith.addf %bitcast3A_491, %bitcast3A_495 : vector<32xbf16>
        %max3A_497 = arith.constant 0.000000e+00 : bf16
        %max3A_498 = vector.broadcast %max3A_497 : bf16 to vector<32xbf16>
        %max3A_499 = arith.maximumf %add3A_496, %max3A_498 : vector<32xbf16>
        %unpack3A_500 = tpu.unpack_subelements %max3A_499, 0 {pack_format = #tpu.pack_format<interleaved>} : vector<32xbf16> -> vector<16xf32>
        %unpack3A_501 = tpu.unpack_subelements %max3A_499, 1 {pack_format = #tpu.pack_format<interleaved>} : vector<32xbf16> -> vector<16xf32>
        %mul3A_502 = arith.mulf %unpack3A_500, %get3A_79 : vector<16xf32>
        %add3A_503 = arith.addf %add3A_487, %mul3A_502 : vector<16xf32>
        %mul3A_504 = arith.mulf %unpack3A_501, %get3A_81 : vector<16xf32>
        %add3A_505 = arith.addf %add3A_503, %mul3A_504 : vector<16xf32>
        %mul3A_506 = arith.constant 16 : i32
        %mul3A_507 = arith.muli %scan3A_219, %mul3A_506 : i32
        %swap3A = arith.index_cast %mul3A_507 : i32 to index
        %swap3A_508 = tpu.vector_load %arg17[%swap3A] {strides = array<i32>} : memref<1024xf32, #tpu.memory_space<vmem>>, vector<16xf32>,
        tpu.vector_store %arg17[%swap3A], %add3A_505 {strides = array<i32>} : memref<1024xf32, #tpu.memory_space<vmem>>, vector<16xf32>,
        %scan3A_509 = arith.constant 0 : i32
        scf.yield %scan3A_509 : i32
      }
      %scan3A_210 = arith.constant 64 : i32
      %scan3A_211 = arith.constant 0 : i32
      %scan3A_212 = arith.constant 0 : i32
      %scan3A_213 = arith.constant 4 : i32
      %scan3A_214 = arith.addi %scan3A_212, %scan3A_213 : i32
      %scan3A_215 = arith.constant 1 : i32
      %scan3A_216 = scf.for %scan3A_219 = %scan3A_212 to %scan3A_214 step %scan3A_215 iter_args(%scan3A_220 = %scan3A_211) -> (i32)  : i32 {
        %mul3A_221 = arith.constant 16 : i32
        %mul3A_222 = arith.muli %scan3A_219, %mul3A_221 : i32
        %add3A_223 = vector.broadcast %mul3A_222 : i32 to vector<16xi32>
        %add3A_224 = arith.addi %add3A_223, %iota3A : vector<16xi32>
        %mul3A_225 = arith.constant 16 : i32
        %mul3A_226 = vector.broadcast %mul3A_225 : i32 to vector<16xi32>
        %mul3A_227 = arith.muli %add3A_224, %mul3A_226 : vector<16xi32>
        %broadcast_in_dim3A_228 = arith.constant 0.000000e+00 : f32
        %broadcast_in_dim3A_229 = vector.broadcast %broadcast_in_dim3A_228 : f32 to vector<16xf32>
        %add3A_230 = arith.constant 0 : i32
        %add3A_231 = vector.broadcast %add3A_230 : i32 to vector<16xi32>
        %add3A_232 = arith.addi %mul3A_227, %add3A_231 : vector<16xi32>
        %gather3A = tpu.vector_load_idx %arg17[%add3A_232] : memref<1024xf32, #tpu.memory_space<vmem>>[vector<16xi32>], vector<16xf32>,
        %add3A_233 = arith.addf %broadcast_in_dim3A_229, %gather3A : vector<16xf32>
        %add3A_234 = arith.constant 1 : i32
        %add3A_235 = vector.broadcast %add3A_234 : i32 to vector<16xi32>
        %add3A_236 = arith.addi %mul3A_227, %add3A_235 : vector<16xi32>
        %gather3A_237 = tpu.vector_load_idx %arg17[%add3A_236] : memref<1024xf32, #tpu.memory_space<vmem>>[vector<16xi32>], vector<16xf32>,
        %add3A_238 = arith.addf %add3A_233, %gather3A_237 : vector<16xf32>
        %add3A_239 = arith.constant 2 : i32
        %add3A_240 = vector.broadcast %add3A_239 : i32 to vector<16xi32>
        %add3A_241 = arith.addi %mul3A_227, %add3A_240 : vector<16xi32>
        %gather3A_242 = tpu.vector_load_idx %arg17[%add3A_241] : memref<1024xf32, #tpu.memory_space<vmem>>[vector<16xi32>], vector<16xf32>,
        %add3A_243 = arith.addf %add3A_238, %gather3A_242 : vector<16xf32>
        %add3A_244 = arith.constant 3 : i32
        %add3A_245 = vector.broadcast %add3A_244 : i32 to vector<16xi32>
        %add3A_246 = arith.addi %mul3A_227, %add3A_245 : vector<16xi32>
        %gather3A_247 = tpu.vector_load_idx %arg17[%add3A_246] : memref<1024xf32, #tpu.memory_space<vmem>>[vector<16xi32>], vector<16xf32>,
        %add3A_248 = arith.addf %add3A_243, %gather3A_247 : vector<16xf32>
        %add3A_249 = arith.constant 4 : i32
        %add3A_250 = vector.broadcast %add3A_249 : i32 to vector<16xi32>
        %add3A_251 = arith.addi %mul3A_227, %add3A_250 : vector<16xi32>
        %gather3A_252 = tpu.vector_load_idx %arg17[%add3A_251] : memref<1024xf32, #tpu.memory_space<vmem>>[vector<16xi32>], vector<16xf32>,
        %add3A_253 = arith.addf %add3A_248, %gather3A_252 : vector<16xf32>
        %add3A_254 = arith.constant 5 : i32
        %add3A_255 = vector.broadcast %add3A_254 : i32 to vector<16xi32>
        %add3A_256 = arith.addi %mul3A_227, %add3A_255 : vector<16xi32>
        %gather3A_257 = tpu.vector_load_idx %arg17[%add3A_256] : memref<1024xf32, #tpu.memory_space<vmem>>[vector<16xi32>], vector<16xf32>,
        %add3A_258 = arith.addf %add3A_253, %gather3A_257 : vector<16xf32>
        %add3A_259 = arith.constant 6 : i32
        %add3A_260 = vector.broadcast %add3A_259 : i32 to vector<16xi32>
        %add3A_261 = arith.addi %mul3A_227, %add3A_260 : vector<16xi32>
        %gather3A_262 = tpu.vector_load_idx %arg17[%add3A_261] : memref<1024xf32, #tpu.memory_space<vmem>>[vector<16xi32>], vector<16xf32>,
        %add3A_263 = arith.addf %add3A_258, %gather3A_262 : vector<16xf32>
        %add3A_264 = arith.constant 7 : i32
        %add3A_265 = vector.broadcast %add3A_264 : i32 to vector<16xi32>
        %add3A_266 = arith.addi %mul3A_227, %add3A_265 : vector<16xi32>
        %gather3A_267 = tpu.vector_load_idx %arg17[%add3A_266] : memref<1024xf32, #tpu.memory_space<vmem>>[vector<16xi32>], vector<16xf32>,
        %add3A_268 = arith.addf %add3A_263, %gather3A_267 : vector<16xf32>
        %add3A_269 = arith.constant 8 : i32
        %add3A_270 = vector.broadcast %add3A_269 : i32 to vector<16xi32>
        %add3A_271 = arith.addi %mul3A_227, %add3A_270 : vector<16xi32>
        %gather3A_272 = tpu.vector_load_idx %arg17[%add3A_271] : memref<1024xf32, #tpu.memory_space<vmem>>[vector<16xi32>], vector<16xf32>,
        %add3A_273 = arith.addf %add3A_268, %gather3A_272 : vector<16xf32>
        %add3A_274 = arith.constant 9 : i32
        %add3A_275 = vector.broadcast %add3A_274 : i32 to vector<16xi32>
        %add3A_276 = arith.addi %mul3A_227, %add3A_275 : vector<16xi32>
        %gather3A_277 = tpu.vector_load_idx %arg17[%add3A_276] : memref<1024xf32, #tpu.memory_space<vmem>>[vector<16xi32>], vector<16xf32>,
        %add3A_278 = arith.addf %add3A_273, %gather3A_277 : vector<16xf32>
        %add3A_279 = arith.constant 10 : i32
        %add3A_280 = vector.broadcast %add3A_279 : i32 to vector<16xi32>
        %add3A_281 = arith.addi %mul3A_227, %add3A_280 : vector<16xi32>
        %gather3A_282 = tpu.vector_load_idx %arg17[%add3A_281] : memref<1024xf32, #tpu.memory_space<vmem>>[vector<16xi32>], vector<16xf32>,
        %add3A_283 = arith.addf %add3A_278, %gather3A_282 : vector<16xf32>
        %add3A_284 = arith.constant 11 : i32
        %add3A_285 = vector.broadcast %add3A_284 : i32 to vector<16xi32>
        %add3A_286 = arith.addi %mul3A_227, %add3A_285 : vector<16xi32>
        %gather3A_287 = tpu.vector_load_idx %arg17[%add3A_286] : memref<1024xf32, #tpu.memory_space<vmem>>[vector<16xi32>], vector<16xf32>,
        %add3A_288 = arith.addf %add3A_283, %gather3A_287 : vector<16xf32>
        %add3A_289 = arith.constant 12 : i32
        %add3A_290 = vector.broadcast %add3A_289 : i32 to vector<16xi32>
        %add3A_291 = arith.addi %mul3A_227, %add3A_290 : vector<16xi32>
        %gather3A_292 = tpu.vector_load_idx %arg17[%add3A_291] : memref<1024xf32, #tpu.memory_space<vmem>>[vector<16xi32>], vector<16xf32>,
        %add3A_293 = arith.addf %add3A_288, %gather3A_292 : vector<16xf32>
        %add3A_294 = arith.constant 13 : i32
        %add3A_295 = vector.broadcast %add3A_294 : i32 to vector<16xi32>
        %add3A_296 = arith.addi %mul3A_227, %add3A_295 : vector<16xi32>
        %gather3A_297 = tpu.vector_load_idx %arg17[%add3A_296] : memref<1024xf32, #tpu.memory_space<vmem>>[vector<16xi32>], vector<16xf32>,
        %add3A_298 = arith.addf %add3A_293, %gather3A_297 : vector<16xf32>
        %add3A_299 = arith.constant 14 : i32
        %add3A_300 = vector.broadcast %add3A_299 : i32 to vector<16xi32>
        %add3A_301 = arith.addi %mul3A_227, %add3A_300 : vector<16xi32>
        %gather3A_302 = tpu.vector_load_idx %arg17[%add3A_301] : memref<1024xf32, #tpu.memory_space<vmem>>[vector<16xi32>], vector<16xf32>,
        %add3A_303 = arith.addf %add3A_298, %gather3A_302 : vector<16xf32>
        %add3A_304 = arith.constant 15 : i32
        %add3A_305 = vector.broadcast %add3A_304 : i32 to vector<16xi32>
        %add3A_306 = arith.addi %mul3A_227, %add3A_305 : vector<16xi32>
        %gather3A_307 = tpu.vector_load_idx %arg17[%add3A_306] : memref<1024xf32, #tpu.memory_space<vmem>>[vector<16xi32>], vector<16xf32>,
        %add3A_308 = arith.addf %add3A_303, %gather3A_307 : vector<16xf32>
        %mul3A_309 = arith.constant 64 : i32
        %mul3A_310 = arith.muli %add3A_203, %mul3A_309 : i32
        %mul3A_311 = arith.constant 16 : i32
        %mul3A_312 = arith.muli %scan3A_219, %mul3A_311 : i32
        %add3A_313 = arith.addi %mul3A_310, %mul3A_312 : i32
        %get3A_314 = arith.index_cast %add3A_313 : i32 to index
        %get3A_315 = tpu.vector_load %arg12[%get3A_314] {strides = array<i32>} : memref<5888xi32, #tpu.memory_space<vmem>>, vector<16xi32>,
        tpu.vector_store_idx %arg20[%get3A_315], %add3A_308 {add = true} : memref<10240xf32, #tpu.memory_space<vmem>>[vector<16xi32>], vector<16xf32>,
        %scan3A_316 = arith.constant 0 : i32
        scf.yield %scan3A_316 : i32
      }
      %scan3A_217 = arith.constant 4 : i32
      %while3A_218 = arith.constant 0 : i32
      scf.yield %while3A_218 : i32
    }
    %dma_wait3A = arith.constant 0 : i32
    %dma_wait3A_125 = tpu.memref_slice %arg10[%dma_wait3A] : memref<5888xi32, #tpu.memory_space<vmem>> -> memref<64xi32, #tpu.memory_space<vmem>>
    %dma_wait3A_126 = arith.constant 0 : i32
    %dma_wait3A_127 = arith.constant 0 : i32
    %dma_wait3A_128 = tpu.memref_slice %arg2[%dma_wait3A_126, %dma_wait3A_127] : memref<10000x256xf32, #tpu.memory_space<hbm>> -> memref<10000x256xf32, #tpu.memory_space<hbm>>
    tpu.wait_indirect_dma semaphore(%arg21 : memref<!tpu.dma_semaphore, #tpu.memory_space<semaphore_mem>>) src(%dma_wait3A_128 : memref<10000x256xf32, #tpu.memory_space<hbm>>) dst(%arg13 : memref<64x256xf32, #tpu.memory_space<vmem>>)
    %dma_wait3A_129 = arith.constant 0 : i32
    %dma_wait3A_130 = tpu.memref_slice %arg11[%dma_wait3A_129] : memref<5888xi32, #tpu.memory_space<vmem>> -> memref<64xi32, #tpu.memory_space<vmem>>
    %dma_wait3A_131 = arith.constant 0 : i32
    %dma_wait3A_132 = arith.constant 0 : i32
    %dma_wait3A_133 = tpu.memref_slice %arg3[%dma_wait3A_131, %dma_wait3A_132] : memref<10000x256xf32, #tpu.memory_space<hbm>> -> memref<10000x256xf32, #tpu.memory_space<hbm>>
    tpu.wait_indirect_dma semaphore(%arg22 : memref<!tpu.dma_semaphore, #tpu.memory_space<semaphore_mem>>) src(%dma_wait3A_133 : memref<10000x256xf32, #tpu.memory_space<hbm>>) dst(%arg14 : memref<64x256xf32, #tpu.memory_space<vmem>>)
    "tpu.region"() ({
      %run_scoped3A = tpu.sem_alloc : memref<!tpu.dma_semaphore, #tpu.memory_space<semaphore_mem>>
      %dma_start3A_134 = arith.constant 0 : i32
      %dma_start3A_135 = tpu.memref_slice %arg9[%add3A, %dma_start3A_134] : memref<32x10240xf32, #tpu.memory_space<hbm>> -> memref<1x10240xf32, #tpu.memory_space<hbm>>
      %dma_start3A_136 = tpu.memref_squeeze %dma_start3A_135 : memref<1x10240xf32, #tpu.memory_space<hbm>> -> memref<10240xf32, #tpu.memory_space<hbm>>
      %dma_start3A_137 = arith.constant 0 : i32
      %dma_start3A_138 = tpu.memref_slice %arg9[%add3A, %dma_start3A_137] : memref<32x10240xf32, #tpu.memory_space<hbm>> -> memref<1x10240xf32, #tpu.memory_space<hbm>>
      %dma_start3A_139 = tpu.memref_squeeze %dma_start3A_138 : memref<1x10240xf32, #tpu.memory_space<hbm>> -> memref<10240xf32, #tpu.memory_space<hbm>>
      tpu.enqueue_dma source(%arg20 : memref<10240xf32, #tpu.memory_space<vmem>>) target(%dma_start3A_139 : memref<10240xf32, #tpu.memory_space<hbm>>) target_semaphore(%run_scoped3A : memref<!tpu.dma_semaphore, #tpu.memory_space<semaphore_mem>>)
      %dma_wait3A_140 = arith.constant 0 : i32
      %dma_wait3A_141 = tpu.memref_slice %arg9[%add3A, %dma_wait3A_140] : memref<32x10240xf32, #tpu.memory_space<hbm>> -> memref<1x10240xf32, #tpu.memory_space<hbm>>
      %dma_wait3A_142 = tpu.memref_squeeze %dma_wait3A_141 : memref<1x10240xf32, #tpu.memory_space<hbm>> -> memref<10240xf32, #tpu.memory_space<hbm>>
      %dma_wait3A_143 = arith.constant 0 : i32
      %dma_wait3A_144 = tpu.memref_slice %arg9[%add3A, %dma_wait3A_143] : memref<32x10240xf32, #tpu.memory_space<hbm>> -> memref<1x10240xf32, #tpu.memory_space<hbm>>
      %dma_wait3A_145 = tpu.memref_squeeze %dma_wait3A_144 : memref<1x10240xf32, #tpu.memory_space<hbm>> -> memref<10240xf32, #tpu.memory_space<hbm>>
      tpu.wait_dma2 semaphore(%run_scoped3A : memref<!tpu.dma_semaphore, #tpu.memory_space<semaphore_mem>>) src(%arg20 : memref<10240xf32, #tpu.memory_space<vmem>>) dst(%dma_wait3A_145 : memref<10240xf32, #tpu.memory_space<hbm>>)
      tpu.yield
    }) : () -> ()
    return
  }
}

module attributes {stable_mosaic.version = 14 : i64} {
  func.func @_proj_body(%arg0: i32, %arg1: memref<1000x256xf32, #tpu.memory_space<vmem>>, %arg2: memref<1000x256xf32, #tpu.memory_space<vmem>>, %arg3: memref<256x512xf32, #tpu.memory_space<vmem>>, %arg4: memref<256x512xf32, #tpu.memory_space<vmem>>, %arg5: memref<1x512xf32, #tpu.memory_space<vmem>>, %arg6: memref<1000x256xf32, #tpu.memory_space<vmem>>, %arg7: memref<1000x256xf32, #tpu.memory_space<vmem>>) attributes {dimension_semantics = [#tpu.dimension_semantics<arbitrary>], iteration_bounds = array<i64: 10>, scalar_prefetch = 0 : i64, scratch_operands = 0 : i64, tpu.core_type = #tpu.core_type<tc>, window_params = [{transform_indices = @transform_0, window_bounds = array<i64: 1000, 256>}, {transform_indices = @transform_1, window_bounds = array<i64: 1000, 256>}, {pipeline_mode = #tpu.pipeline_mode<synchronous>, transform_indices = @transform_2, window_bounds = array<i64: 256, 512>}, {pipeline_mode = #tpu.pipeline_mode<synchronous>, transform_indices = @transform_3, window_bounds = array<i64: 256, 512>}, {pipeline_mode = #tpu.pipeline_mode<synchronous>, transform_indices = @transform_4, window_bounds = array<i64: 1, 512>}, {transform_indices = @transform_5, window_bounds = array<i64: 1000, 256>}, {transform_indices = @transform_6, window_bounds = array<i64: 1000, 256>}]} {
    %get3A = arith.constant 0 : index
    %get3A_0 = arith.constant 0 : index
    %get3A_1 = vector.load %arg1[%get3A, %get3A_0] : memref<1000x256xf32, #tpu.memory_space<vmem>>, vector<1000x256xf32>
    %get3A_2 = arith.constant 0 : index
    %get3A_3 = arith.constant 0 : index
    %get3A_4 = vector.load %arg3[%get3A_2, %get3A_3] : memref<256x512xf32, #tpu.memory_space<vmem>>, vector<256x512xf32>
    %dot_general3A = arith.constant dense<0.000000e+00> : vector<1000x512xf32>
    %dot_general3A_5 = tpu.matmul %get3A_1, %get3A_4, %dot_general3A {dimension_numbers = #tpu.dot_dimension_numbers<[1], [0], [0], [1], [0, 0, 1, 1], [], []>, transpose_lhs_hint = false} : vector<1000x256xf32>, vector<256x512xf32>, vector<1000x512xf32> -> vector<1000x512xf32>
    %get3A_6 = arith.constant 0 : index
    %get3A_7 = arith.constant 0 : index
    %get3A_8 = vector.load %arg5[%get3A_6, %get3A_7] : memref<1x512xf32, #tpu.memory_space<vmem>>, vector<1x512xf32>
    %add3A = vector.broadcast %get3A_8 : vector<1x512xf32> to vector<1000x512xf32>
    %add3A_9 = arith.addf %dot_general3A_5, %add3A : vector<1000x512xf32>
    %slice3A = vector.extract_strided_slice %add3A_9 {offsets = [0, 0], sizes = [1000, 256], strides = [1, 1]} : vector<1000x512xf32> to vector<1000x256xf32>
    %convert_element_type3A = arith.truncf %slice3A : vector<1000x256xf32> to vector<1000x256xbf16>
    %bitcast_convert_type3A = tpu.bitcast %convert_element_type3A : vector<1000x256xbf16> -> vector<1000x256xi16>
    %convert_element_type3A_10 = arith.extui %bitcast_convert_type3A : vector<1000x256xi16> to vector<1000x256xi32>
    %slice3A_11 = vector.extract_strided_slice %add3A_9 {offsets = [0, 256], sizes = [1000, 256], strides = [1, 1]} : vector<1000x512xf32> to vector<1000x256xf32>
    %convert_element_type3A_12 = arith.truncf %slice3A_11 : vector<1000x256xf32> to vector<1000x256xbf16>
    %bitcast_convert_type3A_13 = tpu.bitcast %convert_element_type3A_12 : vector<1000x256xbf16> -> vector<1000x256xi16>
    %convert_element_type3A_14 = arith.extui %bitcast_convert_type3A_13 : vector<1000x256xi16> to vector<1000x256xi32>
    %shift_left3A = arith.constant 16 : i32
    %shift_left3A_15 = vector.broadcast %shift_left3A : i32 to vector<1000x256xi32>
    %shift_left3A_16 = arith.shli %convert_element_type3A_14, %shift_left3A_15 : vector<1000x256xi32>
    %or3A = arith.ori %convert_element_type3A_10, %shift_left3A_16 : vector<1000x256xi32>
    %bitcast_convert_type3A_17 = tpu.bitcast %or3A : vector<1000x256xi32> -> vector<1000x256xf32>
    %swap3A = arith.constant 0 : index
    %swap3A_18 = arith.constant 0 : index
    %swap3A_19 = vector.load %arg6[%swap3A, %swap3A_18] : memref<1000x256xf32, #tpu.memory_space<vmem>>, vector<1000x256xf32>
    tpu.vector_store %arg6[%swap3A, %swap3A_18], %bitcast_convert_type3A_17 {strides = array<i32>} : memref<1000x256xf32, #tpu.memory_space<vmem>>, vector<1000x256xf32>,
    %get3A_20 = arith.constant 0 : index
    %get3A_21 = arith.constant 0 : index
    %get3A_22 = vector.load %arg2[%get3A_20, %get3A_21] : memref<1000x256xf32, #tpu.memory_space<vmem>>, vector<1000x256xf32>
    %get3A_23 = arith.constant 0 : index
    %get3A_24 = arith.constant 0 : index
    %get3A_25 = vector.load %arg4[%get3A_23, %get3A_24] : memref<256x512xf32, #tpu.memory_space<vmem>>, vector<256x512xf32>
    %dot_general3A_26 = arith.constant dense<0.000000e+00> : vector<1000x512xf32>
    %dot_general3A_27 = tpu.matmul %get3A_22, %get3A_25, %dot_general3A_26 {dimension_numbers = #tpu.dot_dimension_numbers<[1], [0], [0], [1], [0, 0, 1, 1], [], []>, transpose_lhs_hint = false} : vector<1000x256xf32>, vector<256x512xf32>, vector<1000x512xf32> -> vector<1000x512xf32>
    %slice3A_28 = vector.extract_strided_slice %dot_general3A_27 {offsets = [0, 0], sizes = [1000, 256], strides = [1, 1]} : vector<1000x512xf32> to vector<1000x256xf32>
    %convert_element_type3A_29 = arith.truncf %slice3A_28 : vector<1000x256xf32> to vector<1000x256xbf16>
    %bitcast_convert_type3A_30 = tpu.bitcast %convert_element_type3A_29 : vector<1000x256xbf16> -> vector<1000x256xi16>
    %convert_element_type3A_31 = arith.extui %bitcast_convert_type3A_30 : vector<1000x256xi16> to vector<1000x256xi32>
    %slice3A_32 = vector.extract_strided_slice %dot_general3A_27 {offsets = [0, 256], sizes = [1000, 256], strides = [1, 1]} : vector<1000x512xf32> to vector<1000x256xf32>
    %convert_element_type3A_33 = arith.truncf %slice3A_32 : vector<1000x256xf32> to vector<1000x256xbf16>
    %bitcast_convert_type3A_34 = tpu.bitcast %convert_element_type3A_33 : vector<1000x256xbf16> -> vector<1000x256xi16>
    %convert_element_type3A_35 = arith.extui %bitcast_convert_type3A_34 : vector<1000x256xi16> to vector<1000x256xi32>
    %shift_left3A_36 = arith.constant 16 : i32
    %shift_left3A_37 = vector.broadcast %shift_left3A_36 : i32 to vector<1000x256xi32>
    %shift_left3A_38 = arith.shli %convert_element_type3A_35, %shift_left3A_37 : vector<1000x256xi32>
    %or3A_39 = arith.ori %convert_element_type3A_31, %shift_left3A_38 : vector<1000x256xi32>
    %bitcast_convert_type3A_40 = tpu.bitcast %or3A_39 : vector<1000x256xi32> -> vector<1000x256xf32>
    %swap3A_41 = arith.constant 0 : index
    %swap3A_42 = arith.constant 0 : index
    %swap3A_43 = vector.load %arg7[%swap3A_41, %swap3A_42] : memref<1000x256xf32, #tpu.memory_space<vmem>>, vector<1000x256xf32>
    tpu.vector_store %arg7[%swap3A_41, %swap3A_42], %bitcast_convert_type3A_40 {strides = array<i32>} : memref<1000x256xf32, #tpu.memory_space<vmem>>, vector<1000x256xf32>,
    return
  }
  func.func @transform_0(%arg0: i32) -> (i32, i32) {
    %c0_i32 = arith.constant 0 : i32
    %c0_i32_0 = arith.constant 0 : i32
    return %arg0, %c0_i32 : i32, i32
  }
  func.func @transform_1(%arg0: i32) -> (i32, i32) {
    %c0_i32 = arith.constant 0 : i32
    %c0_i32_0 = arith.constant 0 : i32
    return %arg0, %c0_i32 : i32, i32
  }
  func.func @transform_2(%arg0: i32) -> (i32, i32) {
    %c0_i32 = arith.constant 0 : i32
    %c0_i32_0 = arith.constant 0 : i32
    %c0_i32_1 = arith.constant 0 : i32
    return %c0_i32, %c0_i32_0 : i32, i32
  }
  func.func @transform_3(%arg0: i32) -> (i32, i32) {
    %c0_i32 = arith.constant 0 : i32
    %c0_i32_0 = arith.constant 0 : i32
    %c0_i32_1 = arith.constant 0 : i32
    return %c0_i32, %c0_i32_0 : i32, i32
  }
  func.func @transform_4(%arg0: i32) -> (i32, i32) {
    %c0_i32 = arith.constant 0 : i32
    %c0_i32_0 = arith.constant 0 : i32
    %c0_i32_1 = arith.constant 0 : i32
    return %c0_i32, %c0_i32_0 : i32, i32
  }
  func.func @transform_5(%arg0: i32) -> (i32, i32) {
    %c0_i32 = arith.constant 0 : i32
    %c0_i32_0 = arith.constant 0 : i32
    return %arg0, %c0_i32 : i32, i32
  }
  func.func @transform_6(%arg0: i32) -> (i32, i32) {
    %c0_i32 = arith.constant 0 : i32
    %c0_i32_0 = arith.constant 0 : i32
    return %arg0, %c0_i32 : i32, i32
  }
}

module attributes {stable_mosaic.version = 14 : i64} {
  func.func @_combine_body(%arg0: memref<32x10240xf32, #tpu.memory_space<vmem>>, %arg1: memref<10000x1xf32, #tpu.memory_space<vmem>>) attributes {dimension_semantics = [], scalar_prefetch = 0 : i64, scratch_operands = 0 : i64, tpu.core_type = #tpu.core_type<tc>} {
    %get3A = arith.constant 0 : index
    %get3A_0 = arith.constant 0 : index
    %get3A_1 = vector.load %arg0[%get3A, %get3A_0] : memref<32x10240xf32, #tpu.memory_space<vmem>>, vector<32x10240xf32>
    %reduce_sum3A = arith.constant dense<0.000000e+00> : vector<10240xf32>
    %reduce_sum3A_2 = vector.multi_reduction <add>, %get3A_1, %reduce_sum3A [0] : vector<32x10240xf32> to vector<10240xf32>
    %slice3A = vector.extract_strided_slice %reduce_sum3A_2 {offsets = [0], sizes = [10000], strides = [1]} : vector<10240xf32> to vector<10000xf32>
    %logistic3A = arith.negf %slice3A : vector<10000xf32>
    %logistic3A_3 = math.exp %logistic3A : vector<10000xf32>
    %logistic3A_4 = arith.constant 1.000000e+00 : f32
    %logistic3A_5 = vector.broadcast %logistic3A_4 : f32 to vector<10000xf32>
    %logistic3A_6 = arith.addf %logistic3A_5, %logistic3A_3 : vector<10000xf32>
    %logistic3A_7 = arith.divf %logistic3A_5, %logistic3A_6 : vector<10000xf32>
    %broadcast_in_dim3A = vector.shape_cast %logistic3A_7 : vector<10000xf32> to vector<10000x1xf32>
    %swap3A = arith.constant 0 : index
    %swap3A_8 = arith.constant 0 : index
    %swap3A_9 = vector.load %arg1[%swap3A, %swap3A_8] : memref<10000x1xf32, #tpu.memory_space<vmem>>, vector<10000x1xf32>
    tpu.vector_store %arg1[%swap3A, %swap3A_8], %broadcast_in_dim3A {strides = array<i32>} : memref<10000x1xf32, #tpu.memory_space<vmem>>, vector<10000x1xf32>,
    return
  }
}

</mosaic_0001>

<sc_bundles>
// kernel: kernel.5.cloned.1.call-start
scs
__scs_entry_jumppad:
0x0: {  	(pc) =	sbr.rel $0x88, $3  }
0x1: {  	(tag) =	ssettag $0x0;
	lr =	simm.s32 $0x1  }
0x2: {  	[smem:$0x3F9A] =	sst lr;
	_ =	strace $0xD0000000  }
0x3: {  	_ = 	snop  }
0x4: {  	_ = 	snop  }
0x5: {  	_ = 	snop  }
0x6: {  	_ = 	snop  }
0x7: {  	_ = 	snop  }
__scs_overlays_trampoline_lowered:
0x8: {  	[smem:$0x3FA9] =	sst s0  }
0x9: {  	[smem:$0x3FAA] =	sst s1  }
0xa: {  	[smem:$0x3FAB] =	sst s2  }
0xb: {  	[smem:$0x3FAC] =	sst s3  }
0xc: {  	[smem:$0x3FAD] =	sst s4  }
0xd: {  	[smem:$0x3FAE] =	sst s5  }
0xe: {  	[smem:$0x3FAF] =	sst s6  }
0xf: {  	[smem:$0x3FB0] =	sst s7  }
0x10: {  	[smem:$0x3FB1] =	sst s8  }
0x11: {  	[smem:$0x3FB2] =	sst s9;
	s0 =	simm.s32 @!p0 $0x0  }
0x12: {  	s1 =	sld [smem:$0x3F98];
	s0 =	simm.s32 @p0 $0x1  }
0x13: {  	[smem:$0x3FB3] =	sst s0;
	s0 =	simm.s32 @!p1 $0x0  }
0x14: {  	s2 =	sld [smem:$0x3F97];
	s0 =	simm.s32 @p1 $0x1  }
0x15: {  	[smem:$0x3FB4] =	sst s0;
	s0 =	simm.s32 @!p2 $0x0  }
0x16: {  	s3 =	sld [smem:$0x3FDB];
	s0 =	simm.s32 @p2 $0x1  }
0x17: {  	s4 =	simm.s32 $0x1BF5;
	[smem:$0x3FB6] =	sst s0  }
0x18: {  	s0 =	sld [smem:$0x3F99];
	_ =	swait.ge [sflag:s4], $0x0  }
0x19: {  	s7 =	sld [smem:$0x3F9A]  }
0x1a: {  	s8 =	sadd.s32 $0xFFFFE003, lr  }
0x1b: {  	s9 =	sadd.s32 $0xFFFFFEF7, lr;
	s5 =	simm.s32 $0xFFFFFFFF;
	p2 =	slt.u32 s8, $0xFFFFF086  }
0x1c: {  	p1 =	slt.u32 s9, $0xF7A;
	s5 =	simm.s32 @!p2 $0x0  }
0x1d: {  	s5 =	simm.s32 @p1 $0x1;
	p0 =	seq.s32 s7, s2  }
0x1e: {  	s7 =	smul.u32 @!p0 $0xF7A, s2;
	p2 =	seq.s32 @!p0 s5, $0x0  }
0x1f: {  	s9 =	smul.u32 $0xF7A, s1;
	s8 =	simm.s32 @!p0 $0x1BF5;
	p2 =	por !p2, p0  }
0x20: {  	[sflag:s8] =	ssyncset.s32 @!p0 $0xFFFFF086;
	s6 =	sadd.s32 @!p0 s3, s7;
	s7 =	simm.s32 @!p0 $0x108  }
0x21: {  	s3 =	sadd.s32 s3, s9;
	s6 =	sadd.s32 @!p0 $0x88, s6;
	s7 =	simm.s32 @p2 $0x1082  }
0x22: {  	[simem:s7], [sflag:s8] =	dma.local @!p0 [hbm:s6], $0xF7A  }
0x23: {  	s9 =	sor.u32 $0xD0000000, s2;
	s6 =	simm.s32 $0x108;
	_ =	swait.ge @!p0 [sflag:s8], $0x0  }
0x24: {  	s3 =	sadd.s32 $0x88, s3;
	s6 =	simm.s32 @!p1 $0x1082;
	[sflag:s4] =	ssyncset.s32 $0xFFFFF086  }
0x25: {  	[simem:s6], [sflag:s4] =	dma.local [hbm:s3], $0xF7A  }
0x26: {  	[smem:$0x3F9A] =	sst s1;
	(tag) =	ssettag s2;
	_ =	strace s9  }
0x27: {  	s1 =	sld [smem:$0x3FAA]  }
0x28: {  	s2 =	sld [smem:$0x3FAB]  }
0x29: {  	s4 =	sld [smem:$0x3FAD]  }
0x2a: {  	p0 =	seq.s32 s5, $0x0;
	s5 =	sld [smem:$0x3FAE]  }
0x2b: {  	s6 =	sld [smem:$0x3FAF]  }
0x2c: {  	s7 =	sld [smem:$0x3FB0]  }
0x2d: {  	s3 =	simm.s32 $0x108;
	s8 =	sld [smem:$0x3FB1]  }
0x2e: {  	s3 =	simm.s32 @!p0 $0x1082;
	s9 =	sld [smem:$0x3FB2]  }
0x2f: {  	lr =	sadd.s32 s0, s3;
	s0 =	sld [smem:$0x3FA9]  }
0x30: {  	s3 =	sld [smem:$0x3FAC]  }
0x31: {  	[smem:$0x3FB5] =	sst s10  }
0x32: {  	s10 =	sld [smem:$0x3FB3];
	_ =	sdelay $0x3  }
0x33: {  	p0 =	seq.s32 s10, $0x1;
	s10 =	sld [smem:$0x3FB5];
	_ =	sdelay $0x3  }
0x34: {  	[smem:$0x3FB5] =	sst s10  }
0x35: {  	s10 =	sld [smem:$0x3FB4];
	_ =	sdelay $0x3  }
0x36: {  	p1 =	seq.s32 s10, $0x1;
	s10 =	sld [smem:$0x3FB5];
	_ =	sdelay $0x3  }
0x37: {  	[smem:$0x3FB5] =	sst s10  }
0x38: {  	s10 =	sld [smem:$0x3FB6]  }
0x39: {  	_ = 	snop;
	(pc) =	sbr.ind lr, $3  }
0x3a: {  	_ = 	snop  }
0x3b: {  	_ = 	snop  }
0x3c: {  	p2 =	seq.s32 s10, $0x1;
	s10 =	sld [smem:$0x3FB5]  }
0x3d: {  	_ =	shalt  }
0x3e: {  	_ =	shalt  }
0x3f: {  	_ =	shalt  }
0x40: {  	_ =	shalt  }
0x41: {  	_ =	shalt  }
0x42: {  	_ =	shalt  }
0x43: {  	_ =	shalt  }
0x44: {  	_ =	shalt  }
0x45: {  	_ =	shalt  }
0x46: {  	_ =	shalt  }
0x47: {  	_ =	shalt  }
0x48: {  	_ =	shalt  }
0x49: {  	_ =	shalt  }
0x4a: {  	_ =	shalt  }
0x4b: {  	_ =	shalt  }
0x4c: {  	_ =	shalt  }
0x4d: {  	_ =	shalt  }
0x4e: {  	_ =	shalt  }
0x4f: {  	_ =	shalt  }
0x50: {  	_ =	shalt  }
0x51: {  	_ =	shalt  }
0x52: {  	_ =	shalt  }
0x53: {  	_ =	shalt  }
0x54: {  	_ =	shalt  }
0x55: {  	_ =	shalt  }
0x56: {  	_ =	shalt  }
0x57: {  	_ =	shalt  }
0x58: {  	_ =	shalt  }
0x59: {  	_ =	shalt  }
0x5a: {  	_ =	shalt  }
0x5b: {  	_ =	shalt  }
0x5c: {  	_ =	shalt  }
0x5d: {  	_ =	shalt  }
0x5e: {  	_ =	shalt  }
0x5f: {  	_ =	shalt  }
0x60: {  	_ =	shalt  }
0x61: {  	_ =	shalt  }
0x62: {  	_ =	shalt  }
0x63: {  	_ =	shalt  }
0x64: {  	_ =	shalt  }
0x65: {  	_ =	shalt  }
0x66: {  	_ =	shalt  }
0x67: {  	_ =	shalt  }
0x68: {  	_ =	shalt  }
0x69: {  	_ =	shalt  }
0x6a: {  	_ =	shalt  }
0x6b: {  	_ =	shalt  }
0x6c: {  	_ =	shalt  }
0x6d: {  	_ =	shalt  }
0x6e: {  	_ =	shalt  }
0x6f: {  	_ =	shalt  }
0x70: {  	_ =	shalt  }
0x71: {  	_ =	shalt  }
0x72: {  	_ =	shalt  }
0x73: {  	_ =	shalt  }
0x74: {  	_ =	shalt  }
0x75: {  	_ =	shalt  }
0x76: {  	_ =	shalt  }
0x77: {  	_ =	shalt  }
0x78: {  	_ =	shalt  }
0x79: {  	_ =	shalt  }
0x7a: {  	_ =	shalt  }
0x7b: {  	_ =	shalt  }
0x7c: {  	_ =	shalt  }
0x7d: {  	_ =	shalt  }
0x7e: {  	_ =	shalt  }
0x7f: {  	_ =	shalt  }
0x80: {  	_ =	shalt  }
0x81: {  	_ =	shalt  }
0x82: {  	_ =	shalt  }
0x83: {  	_ =	shalt  }
0x84: {  	_ =	shalt  }
0x85: {  	_ =	shalt  }
0x86: {  	_ =	shalt  }
0x87: {  	_ =	shalt  }
.Lfunc_end0:
.L_simem_size_0:
called_computation_lowered:
.L_overlay_start_0:
0x88: {  	s2 =	sld [smem:$0x3FD9]  }
0x89: {  	s3 =	sld [smem:$0x3FFE];
	_ =	sdelay $0x1  }
0x8a: {  	s1 =	srdreg.scid  }
0x8b: {  	s0 =	sand.u32 $0x1, s1  }
0x8c: {  	s17 =	sshll.u32 s0, $0xA;
	s2 =	sadd.s32 s3, s2  }
0x8d: {  	s2 =	sadd.s32 s2, s17  }
0x8e: {  	[smem:$0x3FC1] =	sst s2  }
0x8f: {  	_ = 	snop  }
0x90: {  	s2 =	sld [smem:$0x3FD0];
	(tm) =	ssettm $0x1  }
0x91: {  	s18 =	sld [smem:$0x3FFB];
	_ =	sdelay $0x3  }
0x92: {  	_ =	strace s18  }
0x93: {  	s3 =	sld [smem:$0x3FFC];
	_ =	sdelay $0x3  }
0x94: {  	_ =	strace s3  }
0x95: {  	s3 =	sld [smem:$0x3FFD];
	_ =	sdelay $0x3  }
0x96: {  	_ =	strace s3  }
0x97: {  	_ =	strace $0x8FFFFFFF  }
0x98: {  	s19 =	sld [smem:$0x3FDB];
	_ =	sdelay $0x1  }
0x99: {  	s4 =	simm.s32 $_scs_section_size  }
0x9a: {  	s5 =	simm.s32 $_size__tile_overlayer_lowered;
	s6 =	simm.s32 $_tile_overlayer_lowered  }
0x9b: {  	s22 =	simm.s32 $0x1BFF;
	s21 =	sshll.u32 s6, $0x1;
	s3 =	sadd.s32 s4, s19  }
0x9c: {  	s7 =	simm.s32 $0x0;
	s20 =	sshll.u32 s5, $0x1;
	s5 =	sadd.s32 s21, s3  }
0x9d: {  	[timem:s7], [sflag:s22] =	dma.local [hbm:s5], s20  }
0x9e: {  	_ =	swait.ge [sflag:s22], s20  }
0x9f: {  	s4 =	ssub.s32 $0x0, s20;
	[sflag:s22] =	ssyncset.done $0x0  }
0xa0: {  	[sflag:s22] =	ssyncadd.s32 s4;
	_ =	sdelay $0x1  }
0xa1: {  	s23 =	simm.s32 $0x1B8B  }
0xa2: {  	_ =	swait.ge [sflag:s23], $0x1  }
0xa3: {  	[sflag:s23] =	ssyncset.done $0x0  }
0xa4: {  	s25 =	simm.s32 $0x1B8E;
	s24 =	sld [smem:$0x3FFE];
	[sflag:s23] =	ssyncadd.s32 $0xFFFFFFFF  }
0xa5: {  	s26 =	simm.s32 $execute0_lowered;
	[smem:$0x3FD2] =	sst s25  }
0xa6: {  	s5 =	sshll.u32 s26, $0x1;
	_ =	strace $0x80000046;
	[dreg:$0x1] =	wrdreg $0xFFFFFFFF  }
0xa7: {  	s28 =	simm.s32 $_size_execute0_lowered;
	s3 =	sadd.s32 s3, s5;
	[dreg:$0x0] =	wrdreg $0x0  }
0xa8: {  	s5 =	sshll.u32 s28, $0x1;
	[dreg:$0x2] =	wrdreg s3  }
0xa9: {  	[dreg:$0x3] =	wrdreg s5  }
0xaa: {  	[dreg:$0x4] =	wrdreg $0xC0  }
0xab: {  	_ =	task [dreg:s7], $0x5FFFF  }
0xac: {  	[dreg:$0x1] =	wrdreg $0xFFFFFFFF  }
0xad: {  	[dreg:$0x0] =	wrdreg $0x60  }
0xae: {  	[dreg:$0x2] =	wrdreg s24  }
0xaf: {  	[dreg:$0x3] =	wrdreg s2  }
0xb0: {  	[dreg:$0x4] =	wrdreg $0x9  }
0xb1: {  	_ =	task.clear_ibuf [dreg:s7], $0x5FFFF;
	_ =	strace $0x90000046  }
0xb2: {  	s29 =	simm.s32 $0x9;
	_ =	strace $0x80000048  }
0xb3: {  	_ =	swait.ge [sflag:s29], $0x1  }
0xb4: {  	[sflag:s29] =	ssyncadd.s32 $0xFFFFFFFF  }
0xb5: {  	_ =	strace $0x90000048  }
0xb6: {  	_ =	sfence  }
0xb7: {  	s30 =	sld [smem:$0x0];
	_ =	sdelay $0x2  }
0xb8: {  	s31 =	sshll.u32 s1, $0xD;
	s1 =	sshrl.u32 s1, $0x2  }
0xb9: {  	s3 =	sand.u32 $0x4000, s31;
	s1 =	sadd.s32 s1, s30  }
0xba: {  	s0 =	sor.u32 s3, s0;
	s1 =	sshll.u32 s1, $0x11  }
0xbb: {  	s0 =	sor.u32 s1, s0  }
0xbc: {  	s0 =	sadd.s32 $0x8F2B, s0  }
0xbd: {  	[sflag:s0] =	ssyncadd.remote.s32 $0x1  }
0xbe: {  	_ =	sfence.sel $0xFFFF  }
0xbf: {  	[dreg:$0x0] =	wrdreg $0xFFFFFFFF;
	(pc) =	sbr.abs _section_cstart, $3  }
0xc0: {  	[dreg:$0x1] =	wrdreg $0xFFFFFFFF  }
0xc1: {  	_ =	task.clear_ibuf [dreg:s7], $0x2FFFF;
	_ =	strace $0x9FFFFFFF  }
0xc2: {  	(tm) =	ssettm $0x7FFFFFFF  }
0xc3: {  	_ =	shalt  }
tec
execute0_lowered:
.L_overlay_start_1:
0x0: {  	(tag) =	ssettag $0x1  }
0x1: {  	s0 =	rddreg [dreg:$0x0]  }
0x2: {  	s15 =	simm.s32 $0x0;
	s8 =	stileid.u32;
	s1 =	srdreg.scid  }
0x3: {  	s17 =	simm.s32 $0x5;
	s23 =	simm.s32 $0x6D00;
	s28 =	simm.s32 $0x8D00  }
0x4: {  	s29 =	simm.s32 $0x9500;
	s30 =	simm.s32 $0x9D00;
	s31 =	simm.s32 $0xA500  }
0x5: {  	s12 =	simm.s32 $0x2;
	s13 =	simm.s32 $0x14500;
	s14 =	simm.s32 $0x4  }
0x6: {  	[smem:$0x7FF] =	sst s15;
	s4 =	sadd.s32 $0xF800, s0;
	s5 =	sadd.s32 $0x5DA00, s0  }
0x7: {  	s2 =	sshrl.u32 s8, $0x2;
	s1 =	sand.u32 $0x1, s1;
	s3 =	sshll.u32 s8, $0x8  }
0x8: {  	s7 =	smul.u32 $0x1100, s8;
	s9 =	sadd.s32 $0xABC00, s0;
	_ =	strace $0x80000047  }
0x9: {  	s2 =	smul.u32 $0x14000, s2;
	s6 =	sshll.u32 s1, $0x7;
	s3 =	sand.u32 $0x300, s3  }
0xa: {  	[dreg:$0x4] =	wrdreg s9;
	p0 =	seq.s32 s1, $0x0;
	s1 =	ssub.s32 $0x2, s1  }
0xb: {  	s9 =	simm.s32 $0x1;
	s3 =	sor.u32 s6, s3;
	s6 =	smul.u32 $0x1700, s8  }
0xc: {  	s24 =	sshrl.u32 s1, $0x1;
	s2 =	sor.u32 s2, s3;
	s3 =	sadd.s32 $0x17000, s7  }
0xd: {  	s1 =	ssub.s32 s1, s24;
	s24 =	simm.s32 $0x7500;
	s7 =	simm.s32 $0x14B80  }
0xe: {  	s2 =	sshrl.u32 s2, $0x3;
	s3 =	smov.u32 @p0 s6;
	s6 =	simm.s32 $0x5C  }
0xf: {  	s26 =	smax.u32 s1, $0x1;
	s1 =	simm.s32 $0xBD00;
	s2 =	sadd.s32 s2, s0  }
0x10: {  	s3 =	sshrl.u32 s3, $0x3;
	s6 =	simm.s32 @!p0 $0x44;
	[dreg:$0x9] =	wrdreg s26  }
0x11: {  	s26 =	simm.s32 $0x8500;
	s0 =	sadd.s32 s0, s3;
	s10 =	sadd.s32 $0xFFFFFFFF, s6  }
0x12: {  	s11 =	sshrl.u32 s6, $0x1;
	s25 =	sadd.s32 $0xABE00, s2;
	[dreg:$0x5] =	wrdreg s0  }
0x13: {  	v0 =	vlaneseq.u32;
	v1 =	vimm.f32 $0.0e+00;
	s2 =	simm.s32 $0xB500;
	s3 =	sadd.s32 $0x5200, s0;
	[dreg:$0x8] =	wrdreg s25  }
0x14: {  	vm0 =	vmmov $0xffff;
	v5 =	vimm.bf16 $0.0e+00;
	v3 =	vshrl.u32 v0, $0x3;
	s0 =	sadd.s32 $0xA600, s0;
	s25 =	simm.s32 $0x7D00;
	[dreg:$0x6] =	wrdreg s3  }
0x15: {  	v2 =	vand.u32 $0x7, v0;
	v4 =	vor.u32 $0x8, v0;
	v3 =	vmul.u32 $0x8, v3;
	[dreg:$0x7] =	wrdreg s0;
	s0 =	simm.s32 $0xAD00;
	s3 =	simm.s32 $0x3  }
.LBB2_1:
0x16: {  	[dreg:$0x3] =	wrdreg s15;
	s6 =	simm.s32 $0x40;
	s8 =	simm.s32 $0x0  }
.LBB2_2:
0x17: {  	p0 =	sne.s32 s6, $0x9FC0;
	[tilespmem:s8+$0x14B80] =	vst v1;
	s8 =	smov.u32 s6;
	s6 =	sadd.s32 $0x40, s6  }
.Ltmp0:
0x18: {  	(pc) =	sbr.rel @p0 .LBB2_2-.Ltmp0, $2  }
0x19: {  	_ =	sdelay $0x2  }
0x1a: {  	s8 =	sshra.s32 s8, $0x2  }
0x1b: {  	[tilespmem:s8+$0x14B80] =	vst v1;
	s15 =	simm.s32 $0x0;
	s6 =	rddreg [dreg:$0x6]  }
0x1c: {  	[tilespmem:s15], [sflag:$0x5] =	stream.linear.gather [hbm4b:s6+s15], $0x1700, $0x38;
	[tilespmem:$0x17380] =	vst v63  }
0x1d: {  	_ =	swait.ge [sflag:s17], $0x1700  }
0x1e: {  	[sflag:s17] =	ssyncset.done $0x0  }
0x1f: {  	s16 =	simm.s32 $0x1700;
	s8 =	rddreg [dreg:$0x7];
	[sflag:s17] =	ssyncadd.s32 $0xFFFFE900  }
0x20: {  	[tilespmem:s16], [sflag:$0x5] =	stream.linear.gather [hbm4b:s8+s15], $0x1700, $0x38;
	[tilespmem:$0x17380] =	vst v63  }
0x21: {  	_ =	swait.ge [sflag:s17], $0x1700  }
0x22: {  	[sflag:s17] =	ssyncset.done $0x0  }
0x23: {  	s16 =	simm.s32 $0x2E00;
	s18 =	rddreg [dreg:$0x5];
	[sflag:s17] =	ssyncadd.s32 $0xFFFFE900  }
0x24: {  	[tilespmem:s16], [sflag:$0x5] =	stream.linear.gather [hbm4b:s18+s15], $0x1700, $0x38;
	[tilespmem:$0x17380] =	vst v63  }
0x25: {  	_ =	swait.ge [sflag:s17], $0x1700  }
0x26: {  	[sflag:s17] =	ssyncset.done $0x0  }
0x27: {  	[sflag:s17] =	ssyncadd.s32 $0xFFFFE900  }
0x28: {  	s20 =	simm.s32 $0x14900;
	s19 =	rddreg [dreg:$0x1]  }
0x29: {  	[tilespmem:s20], [sflag:$0x5] =	stream.linear.gather [hbm4b:s19+s15], $0x200, $0x38;
	[tilespmem:$0x17380] =	vst v63  }
0x2a: {  	_ =	swait.ge [sflag:s17], $0x200  }
0x2b: {  	[sflag:s17] =	ssyncset.done $0x0  }
0x2c: {  	s22 =	simm.s32 $0x14B00;
	s21 =	rddreg [dreg:$0x4];
	[sflag:s17] =	ssyncadd.s32 $0xFFFFFE00  }
0x2d: {  	[tilespmem:s22], [sflag:$0x5] =	stream.linear.gather [hbm4b:s21+s15], $0x80, $0x38;
	[tilespmem:$0x17380] =	vst v63  }
0x2e: {  	_ =	swait.ge [sflag:s17], $0x80  }
0x2f: {  	[sflag:s17] =	ssyncset.done $0x0  }
0x30: {  	[sflag:s17] =	ssyncadd.s32 $0xFFFFFF80  }
0x31: {  	v6 =	vld [tilespmem:$0x14900]  }
0x32: {  	v7 =	vld [tilespmem:$0x14910]  }
0x33: {  	v8 =	vld [tilespmem:$0x14920]  }
0x34: {  	v9 =	vld [tilespmem:$0x14930]  }
0x35: {  	v10 =	vld [tilespmem:$0x14940]  }
0x36: {  	v11 =	vld [tilespmem:$0x14950]  }
0x37: {  	v12 =	vld [tilespmem:$0x14960]  }
0x38: {  	v13 =	vld [tilespmem:$0x14970]  }
0x39: {  	v14 =	vld [tilespmem:$0x14980]  }
0x3a: {  	v15 =	vld [tilespmem:$0x14990]  }
0x3b: {  	v16 =	vld [tilespmem:$0x149A0]  }
0x3c: {  	v17 =	vld [tilespmem:$0x149B0]  }
0x3d: {  	v18 =	vld [tilespmem:$0x149C0]  }
0x3e: {  	v19 =	vld [tilespmem:$0x149D0]  }
0x3f: {  	v20 =	vld [tilespmem:$0x149E0]  }
0x40: {  	v21 =	vld [tilespmem:$0x149F0]  }
0x41: {  	v22 =	vld [tilespmem:$0x14A00]  }
0x42: {  	v23 =	vld [tilespmem:$0x14A10]  }
0x43: {  	v31 =	vld [tilespmem:$0x0]  }
0x44: {  	v24 =	vld [tilespmem:$0x14A20]  }
0x45: {  	v25 =	vld [tilespmem:$0x14A30]  }
0x46: {  	v26 =	vld [tilespmem:$0x14A40]  }
0x47: {  	v27 =	vld [tilespmem:$0x14A50]  }
0x48: {  	v28 =	vld [tilespmem:$0x14A60];
	v32 =	vshll.u32 v31, $0x1  }
0x49: {  	v29 =	vld [tilespmem:$0x14A70];
	v33 =	vand.u32 $0x7, v31;
	v32 =	vand.u32 $0xFFFFFFF0, v32  }
0x4a: {  	v30 =	vld [tilespmem:$0x14A80];
	v35 =	vor.u32 v33, v32  }
0x4b: {  	v34 =	vld [tilespmem:$0x14AC0];
	v36 =	vperm.xlane v35, v2  }
0x4c: {  	v38 =	vld [tilespmem:$0x14B00]  }
0x4d: {  	v31 =	vld [tilespmem:$0x14A90];
	v37 =	vperm.xlane v35, v4;
	v39 =	vadd.s32 v3, v36  }
0x4e: {  	v32 =	vld [tilespmem:$0x14AA0]  }
0x4f: {  	v33 =	vld [tilespmem:$0x14AB0];
	v40 =	vadd.s32 v3, v37  }
0x50: {  	v35 =	vld [tilespmem:$0x14AD0]  }
0x51: {  	s18 =	simm.s32 $0x4500;
	v36 =	vld [tilespmem:$0x14AE0]  }
0x52: {  	v37 =	vld [tilespmem:$0x14AF0];
	[tilespmem:s18], [sflag:$0x1] =	stream.indirect_vreg.gather [hbm4b:s4+s15], $0x80, v39, vm0, $0xb8  }
0x53: {  	s19 =	simm.s32 $0x4D00  }
0x54: {  	[tilespmem:s19], [sflag:$0x1] =	stream.indirect_vreg.gather [hbm4b:s4+s15], $0x80, v40, vm0, $0xb8;
	[tilespmem:$0x17380] =	vst v63  }
0x55: {  	v39 =	vld [tilespmem:$0x10];
	_ =	sdelay $0x4  }
0x56: {  	v57 =	vshll.u32 v39, $0x1  }
0x57: {  	v39 =	vand.u32 $0x7, v39;
	v40 =	vand.u32 $0xFFFFFFF0, v57  }
0x58: {  	v39 =	vor.u32 v39, v40  }
0x59: {  	v40 =	vperm.xlane v39, v2;
	_ =	sdelay $0x1  }
0x5a: {  	v39 =	vperm.xlane v39, v4;
	v40 =	vadd.s32 v3, v40;
	_ =	sdelay $0x1  }
0x5b: {  	v39 =	vadd.s32 v3, v39;
	_ =	sdelay $0x1  }
0x5c: {  	s20 =	simm.s32 $0x5500  }
0x5d: {  	[tilespmem:s20], [sflag:$0x1] =	stream.indirect_vreg.gather [hbm4b:s4+s15], $0x80, v40, vm0, $0xb8;
	[tilespmem:$0x17380] =	vst v63  }
0x5e: {  	s21 =	simm.s32 $0x5D00  }
0x5f: {  	[tilespmem:s21], [sflag:$0x1] =	stream.indirect_vreg.gather [hbm4b:s4+s15], $0x80, v39, vm0, $0xb8;
	[tilespmem:$0x17380] =	vst v63  }
0x60: {  	v39 =	vld [tilespmem:$0x20];
	_ =	sdelay $0x4  }
0x61: {  	v58 =	vshll.u32 v39, $0x1  }
0x62: {  	v39 =	vand.u32 $0x7, v39;
	v40 =	vand.u32 $0xFFFFFFF0, v58  }
0x63: {  	v39 =	vor.u32 v39, v40  }
0x64: {  	v40 =	vperm.xlane v39, v2;
	_ =	sdelay $0x1  }
0x65: {  	v39 =	vperm.xlane v39, v4;
	v40 =	vadd.s32 v3, v40;
	_ =	sdelay $0x1  }
0x66: {  	v39 =	vadd.s32 v3, v39;
	_ =	sdelay $0x1  }
0x67: {  	s22 =	simm.s32 $0x6500  }
0x68: {  	[tilespmem:s22], [sflag:$0x1] =	stream.indirect_vreg.gather [hbm4b:s4+s15], $0x80, v40, vm0, $0xb8;
	[tilespmem:$0x17380] =	vst v63  }
0x69: {  	_ = 	snop  }
0x6a: {  	[tilespmem:s23], [sflag:$0x1] =	stream.indirect_vreg.gather [hbm4b:s4+s15], $0x80, v39, vm0, $0xb8;
	[tilespmem:$0x17380] =	vst v63  }
0x6b: {  	v39 =	vld [tilespmem:$0x30];
	_ =	sdelay $0x4  }
0x6c: {  	v59 =	vshll.u32 v39, $0x1  }
0x6d: {  	v39 =	vand.u32 $0x7, v39;
	v40 =	vand.u32 $0xFFFFFFF0, v59  }
0x6e: {  	v39 =	vor.u32 v39, v40  }
0x6f: {  	v40 =	vperm.xlane v39, v2;
	_ =	sdelay $0x1  }
0x70: {  	v39 =	vperm.xlane v39, v4;
	v40 =	vadd.s32 v3, v40;
	_ =	sdelay $0x1  }
0x71: {  	v39 =	vadd.s32 v3, v39;
	_ =	sdelay $0x2  }
0x72: {  	[tilespmem:s24], [sflag:$0x1] =	stream.indirect_vreg.gather [hbm4b:s4+s15], $0x80, v40, vm0, $0xb8;
	[tilespmem:$0x17380] =	vst v63  }
0x73: {  	_ = 	snop  }
0x74: {  	[tilespmem:s25], [sflag:$0x1] =	stream.indirect_vreg.gather [hbm4b:s4+s15], $0x80, v39, vm0, $0xb8;
	[tilespmem:$0x17380] =	vst v63  }
0x75: {  	v39 =	vld [tilespmem:$0x1700];
	_ =	sdelay $0x4  }
0x76: {  	v60 =	vshll.u32 v39, $0x1  }
0x77: {  	v39 =	vand.u32 $0x7, v39;
	v40 =	vand.u32 $0xFFFFFFF0, v60  }
0x78: {  	v39 =	vor.u32 v39, v40  }
0x79: {  	v40 =	vperm.xlane v39, v2;
	_ =	sdelay $0x1  }
0x7a: {  	v39 =	vperm.xlane v39, v4;
	v40 =	vadd.s32 v3, v40;
	_ =	sdelay $0x1  }
0x7b: {  	v39 =	vadd.s32 v3, v39;
	_ =	sdelay $0x2  }
0x7c: {  	[tilespmem:s26], [sflag:$0x2] =	stream.indirect_vreg.gather [hbm4b:s5+s15], $0x80, v40, vm0, $0xb8;
	[tilespmem:$0x17380] =	vst v63  }
0x7d: {  	_ = 	snop  }
0x7e: {  	[tilespmem:s28], [sflag:$0x2] =	stream.indirect_vreg.gather [hbm4b:s5+s15], $0x80, v39, vm0, $0xb8;
	[tilespmem:$0x17380] =	vst v63  }
0x7f: {  	v39 =	vld [tilespmem:$0x1710];
	_ =	sdelay $0x4  }
0x80: {  	v61 =	vshll.u32 v39, $0x1  }
0x81: {  	v39 =	vand.u32 $0x7, v39;
	v40 =	vand.u32 $0xFFFFFFF0, v61  }
0x82: {  	v39 =	vor.u32 v39, v40  }
0x83: {  	v40 =	vperm.xlane v39, v2;
	_ =	sdelay $0x1  }
0x84: {  	v39 =	vperm.xlane v39, v4;
	v40 =	vadd.s32 v3, v40;
	_ =	sdelay $0x1  }
0x85: {  	v39 =	vadd.s32 v3, v39;
	_ =	sdelay $0x2  }
0x86: {  	[tilespmem:s29], [sflag:$0x2] =	stream.indirect_vreg.gather [hbm4b:s5+s15], $0x80, v40, vm0, $0xb8;
	[tilespmem:$0x17380] =	vst v63  }
0x87: {  	_ = 	snop  }
0x88: {  	[tilespmem:s30], [sflag:$0x2] =	stream.indirect_vreg.gather [hbm4b:s5+s15], $0x80, v39, vm0, $0xb8;
	[tilespmem:$0x17380] =	vst v63  }
0x89: {  	v39 =	vld [tilespmem:$0x1720];
	_ =	sdelay $0x4  }
0x8a: {  	v62 =	vshll.u32 v39, $0x1  }
0x8b: {  	v39 =	vand.u32 $0x7, v39;
	v40 =	vand.u32 $0xFFFFFFF0, v62  }
0x8c: {  	v39 =	vor.u32 v39, v40  }
0x8d: {  	v40 =	vperm.xlane v39, v2;
	_ =	sdelay $0x1  }
0x8e: {  	v39 =	vperm.xlane v39, v4;
	v40 =	vadd.s32 v3, v40;
	_ =	sdelay $0x1  }
0x8f: {  	v39 =	vadd.s32 v3, v39;
	_ =	sdelay $0x2  }
0x90: {  	[tilespmem:s31], [sflag:$0x2] =	stream.indirect_vreg.gather [hbm4b:s5+s15], $0x80, v40, vm0, $0xb8;
	[tilespmem:$0x17380] =	vst v63  }
0x91: {  	_ = 	snop  }
0x92: {  	[tilespmem:s0], [sflag:$0x2] =	stream.indirect_vreg.gather [hbm4b:s5+s15], $0x80, v39, vm0, $0xb8;
	[tilespmem:$0x17380] =	vst v63  }
0x93: {  	v39 =	vld [tilespmem:$0x1730];
	_ =	sdelay $0x4  }
0x94: {  	v63 =	vshll.u32 v39, $0x1  }
0x95: {  	v39 =	vand.u32 $0x7, v39;
	v40 =	vand.u32 $0xFFFFFFF0, v63  }
0x96: {  	v39 =	vor.u32 v39, v40  }
0x97: {  	v40 =	vperm.xlane v39, v2;
	_ =	sdelay $0x1  }
0x98: {  	v39 =	vperm.xlane v39, v4;
	v40 =	vadd.s32 v3, v40;
	_ =	sdelay $0x1  }
0x99: {  	v39 =	vadd.s32 v3, v39;
	_ =	sdelay $0x2  }
0x9a: {  	[tilespmem:s2], [sflag:$0x2] =	stream.indirect_vreg.gather [hbm4b:s5+s15], $0x80, v40, vm0, $0xb8;
	[tilespmem:$0x17380] =	vst v63  }
0x9b: {  	s6 =	simm.s32 $0x0;
	s17 =	simm.s32 $0x2E40  }
0x9c: {  	[tilespmem:s1], [sflag:$0x2] =	stream.indirect_vreg.gather [hbm4b:s5+s15], $0x80, v39, vm0, $0xb8;
	[tilespmem:$0x17380] =	vst v63  }
.LBB2_4:
0x9d: {  	s8 =	sshllo.u32 s6, $0x1  }
0x9e: {  	s18 =	smov.u32 s10;
	p0 =	slt.s32 s8, s10  }
0x9f: {  	s18 =	smov.u32 @p0 s8  }
0xa0: {  	s8 =	sshll.u32 s18, $0x6  }
0xa1: {  	v39 =	vld [tilespmem:s8+$0x0];
	_ =	sdelay $0x4  }
0xa2: {  	v40 =	vshll.u32 v39, $0x1  }
0xa3: {  	v39 =	vand.u32 $0x7, v39;
	v40 =	vand.u32 $0xFFFFFFF0, v40  }
0xa4: {  	v39 =	vor.u32 v39, v40  }
0xa5: {  	v40 =	vperm.xlane v39, v2;
	_ =	sdelay $0x1  }
0xa6: {  	v39 =	vperm.xlane v39, v4;
	v40 =	vadd.s32 v3, v40;
	_ =	sdelay $0x1  }
0xa7: {  	v39 =	vadd.s32 v3, v39;
	_ =	sdelay $0x1  }
0xa8: {  	s21 =	simm.s32 $0xC500  }
0xa9: {  	[tilespmem:s21], [sflag:$0x3] =	stream.indirect_vreg.gather [hbm4b:s4+s15], $0x80, v40, vm0, $0xb8;
	[tilespmem:$0x17380] =	vst v63  }
0xaa: {  	s22 =	simm.s32 $0xCD00  }
0xab: {  	[tilespmem:s22], [sflag:$0x3] =	stream.indirect_vreg.gather [hbm4b:s4+s15], $0x80, v39, vm0, $0xb8;
	[tilespmem:$0x17380] =	vst v63  }
0xac: {  	v39 =	vld [tilespmem:s8+$0x10];
	_ =	sdelay $0x4  }
0xad: {  	v59 =	vshll.u32 v39, $0x1  }
0xae: {  	v39 =	vand.u32 $0x7, v39;
	v40 =	vand.u32 $0xFFFFFFF0, v59  }
0xaf: {  	v39 =	vor.u32 v39, v40  }
0xb0: {  	v40 =	vperm.xlane v39, v2;
	_ =	sdelay $0x1  }
0xb1: {  	v39 =	vperm.xlane v39, v4;
	v40 =	vadd.s32 v3, v40;
	_ =	sdelay $0x1  }
0xb2: {  	v39 =	vadd.s32 v3, v39;
	_ =	sdelay $0x1  }
0xb3: {  	s19 =	simm.s32 $0xD500  }
0xb4: {  	[tilespmem:s19], [sflag:$0x3] =	stream.indirect_vreg.gather [hbm4b:s4+s15], $0x80, v40, vm0, $0xb8;
	[tilespmem:$0x17380] =	vst v63  }
0xb5: {  	s20 =	simm.s32 $0xDD00  }
0xb6: {  	[tilespmem:s20], [sflag:$0x3] =	stream.indirect_vreg.gather [hbm4b:s4+s15], $0x80, v39, vm0, $0xb8;
	[tilespmem:$0x17380] =	vst v63  }
0xb7: {  	v39 =	vld [tilespmem:s8+$0x20];
	_ =	sdelay $0x4  }
0xb8: {  	v60 =	vshll.u32 v39, $0x1  }
0xb9: {  	v39 =	vand.u32 $0x7, v39;
	v40 =	vand.u32 $0xFFFFFFF0, v60  }
0xba: {  	v39 =	vor.u32 v39, v40  }
0xbb: {  	v40 =	vperm.xlane v39, v2;
	_ =	sdelay $0x1  }
0xbc: {  	v39 =	vperm.xlane v39, v4;
	v40 =	vadd.s32 v3, v40;
	_ =	sdelay $0x1  }
0xbd: {  	v39 =	vadd.s32 v3, v39;
	_ =	sdelay $0x1  }
0xbe: {  	s21 =	simm.s32 $0xE500  }
0xbf: {  	[tilespmem:s21], [sflag:$0x3] =	stream.indirect_vreg.gather [hbm4b:s4+s15], $0x80, v40, vm0, $0xb8;
	[tilespmem:$0x17380] =	vst v63  }
0xc0: {  	s22 =	simm.s32 $0xED00  }
0xc1: {  	[tilespmem:s22], [sflag:$0x3] =	stream.indirect_vreg.gather [hbm4b:s4+s15], $0x80, v39, vm0, $0xb8;
	[tilespmem:$0x17380] =	vst v63  }
0xc2: {  	v39 =	vld [tilespmem:s8+$0x30];
	_ =	sdelay $0x4  }
0xc3: {  	v61 =	vshll.u32 v39, $0x1  }
0xc4: {  	v39 =	vand.u32 $0x7, v39;
	v40 =	vand.u32 $0xFFFFFFF0, v61  }
0xc5: {  	v39 =	vor.u32 v39, v40  }
0xc6: {  	v40 =	vperm.xlane v39, v2;
	_ =	sdelay $0x1  }
0xc7: {  	v39 =	vperm.xlane v39, v4;
	v40 =	vadd.s32 v3, v40;
	_ =	sdelay $0x1  }
0xc8: {  	v39 =	vadd.s32 v3, v39;
	_ =	sdelay $0x1  }
0xc9: {  	s19 =	simm.s32 $0xF500  }
0xca: {  	[tilespmem:s19], [sflag:$0x3] =	stream.indirect_vreg.gather [hbm4b:s4+s15], $0x80, v40, vm0, $0xb8;
	[tilespmem:$0x17380] =	vst v63  }
0xcb: {  	s20 =	simm.s32 $0xFD00  }
0xcc: {  	[tilespmem:s20], [sflag:$0x3] =	stream.indirect_vreg.gather [hbm4b:s4+s15], $0x80, v39, vm0, $0xb8;
	[tilespmem:$0x17380] =	vst v63  }
0xcd: {  	v39 =	vld [tilespmem:s8+$0x1700];
	_ =	sdelay $0x4  }
0xce: {  	v62 =	vshll.u32 v39, $0x1  }
0xcf: {  	v39 =	vand.u32 $0x7, v39;
	v40 =	vand.u32 $0xFFFFFFF0, v62  }
0xd0: {  	v39 =	vor.u32 v39, v40  }
0xd1: {  	v40 =	vperm.xlane v39, v2;
	_ =	sdelay $0x1  }
0xd2: {  	v39 =	vperm.xlane v39, v4;
	v40 =	vadd.s32 v3, v40;
	_ =	sdelay $0x1  }
0xd3: {  	v39 =	vadd.s32 v3, v39;
	_ =	sdelay $0x1  }
0xd4: {  	s21 =	simm.s32 $0x10500  }
0xd5: {  	[tilespmem:s21], [sflag:$0x4] =	stream.indirect_vreg.gather [hbm4b:s5+s15], $0x80, v40, vm0, $0xb8;
	[tilespmem:$0x17380] =	vst v63  }
0xd6: {  	s22 =	simm.s32 $0x10D00  }
0xd7: {  	[tilespmem:s22], [sflag:$0x4] =	stream.indirect_vreg.gather [hbm4b:s5+s15], $0x80, v39, vm0, $0xb8;
	[tilespmem:$0x17380] =	vst v63  }
0xd8: {  	v39 =	vld [tilespmem:s8+$0x1710];
	_ =	sdelay $0x4  }
0xd9: {  	v63 =	vshll.u32 v39, $0x1  }
0xda: {  	v39 =	vand.u32 $0x7, v39;
	v40 =	vand.u32 $0xFFFFFFF0, v63  }
0xdb: {  	v39 =	vor.u32 v39, v40  }
0xdc: {  	v40 =	vperm.xlane v39, v2;
	_ =	sdelay $0x1  }
0xdd: {  	v39 =	vperm.xlane v39, v4;
	v40 =	vadd.s32 v3, v40;
	_ =	sdelay $0x1  }
0xde: {  	v39 =	vadd.s32 v3, v39;
	_ =	sdelay $0x1  }
0xdf: {  	s19 =	simm.s32 $0x11500  }
0xe0: {  	[tilespmem:s19], [sflag:$0x4] =	stream.indirect_vreg.gather [hbm4b:s5+s15], $0x80, v40, vm0, $0xb8;
	[tilespmem:$0x17380] =	vst v63  }
0xe1: {  	s20 =	simm.s32 $0x11D00  }
0xe2: {  	[tilespmem:s20], [sflag:$0x4] =	stream.indirect_vreg.gather [hbm4b:s5+s15], $0x80, v39, vm0, $0xb8;
	[tilespmem:$0x17380] =	vst v63  }
0xe3: {  	v39 =	vld [tilespmem:s8+$0x1720];
	_ =	sdelay $0x4  }
0xe4: {  	v44 =	vshll.u32 v39, $0x1  }
0xe5: {  	v39 =	vand.u32 $0x7, v39;
	v40 =	vand.u32 $0xFFFFFFF0, v44  }
0xe6: {  	v39 =	vor.u32 v39, v40  }
0xe7: {  	v40 =	vperm.xlane v39, v2;
	_ =	sdelay $0x1  }
0xe8: {  	v39 =	vperm.xlane v39, v4;
	v40 =	vadd.s32 v3, v40;
	_ =	sdelay $0x1  }
0xe9: {  	v39 =	vadd.s32 v3, v39;
	_ =	sdelay $0x1  }
0xea: {  	s21 =	simm.s32 $0x12500  }
0xeb: {  	[tilespmem:s21], [sflag:$0x4] =	stream.indirect_vreg.gather [hbm4b:s5+s15], $0x80, v40, vm0, $0xb8;
	[tilespmem:$0x17380] =	vst v63  }
0xec: {  	s22 =	simm.s32 $0x12D00  }
0xed: {  	[tilespmem:s22], [sflag:$0x4] =	stream.indirect_vreg.gather [hbm4b:s5+s15], $0x80, v39, vm0, $0xb8;
	[tilespmem:$0x17380] =	vst v63  }
0xee: {  	v39 =	vld [tilespmem:s8+$0x1730];
	_ =	sdelay $0x4  }
0xef: {  	v45 =	vshll.u32 v39, $0x1  }
0xf0: {  	v39 =	vand.u32 $0x7, v39;
	v40 =	vand.u32 $0xFFFFFFF0, v45  }
0xf1: {  	v39 =	vor.u32 v39, v40  }
0xf2: {  	v40 =	vperm.xlane v39, v2;
	_ =	sdelay $0x1  }
0xf3: {  	v39 =	vperm.xlane v39, v4;
	v40 =	vadd.s32 v3, v40;
	_ =	sdelay $0x1  }
0xf4: {  	v39 =	vadd.s32 v3, v39;
	_ =	sdelay $0x1  }
0xf5: {  	s18 =	simm.s32 $0x13500  }
0xf6: {  	[tilespmem:s18], [sflag:$0x4] =	stream.indirect_vreg.gather [hbm4b:s5+s15], $0x80, v40, vm0, $0xb8;
	[tilespmem:$0x17380] =	vst v63  }
0xf7: {  	s19 =	simm.s32 $0x13D00  }
0xf8: {  	[tilespmem:s19], [sflag:$0x4] =	stream.indirect_vreg.gather [hbm4b:s5+s15], $0x80, v39, vm0, $0xb8;
	[tilespmem:$0x17380] =	vst v63  }
0xf9: {  	_ =	swait.ge [sflag:s9], $0x4000  }
0xfa: {  	[sflag:s9] =	ssyncset.done $0x0  }
0xfb: {  	[sflag:s9] =	ssyncadd.s32 $0xFFFFC000  }
0xfc: {  	_ =	swait.ge [sflag:s12], $0x4000  }
0xfd: {  	s20 =	sand.u32 $0x3800, s15;
	s21 =	sand.u32 $0x380, s15;
	[sflag:s12] =	ssyncset.done $0x0  }
0xfe: {  	s8 =	sor.u32 s21, s20;
	[sflag:s12] =	ssyncadd.s32 $0xFFFFC000  }
0xff: {  	v46 =	vld [tilespmem:s8+$0x8500]  }
0x100: {  	v47 =	vld [tilespmem:s8+$0x4500];
	_ =	sdelay $0x2  }
0x101: {  	v41 =	vld [tilespmem:s8+$0x8510]  }
0x102: {  	v42 =	vld [tilespmem:s8+$0x4510]  }
0x103: {  	v39 =	vadd.bf16 v46, v47;
	_ =	sdelay $0x1  }
0x104: {  	v48 =	vld [tilespmem:s8+$0x8520];
	v39 =	vmax.bf16 v39, v5  }
0x105: {  	v44 =	vld [tilespmem:s8+$0x4520];
	v43 =	vunpack.i.l.bf16.f32 v39  }
0x106: {  	v41 =	vadd.bf16 v41, v42;
	v43 =	vmul.f32 v43, v6  }
0x107: {  	v39 =	vunpack.i.u.bf16.f32 v39  }
0x108: {  	v50 =	vld [tilespmem:s8+$0x8530];
	v41 =	vmax.bf16 v41, v5;
	v39 =	vmul.f32 v39, v7;
	v49 =	vadd.f32 v43, v38  }
0x109: {  	v46 =	vld [tilespmem:s8+$0x4530];
	v45 =	vunpack.i.l.bf16.f32 v41  }
0x10a: {  	v40 =	vadd.bf16 v48, v44;
	v51 =	vmul.f32 v45, v8;
	v39 =	vadd.f32 v49, v39  }
0x10b: {  	v41 =	vunpack.i.u.bf16.f32 v41  }
0x10c: {  	v52 =	vld [tilespmem:s8+$0x8540];
	v40 =	vmax.bf16 v40, v5;
	v41 =	vmul.f32 v41, v9;
	v39 =	vadd.f32 v51, v39  }
0x10d: {  	v54 =	vld [tilespmem:s8+$0x4540];
	v53 =	vunpack.i.l.bf16.f32 v40  }
0x10e: {  	v55 =	vmul.f32 v53, v10;
	v43 =	vadd.bf16 v50, v46;
	v39 =	vadd.f32 v39, v41  }
0x10f: {  	v40 =	vunpack.i.u.bf16.f32 v40  }
0x110: {  	v57 =	vld [tilespmem:s8+$0x8550];
	v40 =	vmul.f32 v40, v11;
	v56 =	vmax.bf16 v43, v5;
	v39 =	vadd.f32 v55, v39  }
0x111: {  	v59 =	vld [tilespmem:s8+$0x4550];
	v58 =	vunpack.i.l.bf16.f32 v56  }
0x112: {  	v42 =	vadd.bf16 v52, v54;
	v60 =	vmul.f32 v58, v12;
	v39 =	vadd.f32 v39, v40  }
0x113: {  	v41 =	vunpack.i.u.bf16.f32 v56  }
0x114: {  	v63 =	vld [tilespmem:s8+$0x8560];
	v62 =	vmax.bf16 v42, v5;
	v61 =	vmul.f32 v41, v13;
	v39 =	vadd.f32 v60, v39  }
0x115: {  	v48 =	vunpack.i.l.bf16.f32 v62;
	v49 =	vld [tilespmem:s8+$0x4560]  }
0x116: {  	v50 =	vmul.f32 v48, v14;
	v43 =	vadd.bf16 v57, v59;
	v39 =	vadd.f32 v39, v61  }
0x117: {  	v41 =	vunpack.i.u.bf16.f32 v62  }
0x118: {  	v53 =	vld [tilespmem:s8+$0x8570];
	v52 =	vmax.bf16 v43, v5;
	v51 =	vmul.f32 v41, v15;
	v39 =	vadd.f32 v50, v39  }
0x119: {  	v54 =	vunpack.i.l.bf16.f32 v52;
	v55 =	vld [tilespmem:s8+$0x4570]  }
0x11a: {  	v56 =	vmul.f32 v54, v16;
	v42 =	vadd.bf16 v63, v49;
	v39 =	vadd.f32 v39, v51  }
0x11b: {  	v41 =	vunpack.i.u.bf16.f32 v52  }
0x11c: {  	v59 =	vld [tilespmem:s8+$0x8900];
	v57 =	vmul.f32 v41, v17;
	v58 =	vmax.bf16 v42, v5;
	v39 =	vadd.f32 v56, v39  }
0x11d: {  	v60 =	vunpack.i.l.bf16.f32 v58;
	v61 =	vld [tilespmem:s8+$0x4900]  }
0x11e: {  	v62 =	vmul.f32 v60, v18;
	v43 =	vadd.bf16 v53, v55;
	v39 =	vadd.f32 v39, v57  }
0x11f: {  	v41 =	vunpack.i.u.bf16.f32 v58  }
0x120: {  	v49 =	vld [tilespmem:s8+$0x8910];
	v63 =	vmul.f32 v41, v19;
	v48 =	vmax.bf16 v43, v5;
	v39 =	vadd.f32 v62, v39  }
0x121: {  	v50 =	vunpack.i.l.bf16.f32 v48;
	v51 =	vld [tilespmem:s8+$0x4910]  }
0x122: {  	v52 =	vmul.f32 v50, v20;
	v42 =	vadd.bf16 v59, v61;
	v39 =	vadd.f32 v39, v63  }
0x123: {  	v41 =	vunpack.i.u.bf16.f32 v48  }
0x124: {  	v55 =	vld [tilespmem:s8+$0x8920];
	v53 =	vmul.f32 v41, v21;
	v54 =	vmax.bf16 v42, v5;
	v39 =	vadd.f32 v52, v39  }
0x125: {  	v56 =	vunpack.i.l.bf16.f32 v54;
	v57 =	vld [tilespmem:s8+$0x4920]  }
0x126: {  	v58 =	vmul.f32 v56, v22;
	v43 =	vadd.bf16 v49, v51;
	v39 =	vadd.f32 v39, v53  }
0x127: {  	v41 =	vunpack.i.u.bf16.f32 v54  }
0x128: {  	v61 =	vld [tilespmem:s8+$0x8930];
	v59 =	vmul.f32 v41, v23;
	v60 =	vmax.bf16 v43, v5;
	v39 =	vadd.f32 v58, v39  }
0x129: {  	v62 =	vunpack.i.l.bf16.f32 v60;
	v63 =	vld [tilespmem:s8+$0x4930]  }
0x12a: {  	v47 =	vmul.f32 v62, v24;
	v42 =	vadd.bf16 v55, v57;
	v39 =	vadd.f32 v39, v59  }
0x12b: {  	v41 =	vunpack.i.u.bf16.f32 v60  }
0x12c: {  	v50 =	vld [tilespmem:s8+$0x8940];
	v48 =	vmul.f32 v41, v25;
	v49 =	vmax.bf16 v42, v5;
	v39 =	vadd.f32 v47, v39  }
0x12d: {  	v52 =	vld [tilespmem:s8+$0x4940];
	v51 =	vunpack.i.l.bf16.f32 v49  }
0x12e: {  	v53 =	vmul.f32 v51, v26;
	v43 =	vadd.bf16 v61, v63;
	v39 =	vadd.f32 v39, v48  }
0x12f: {  	v41 =	vunpack.i.u.bf16.f32 v49  }
0x130: {  	v56 =	vld [tilespmem:s8+$0x8950];
	v54 =	vmul.f32 v41, v27;
	v55 =	vmax.bf16 v43, v5;
	v39 =	vadd.f32 v53, v39  }
0x131: {  	v58 =	vld [tilespmem:s8+$0x4950];
	v57 =	vunpack.i.l.bf16.f32 v55  }
0x132: {  	v42 =	vadd.bf16 v50, v52;
	v59 =	vmul.f32 v57, v28;
	v39 =	vadd.f32 v39, v54  }
0x133: {  	v41 =	vunpack.i.u.bf16.f32 v55  }
0x134: {  	v62 =	vld [tilespmem:s8+$0x8960];
	v60 =	vmul.f32 v41, v29;
	v61 =	vmax.bf16 v42, v5;
	v39 =	vadd.f32 v59, v39  }
0x135: {  	v63 =	vunpack.i.l.bf16.f32 v61;
	v48 =	vld [tilespmem:s8+$0x4960]  }
0x136: {  	v49 =	vmul.f32 v63, v30;
	v43 =	vadd.bf16 v56, v58;
	v39 =	vadd.f32 v39, v60  }
0x137: {  	v41 =	vunpack.i.u.bf16.f32 v61  }
0x138: {  	v52 =	vld [tilespmem:s8+$0x8970];
	v50 =	vmul.f32 v41, v31;
	v51 =	vmax.bf16 v43, v5;
	v39 =	vadd.f32 v49, v39  }
0x139: {  	v53 =	vunpack.i.l.bf16.f32 v51;
	v54 =	vld [tilespmem:s8+$0x4970]  }
0x13a: {  	v55 =	vmul.f32 v53, v32;
	v42 =	vadd.bf16 v62, v48;
	v39 =	vadd.f32 v39, v50  }
0x13b: {  	v41 =	vunpack.i.u.bf16.f32 v51  }
0x13c: {  	v56 =	vmul.f32 v41, v33;
	v57 =	vmax.bf16 v42, v5;
	v39 =	vadd.f32 v55, v39  }
0x13d: {  	v42 =	vunpack.i.l.bf16.f32 v57  }
0x13e: {  	v58 =	vmul.f32 v42, v34;
	v59 =	vadd.bf16 v52, v54;
	v39 =	vadd.f32 v39, v56  }
0x13f: {  	v41 =	vunpack.i.u.bf16.f32 v57  }
0x140: {  	v60 =	vmul.f32 v41, v35;
	v61 =	vmax.bf16 v59, v5;
	v39 =	vadd.f32 v58, v39  }
0x141: {  	v42 =	vunpack.i.l.bf16.f32 v61  }
0x142: {  	v62 =	vmul.f32 v42, v36;
	v39 =	vadd.f32 v39, v60  }
0x143: {  	v41 =	vunpack.i.u.bf16.f32 v61  }
0x144: {  	v63 =	vmul.f32 v41, v37;
	v39 =	vadd.f32 v62, v39;
	_ =	sdelay $0x1  }
0x145: {  	s22 =	simm.s32 $0x100;
	s20 =	simm.s32 $0x80;
	v39 =	vadd.f32 v39, v63  }
0x146: {  	s21 =	sand.u32 $0x380, s20;
	s18 =	simm.s32 $0x14500;
	s19 =	sand.u32 $0x3800, s22  }
0x147: {  	s19 =	sor.u32 s21, s19;
	s21 =	simm.s32 $0x200;
	s8 =	sshll.u32 s6, $0x1;
	[tilespmem:s18+$0x0] =	vst v39  }
.LBB2_5:
0x148: {  	p0 =	sne.s32 s21, $0x3F00;
	v39 =	vld [tilespmem:s19+$0x8500]  }
0x149: {  	v40 =	vld [tilespmem:s19+$0x4500];
	_ =	sdelay $0x2  }
0x14a: {  	v41 =	vld [tilespmem:s19+$0x8510]  }
0x14b: {  	v42 =	vld [tilespmem:s19+$0x4510]  }
0x14c: {  	v39 =	vadd.bf16 v39, v40;
	_ =	sdelay $0x1  }
0x14d: {  	v39 =	vmax.bf16 v39, v5;
	v40 =	vld [tilespmem:s19+$0x8520]  }
0x14e: {  	v43 =	vunpack.i.l.bf16.f32 v39;
	v44 =	vld [tilespmem:s19+$0x4520]  }
0x14f: {  	v43 =	vmul.f32 v43, v6;
	v41 =	vadd.bf16 v41, v42  }
0x150: {  	v39 =	vunpack.i.u.bf16.f32 v39  }
0x151: {  	v39 =	vmul.f32 v39, v7;
	v42 =	vadd.f32 v43, v38;
	v41 =	vmax.bf16 v41, v5;
	v43 =	vld [tilespmem:s19+$0x8530]  }
0x152: {  	v45 =	vunpack.i.l.bf16.f32 v41;
	v46 =	vld [tilespmem:s19+$0x4530]  }
0x153: {  	v39 =	vadd.f32 v42, v39;
	v42 =	vmul.f32 v45, v8;
	v40 =	vadd.bf16 v40, v44  }
0x154: {  	v41 =	vunpack.i.u.bf16.f32 v41  }
0x155: {  	v41 =	vmul.f32 v41, v9;
	v39 =	vadd.f32 v42, v39;
	v40 =	vmax.bf16 v40, v5;
	v42 =	vld [tilespmem:s19+$0x8540]  }
0x156: {  	v44 =	vunpack.i.l.bf16.f32 v40;
	v45 =	vld [tilespmem:s19+$0x4540]  }
0x157: {  	v39 =	vadd.f32 v39, v41;
	v41 =	vmul.f32 v44, v10;
	v43 =	vadd.bf16 v43, v46  }
0x158: {  	v40 =	vunpack.i.u.bf16.f32 v40  }
0x159: {  	v40 =	vmul.f32 v40, v11;
	v39 =	vadd.f32 v41, v39;
	v41 =	vmax.bf16 v43, v5;
	v43 =	vld [tilespmem:s19+$0x8550]  }
0x15a: {  	v44 =	vunpack.i.l.bf16.f32 v41;
	v46 =	vld [tilespmem:s19+$0x4550]  }
0x15b: {  	v39 =	vadd.f32 v39, v40;
	v40 =	vmul.f32 v44, v12;
	v42 =	vadd.bf16 v42, v45  }
0x15c: {  	v41 =	vunpack.i.u.bf16.f32 v41  }
0x15d: {  	v39 =	vadd.f32 v40, v39;
	v40 =	vmul.f32 v41, v13;
	v41 =	vmax.bf16 v42, v5;
	v42 =	vld [tilespmem:s19+$0x8560]  }
0x15e: {  	v44 =	vunpack.i.l.bf16.f32 v41;
	v45 =	vld [tilespmem:s19+$0x4560]  }
0x15f: {  	v39 =	vadd.f32 v39, v40;
	v40 =	vmul.f32 v44, v14;
	v43 =	vadd.bf16 v43, v46  }
0x160: {  	v41 =	vunpack.i.u.bf16.f32 v41  }
0x161: {  	v39 =	vadd.f32 v40, v39;
	v40 =	vmul.f32 v41, v15;
	v41 =	vmax.bf16 v43, v5;
	v43 =	vld [tilespmem:s19+$0x8570]  }
0x162: {  	v44 =	vunpack.i.l.bf16.f32 v41;
	v46 =	vld [tilespmem:s19+$0x4570]  }
0x163: {  	v39 =	vadd.f32 v39, v40;
	v40 =	vmul.f32 v44, v16;
	v42 =	vadd.bf16 v42, v45  }
0x164: {  	v41 =	vunpack.i.u.bf16.f32 v41  }
0x165: {  	v39 =	vadd.f32 v40, v39;
	v40 =	vmul.f32 v41, v17;
	v41 =	vmax.bf16 v42, v5;
	v42 =	vld [tilespmem:s19+$0x8900]  }
0x166: {  	v44 =	vunpack.i.l.bf16.f32 v41;
	v45 =	vld [tilespmem:s19+$0x4900]  }
0x167: {  	v39 =	vadd.f32 v39, v40;
	v40 =	vmul.f32 v44, v18;
	v43 =	vadd.bf16 v43, v46  }
0x168: {  	v41 =	vunpack.i.u.bf16.f32 v41  }
0x169: {  	v39 =	vadd.f32 v40, v39;
	v40 =	vmul.f32 v41, v19;
	v41 =	vmax.bf16 v43, v5;
	v43 =	vld [tilespmem:s19+$0x8910]  }
0x16a: {  	v44 =	vunpack.i.l.bf16.f32 v41;
	v46 =	vld [tilespmem:s19+$0x4910]  }
0x16b: {  	v39 =	vadd.f32 v39, v40;
	v40 =	vmul.f32 v44, v20;
	v42 =	vadd.bf16 v42, v45  }
0x16c: {  	v41 =	vunpack.i.u.bf16.f32 v41  }
0x16d: {  	v39 =	vadd.f32 v40, v39;
	v40 =	vmul.f32 v41, v21;
	v41 =	vmax.bf16 v42, v5;
	v42 =	vld [tilespmem:s19+$0x8920]  }
0x16e: {  	v44 =	vunpack.i.l.bf16.f32 v41;
	v45 =	vld [tilespmem:s19+$0x4920]  }
0x16f: {  	v39 =	vadd.f32 v39, v40;
	v40 =	vmul.f32 v44, v22;
	v43 =	vadd.bf16 v43, v46  }
0x170: {  	v41 =	vunpack.i.u.bf16.f32 v41  }
0x171: {  	v39 =	vadd.f32 v40, v39;
	v40 =	vmul.f32 v41, v23;
	v41 =	vmax.bf16 v43, v5;
	v43 =	vld [tilespmem:s19+$0x8930]  }
0x172: {  	v44 =	vunpack.i.l.bf16.f32 v41;
	v46 =	vld [tilespmem:s19+$0x4930]  }
0x173: {  	v39 =	vadd.f32 v39, v40;
	v40 =	vmul.f32 v44, v24;
	v42 =	vadd.bf16 v42, v45  }
0x174: {  	v41 =	vunpack.i.u.bf16.f32 v41  }
0x175: {  	v39 =	vadd.f32 v40, v39;
	v40 =	vmul.f32 v41, v25;
	v41 =	vmax.bf16 v42, v5;
	v42 =	vld [tilespmem:s19+$0x8940]  }
0x176: {  	v44 =	vunpack.i.l.bf16.f32 v41;
	v45 =	vld [tilespmem:s19+$0x4940]  }
0x177: {  	v39 =	vadd.f32 v39, v40;
	v40 =	vmul.f32 v44, v26;
	v43 =	vadd.bf16 v43, v46  }
0x178: {  	v41 =	vunpack.i.u.bf16.f32 v41  }
0x179: {  	v39 =	vadd.f32 v40, v39;
	v40 =	vmul.f32 v41, v27;
	v41 =	vmax.bf16 v43, v5;
	v43 =	vld [tilespmem:s19+$0x8950]  }
0x17a: {  	v44 =	vunpack.i.l.bf16.f32 v41;
	v46 =	vld [tilespmem:s19+$0x4950]  }
0x17b: {  	v39 =	vadd.f32 v39, v40;
	v40 =	vmul.f32 v44, v28;
	v42 =	vadd.bf16 v42, v45  }
0x17c: {  	v41 =	vunpack.i.u.bf16.f32 v41  }
0x17d: {  	v39 =	vadd.f32 v40, v39;
	v40 =	vmul.f32 v41, v29;
	v41 =	vmax.bf16 v42, v5;
	v42 =	vld [tilespmem:s19+$0x8960]  }
0x17e: {  	v44 =	vunpack.i.l.bf16.f32 v41;
	v45 =	vld [tilespmem:s19+$0x4960]  }
0x17f: {  	v39 =	vadd.f32 v39, v40;
	v40 =	vmul.f32 v44, v30;
	v43 =	vadd.bf16 v43, v46  }
0x180: {  	v41 =	vunpack.i.u.bf16.f32 v41  }
0x181: {  	v39 =	vadd.f32 v40, v39;
	v40 =	vmul.f32 v41, v31;
	v41 =	vmax.bf16 v43, v5;
	v43 =	vld [tilespmem:s19+$0x8970]  }
0x182: {  	v44 =	vunpack.i.l.bf16.f32 v41;
	v46 =	vld [tilespmem:s19+$0x4970]  }
0x183: {  	v39 =	vadd.f32 v39, v40;
	v40 =	vmul.f32 v44, v32;
	v42 =	vadd.bf16 v42, v45  }
0x184: {  	v41 =	vunpack.i.u.bf16.f32 v41  }
0x185: {  	v39 =	vadd.f32 v40, v39;
	v40 =	vmul.f32 v41, v33;
	v41 =	vmax.bf16 v42, v5  }
0x186: {  	v42 =	vunpack.i.l.bf16.f32 v41  }
0x187: {  	v39 =	vadd.f32 v39, v40;
	v40 =	vmul.f32 v42, v34;
	v42 =	vadd.bf16 v43, v46  }
0x188: {  	v41 =	vunpack.i.u.bf16.f32 v41  }
0x189: {  	v39 =	vadd.f32 v40, v39;
	v40 =	vmul.f32 v41, v35;
	v41 =	vmax.bf16 v42, v5  }
0x18a: {  	v42 =	vunpack.i.l.bf16.f32 v41  }
0x18b: {  	v39 =	vadd.f32 v39, v40;
	v40 =	vmul.f32 v42, v36  }
0x18c: {  	v41 =	vunpack.i.u.bf16.f32 v41  }
.Ltmp1:
0x18d: {  	v39 =	vadd.f32 v40, v39;
	v40 =	vmul.f32 v41, v37;
	(pc) =	sbr.rel @p0 .LBB2_5-.Ltmp1, $4  }
0x18e: {  	_ = 	snop  }
0x18f: {  	s20 =	sadd.s32 $0x80, s20;
	v39 =	vadd.f32 v39, v40  }
0x190: {  	s18 =	sadd.s32 $0x10, s18;
	s22 =	sand.u32 $0x380, s20;
	s19 =	sand.u32 $0x3800, s21  }
0x191: {  	s21 =	sadd.s32 $0x100, s21;
	s19 =	sor.u32 s22, s19;
	[tilespmem:s18+$0x0] =	vst v39  }
0x192: {  	v39 =	vld [tilespmem:s19+$0x8500]  }
0x193: {  	v40 =	vld [tilespmem:s19+$0x4500];
	_ =	sdelay $0x2  }
0x194: {  	v41 =	vld [tilespmem:s19+$0x8510]  }
0x195: {  	v42 =	vld [tilespmem:s19+$0x4510]  }
0x196: {  	v39 =	vadd.bf16 v39, v40;
	_ =	sdelay $0x1  }
0x197: {  	v57 =	vld [tilespmem:s19+$0x8520];
	v39 =	vmax.bf16 v39, v5  }
0x198: {  	v44 =	vld [tilespmem:s19+$0x4520];
	v43 =	vunpack.i.l.bf16.f32 v39  }
0x199: {  	v41 =	vadd.bf16 v41, v42;
	v43 =	vmul.f32 v43, v6  }
0x19a: {  	v39 =	vunpack.i.u.bf16.f32 v39  }
0x19b: {  	v59 =	vld [tilespmem:s19+$0x8530];
	v41 =	vmax.bf16 v41, v5;
	v39 =	vmul.f32 v39, v7;
	v58 =	vadd.f32 v43, v38  }
0x19c: {  	v46 =	vld [tilespmem:s19+$0x4530];
	v45 =	vunpack.i.l.bf16.f32 v41  }
0x19d: {  	v40 =	vadd.bf16 v57, v44;
	v60 =	vmul.f32 v45, v8;
	v39 =	vadd.f32 v58, v39  }
0x19e: {  	v41 =	vunpack.i.u.bf16.f32 v41  }
0x19f: {  	v61 =	vld [tilespmem:s19+$0x8540];
	v40 =	vmax.bf16 v40, v5;
	v41 =	vmul.f32 v41, v9;
	v39 =	vadd.f32 v60, v39  }
0x1a0: {  	v63 =	vld [tilespmem:s19+$0x4540];
	v62 =	vunpack.i.l.bf16.f32 v40  }
0x1a1: {  	v47 =	vmul.f32 v62, v10;
	v43 =	vadd.bf16 v59, v46;
	v39 =	vadd.f32 v39, v41  }
0x1a2: {  	v40 =	vunpack.i.u.bf16.f32 v40  }
0x1a3: {  	v49 =	vld [tilespmem:s19+$0x8550];
	v40 =	vmul.f32 v40, v11;
	v48 =	vmax.bf16 v43, v5;
	v39 =	vadd.f32 v47, v39  }
0x1a4: {  	v51 =	vld [tilespmem:s19+$0x4550];
	v50 =	vunpack.i.l.bf16.f32 v48  }
0x1a5: {  	v42 =	vadd.bf16 v61, v63;
	v52 =	vmul.f32 v50, v12;
	v39 =	vadd.f32 v39, v40  }
0x1a6: {  	v41 =	vunpack.i.u.bf16.f32 v48  }
0x1a7: {  	v55 =	vld [tilespmem:s19+$0x8560];
	v54 =	vmax.bf16 v42, v5;
	v53 =	vmul.f32 v41, v13;
	v39 =	vadd.f32 v52, v39  }
0x1a8: {  	v57 =	vld [tilespmem:s19+$0x4560];
	v56 =	vunpack.i.l.bf16.f32 v54  }
0x1a9: {  	v58 =	vmul.f32 v56, v14;
	v43 =	vadd.bf16 v49, v51;
	v39 =	vadd.f32 v39, v53  }
0x1aa: {  	v41 =	vunpack.i.u.bf16.f32 v54  }
0x1ab: {  	v61 =	vld [tilespmem:s19+$0x8570];
	v60 =	vmax.bf16 v43, v5;
	v59 =	vmul.f32 v41, v15;
	v39 =	vadd.f32 v58, v39  }
0x1ac: {  	v63 =	vld [tilespmem:s19+$0x4570];
	v62 =	vunpack.i.l.bf16.f32 v60  }
0x1ad: {  	v42 =	vadd.bf16 v55, v57;
	v48 =	vmul.f32 v62, v16;
	v39 =	vadd.f32 v39, v59  }
0x1ae: {  	v41 =	vunpack.i.u.bf16.f32 v60  }
0x1af: {  	v51 =	vld [tilespmem:s19+$0x8900];
	v50 =	vmax.bf16 v42, v5;
	v49 =	vmul.f32 v41, v17;
	v39 =	vadd.f32 v48, v39  }
0x1b0: {  	v52 =	vunpack.i.l.bf16.f32 v50;
	v53 =	vld [tilespmem:s19+$0x4900]  }
0x1b1: {  	v43 =	vadd.bf16 v61, v63;
	v54 =	vmul.f32 v52, v18;
	v39 =	vadd.f32 v39, v49  }
0x1b2: {  	v41 =	vunpack.i.u.bf16.f32 v50  }
0x1b3: {  	v57 =	vld [tilespmem:s19+$0x8910];
	v56 =	vmax.bf16 v43, v5;
	v55 =	vmul.f32 v41, v19;
	v39 =	vadd.f32 v54, v39  }
0x1b4: {  	v58 =	vunpack.i.l.bf16.f32 v56;
	v59 =	vld [tilespmem:s19+$0x4910]  }
0x1b5: {  	v60 =	vmul.f32 v58, v20;
	v42 =	vadd.bf16 v51, v53;
	v39 =	vadd.f32 v39, v55  }
0x1b6: {  	v41 =	vunpack.i.u.bf16.f32 v56  }
0x1b7: {  	v63 =	vld [tilespmem:s19+$0x8920];
	v61 =	vmul.f32 v41, v21;
	v62 =	vmax.bf16 v42, v5;
	v39 =	vadd.f32 v60, v39  }
0x1b8: {  	v48 =	vunpack.i.l.bf16.f32 v62;
	v49 =	vld [tilespmem:s19+$0x4920]  }
0x1b9: {  	v50 =	vmul.f32 v48, v22;
	v43 =	vadd.bf16 v57, v59;
	v39 =	vadd.f32 v39, v61  }
0x1ba: {  	v41 =	vunpack.i.u.bf16.f32 v62  }
0x1bb: {  	v53 =	vld [tilespmem:s19+$0x8930];
	v51 =	vmul.f32 v41, v23;
	v52 =	vmax.bf16 v43, v5;
	v39 =	vadd.f32 v50, v39  }
0x1bc: {  	v54 =	vunpack.i.l.bf16.f32 v52;
	v55 =	vld [tilespmem:s19+$0x4930]  }
0x1bd: {  	v56 =	vmul.f32 v54, v24;
	v42 =	vadd.bf16 v63, v49;
	v39 =	vadd.f32 v39, v51  }
0x1be: {  	v41 =	vunpack.i.u.bf16.f32 v52  }
0x1bf: {  	v59 =	vld [tilespmem:s19+$0x8940];
	v57 =	vmul.f32 v41, v25;
	v58 =	vmax.bf16 v42, v5;
	v39 =	vadd.f32 v56, v39  }
0x1c0: {  	v60 =	vunpack.i.l.bf16.f32 v58;
	v61 =	vld [tilespmem:s19+$0x4940]  }
0x1c1: {  	v62 =	vmul.f32 v60, v26;
	v43 =	vadd.bf16 v53, v55;
	v39 =	vadd.f32 v39, v57  }
0x1c2: {  	v41 =	vunpack.i.u.bf16.f32 v58  }
0x1c3: {  	v49 =	vld [tilespmem:s19+$0x8950];
	v63 =	vmul.f32 v41, v27;
	v48 =	vmax.bf16 v43, v5;
	v39 =	vadd.f32 v62, v39  }
0x1c4: {  	v50 =	vunpack.i.l.bf16.f32 v48;
	v51 =	vld [tilespmem:s19+$0x4950]  }
0x1c5: {  	v52 =	vmul.f32 v50, v28;
	v42 =	vadd.bf16 v59, v61;
	v39 =	vadd.f32 v39, v63  }
0x1c6: {  	v41 =	vunpack.i.u.bf16.f32 v48  }
0x1c7: {  	v55 =	vld [tilespmem:s19+$0x8960];
	v53 =	vmul.f32 v41, v29;
	v54 =	vmax.bf16 v42, v5;
	v39 =	vadd.f32 v52, v39  }
0x1c8: {  	v56 =	vunpack.i.l.bf16.f32 v54;
	v57 =	vld [tilespmem:s19+$0x4960]  }
0x1c9: {  	v58 =	vmul.f32 v56, v30;
	v43 =	vadd.bf16 v49, v51;
	v39 =	vadd.f32 v39, v53  }
0x1ca: {  	v41 =	vunpack.i.u.bf16.f32 v54  }
0x1cb: {  	v61 =	vld [tilespmem:s19+$0x8970];
	v59 =	vmul.f32 v41, v31;
	v60 =	vmax.bf16 v43, v5;
	v39 =	vadd.f32 v58, v39  }
0x1cc: {  	v62 =	vunpack.i.l.bf16.f32 v60;
	v63 =	vld [tilespmem:s19+$0x4970]  }
0x1cd: {  	v48 =	vmul.f32 v62, v32;
	v42 =	vadd.bf16 v55, v57;
	v39 =	vadd.f32 v39, v59  }
0x1ce: {  	v41 =	vunpack.i.u.bf16.f32 v60  }
0x1cf: {  	v49 =	vmul.f32 v41, v33;
	v50 =	vmax.bf16 v42, v5;
	v39 =	vadd.f32 v48, v39  }
0x1d0: {  	v42 =	vunpack.i.l.bf16.f32 v50  }
0x1d1: {  	v51 =	vmul.f32 v42, v34;
	v52 =	vadd.bf16 v61, v63;
	v39 =	vadd.f32 v39, v49  }
0x1d2: {  	v41 =	vunpack.i.u.bf16.f32 v50  }
0x1d3: {  	s21 =	simm.s32 $0x0;
	v53 =	vmul.f32 v41, v35;
	v54 =	vmax.bf16 v52, v5;
	v39 =	vadd.f32 v51, v39  }
0x1d4: {  	v55 =	vmov s21;
	v42 =	vunpack.i.l.bf16.f32 v54  }
0x1d5: {  	v42 =	vmul.f32 v42, v36;
	v40 =	vadd.f32 v39, v53;
	v39 =	vmul.u32 $0x10, v0  }
0x1d6: {  	v43 =	vshll.u32 v55, $0x4;
	v41 =	vunpack.i.u.bf16.f32 v54  }
0x1d7: {  	v41 =	vmul.f32 v41, v37;
	v40 =	vadd.f32 v42, v40;
	v42 =	vor.u32 v39, v43;
	_ =	sdelay $0x1  }
0x1d8: {  	v56 =	vor.u32 $0x1, v42;
	v40 =	vadd.f32 v40, v41  }
0x1d9: {  	s18 =	sadd.s32 $0x10, s18  }
0x1da: {  	v57 =	vor.u32 $0x2, v42;
	[tilespmem:s18+$0x0] =	vst v40  }
0x1db: {  	v43 =	vld.idx.msk [tilespmem:v42+s13+$0x0], $0xffff  }
0x1dc: {  	v58 =	vor.u32 $0x3, v42  }
0x1dd: {  	v41 =	vld.idx.msk [tilespmem:v56+s13+$0x0], $0xffff  }
0x1de: {  	v59 =	vor.u32 $0x4, v42  }
0x1df: {  	v40 =	vld.idx.msk [tilespmem:v57+s13+$0x0], $0xffff  }
0x1e0: {  	v60 =	vor.u32 $0x5, v42;
	v43 =	vadd.f32 $0.0e+00, v43  }
0x1e1: {  	v44 =	vld.idx.msk [tilespmem:v58+s13+$0x0], $0xffff  }
0x1e2: {  	v47 =	vor.u32 $0x6, v42;
	v41 =	vadd.f32 v41, v43  }
0x1e3: {  	v61 =	vld.idx.msk [tilespmem:v59+s13+$0x0], $0xffff  }
0x1e4: {  	v62 =	vor.u32 $0x7, v42;
	v40 =	vadd.f32 v40, v41  }
0x1e5: {  	v63 =	vld.idx.msk [tilespmem:v60+s13+$0x0], $0xffff  }
0x1e6: {  	v48 =	vor.u32 $0x8, v42;
	v40 =	vadd.f32 v44, v40  }
0x1e7: {  	v49 =	vld.idx.msk [tilespmem:v47+s13+$0x0], $0xffff  }
0x1e8: {  	v50 =	vor.u32 $0x9, v42;
	v40 =	vadd.f32 v61, v40  }
0x1e9: {  	v51 =	vld.idx.msk [tilespmem:v62+s13+$0x0], $0xffff  }
0x1ea: {  	v52 =	vor.u32 $0xA, v42;
	v40 =	vadd.f32 v63, v40  }
0x1eb: {  	v53 =	vld.idx.msk [tilespmem:v48+s13+$0x0], $0xffff  }
0x1ec: {  	v54 =	vor.u32 $0xB, v42;
	v40 =	vadd.f32 v49, v40  }
0x1ed: {  	v55 =	vld.idx.msk [tilespmem:v50+s13+$0x0], $0xffff  }
0x1ee: {  	v56 =	vor.u32 $0xC, v42;
	v40 =	vadd.f32 v51, v40  }
0x1ef: {  	v57 =	vld.idx.msk [tilespmem:v52+s13+$0x0], $0xffff  }
0x1f0: {  	v58 =	vor.u32 $0xD, v42;
	v40 =	vadd.f32 v53, v40  }
0x1f1: {  	v59 =	vld.idx.msk [tilespmem:v54+s13+$0x0], $0xffff  }
0x1f2: {  	v60 =	vor.u32 $0xE, v42;
	v40 =	vadd.f32 v55, v40  }
0x1f3: {  	v61 =	vld.idx.msk [tilespmem:v56+s13+$0x0], $0xffff  }
0x1f4: {  	v42 =	vor.u32 $0xF, v42;
	v40 =	vadd.f32 v57, v40  }
0x1f5: {  	v62 =	vld.idx.msk [tilespmem:v58+s13+$0x0], $0xffff  }
0x1f6: {  	v40 =	vadd.f32 v59, v40  }
0x1f7: {  	v41 =	vld.idx.msk [tilespmem:v60+s13+$0x0], $0xffff  }
0x1f8: {  	v63 =	vadd.f32 v61, v40;
	v40 =	vld [tilespmem:s16+$0x0]  }
0x1f9: {  	s22 =	simm.s32 $0x10;
	v42 =	vld.idx.msk [tilespmem:v42+s13+$0x0], $0xffff  }
0x1fa: {  	s19 =	simm.s32 $0x20;
	s18 =	smov.u32 s16;
	v44 =	vmov s22;
	v43 =	vadd.f32 v62, v63  }
.LBB2_7:
0x1fb: {  	p0 =	sne.s32 s19, $0x30;
	v44 =	vshll.u32 v44, $0x4  }
0x1fc: {  	v44 =	vor.u32 v39, v44;
	v41 =	vadd.f32 v41, v43;
	_ =	sdelay $0x1  }
0x1fd: {  	v43 =	vor.u32 $0x1, v44;
	v41 =	vadd.f32 v42, v41;
	_ =	sdelay $0x1  }
0x1fe: {  	v42 =	vor.u32 $0x2, v44;
	[tilespmem:v40+s7+$0x0] =	vst.idx.add.f32.msk $0xffff, v41  }
0x1ff: {  	v40 =	vld.idx.msk [tilespmem:v44+s13+$0x0], $0xffff  }
0x200: {  	v41 =	vor.u32 $0x3, v44  }
0x201: {  	v43 =	vld.idx.msk [tilespmem:v43+s13+$0x0], $0xffff  }
0x202: {  	v45 =	vor.u32 $0x4, v44  }
0x203: {  	v42 =	vld.idx.msk [tilespmem:v42+s13+$0x0], $0xffff  }
0x204: {  	v46 =	vor.u32 $0x5, v44  }
0x205: {  	v40 =	vadd.f32 $0.0e+00, v40;
	v41 =	vld.idx.msk [tilespmem:v41+s13+$0x0], $0xffff  }
0x206: {  	v47 =	vor.u32 $0x6, v44  }
0x207: {  	v40 =	vadd.f32 v43, v40;
	v43 =	vld.idx.msk [tilespmem:v45+s13+$0x0], $0xffff  }
0x208: {  	v45 =	vor.u32 $0x7, v44  }
0x209: {  	v40 =	vadd.f32 v42, v40;
	v42 =	vld.idx.msk [tilespmem:v46+s13+$0x0], $0xffff  }
0x20a: {  	v46 =	vor.u32 $0x8, v44  }
0x20b: {  	v40 =	vadd.f32 v41, v40;
	v41 =	vld.idx.msk [tilespmem:v47+s13+$0x0], $0xffff  }
0x20c: {  	v47 =	vor.u32 $0x9, v44  }
0x20d: {  	v40 =	vadd.f32 v43, v40;
	v43 =	vld.idx.msk [tilespmem:v45+s13+$0x0], $0xffff  }
0x20e: {  	v45 =	vor.u32 $0xA, v44  }
0x20f: {  	v40 =	vadd.f32 v42, v40;
	v42 =	vld.idx.msk [tilespmem:v46+s13+$0x0], $0xffff  }
0x210: {  	v46 =	vor.u32 $0xB, v44  }
0x211: {  	v40 =	vadd.f32 v41, v40;
	v41 =	vld.idx.msk [tilespmem:v47+s13+$0x0], $0xffff  }
0x212: {  	v47 =	vor.u32 $0xC, v44  }
0x213: {  	v40 =	vadd.f32 v43, v40;
	v43 =	vld.idx.msk [tilespmem:v45+s13+$0x0], $0xffff  }
0x214: {  	v45 =	vor.u32 $0xD, v44  }
0x215: {  	v40 =	vadd.f32 v42, v40;
	v42 =	vld.idx.msk [tilespmem:v46+s13+$0x0], $0xffff  }
0x216: {  	v46 =	vor.u32 $0xE, v44  }
0x217: {  	v40 =	vadd.f32 v41, v40;
	v47 =	vld.idx.msk [tilespmem:v47+s13+$0x0], $0xffff  }
0x218: {  	v44 =	vor.u32 $0xF, v44  }
0x219: {  	v40 =	vadd.f32 v43, v40;
	v43 =	vld.idx.msk [tilespmem:v45+s13+$0x0], $0xffff;
	_ =	sdelay $0x1  }
.Ltmp2:
0x21a: {  	s18 =	sadd.s32 $0x10, s18;
	v42 =	vadd.f32 v42, v40;
	v41 =	vld.idx.msk [tilespmem:v46+s13+$0x0], $0xffff;
	(pc) =	sbr.rel @p0 .LBB2_7-.Ltmp2, $3  }
0x21b: {  	v40 =	vld [tilespmem:s18+$0x0]  }
0x21c: {  	v45 =	vadd.f32 v47, v42;
	v42 =	vld.idx.msk [tilespmem:v44+s13+$0x0], $0xffff;
	_ =	sdelay $0x1  }
0x21d: {  	v44 =	vmov s19;
	s19 =	sadd.s32 $0x10, s19;
	v43 =	vadd.f32 v43, v45  }
0x21e: {  	v44 =	vshll.u32 v44, $0x4  }
0x21f: {  	v44 =	vor.u32 v39, v44;
	v41 =	vadd.f32 v41, v43;
	_ =	sdelay $0x1  }
0x220: {  	v57 =	vor.u32 $0x1, v44;
	v41 =	vadd.f32 v42, v41;
	_ =	sdelay $0x1  }
0x221: {  	v58 =	vor.u32 $0x2, v44;
	[tilespmem:v40+s7+$0x0] =	vst.idx.add.f32.msk $0xffff, v41  }
0x222: {  	v40 =	vld.idx.msk [tilespmem:v44+s13+$0x0], $0xffff  }
0x223: {  	v59 =	vor.u32 $0x3, v44  }
0x224: {  	v43 =	vld.idx.msk [tilespmem:v57+s13+$0x0], $0xffff  }
0x225: {  	v45 =	vor.u32 $0x4, v44  }
0x226: {  	v42 =	vld.idx.msk [tilespmem:v58+s13+$0x0], $0xffff  }
0x227: {  	v46 =	vor.u32 $0x5, v44;
	v40 =	vadd.f32 $0.0e+00, v40  }
0x228: {  	v41 =	vld.idx.msk [tilespmem:v59+s13+$0x0], $0xffff  }
0x229: {  	v47 =	vor.u32 $0x6, v44;
	v40 =	vadd.f32 v43, v40  }
0x22a: {  	v60 =	vld.idx.msk [tilespmem:v45+s13+$0x0], $0xffff  }
0x22b: {  	v61 =	vor.u32 $0x7, v44;
	v40 =	vadd.f32 v42, v40  }
0x22c: {  	v62 =	vld.idx.msk [tilespmem:v46+s13+$0x0], $0xffff  }
0x22d: {  	v63 =	vor.u32 $0x8, v44;
	v40 =	vadd.f32 v41, v40  }
0x22e: {  	v48 =	vld.idx.msk [tilespmem:v47+s13+$0x0], $0xffff  }
0x22f: {  	v49 =	vor.u32 $0x9, v44;
	v40 =	vadd.f32 v60, v40  }
0x230: {  	v50 =	vld.idx.msk [tilespmem:v61+s13+$0x0], $0xffff  }
0x231: {  	v51 =	vor.u32 $0xA, v44;
	v40 =	vadd.f32 v62, v40  }
0x232: {  	v52 =	vld.idx.msk [tilespmem:v63+s13+$0x0], $0xffff  }
0x233: {  	v53 =	vor.u32 $0xB, v44;
	v40 =	vadd.f32 v48, v40  }
0x234: {  	v54 =	vld.idx.msk [tilespmem:v49+s13+$0x0], $0xffff  }
0x235: {  	v55 =	vor.u32 $0xC, v44;
	v40 =	vadd.f32 v50, v40  }
0x236: {  	v56 =	vld.idx.msk [tilespmem:v51+s13+$0x0], $0xffff  }
0x237: {  	v57 =	vor.u32 $0xD, v44;
	v40 =	vadd.f32 v52, v40  }
0x238: {  	v58 =	vld.idx.msk [tilespmem:v53+s13+$0x0], $0xffff  }
0x239: {  	v59 =	vor.u32 $0xE, v44;
	v40 =	vadd.f32 v54, v40  }
0x23a: {  	v60 =	vld.idx.msk [tilespmem:v55+s13+$0x0], $0xffff  }
0x23b: {  	v44 =	vor.u32 $0xF, v44;
	v40 =	vadd.f32 v56, v40  }
0x23c: {  	v61 =	vld.idx.msk [tilespmem:v57+s13+$0x0], $0xffff  }
0x23d: {  	v40 =	vadd.f32 v58, v40  }
0x23e: {  	s18 =	sadd.s32 $0x10, s18;
	v62 =	vld.idx.msk [tilespmem:v59+s13+$0x0], $0xffff  }
0x23f: {  	v63 =	vld [tilespmem:s18+$0x0];
	v40 =	vadd.f32 v60, v40  }
0x240: {  	v47 =	vld.idx.msk [tilespmem:v44+s13+$0x0], $0xffff  }
0x241: {  	v40 =	vadd.f32 v61, v40;
	_ =	sdelay $0x1  }
0x242: {  	v40 =	vadd.f32 v62, v40  }
0x243: {  	s8 =	sadd.s32 $0x2, s8  }
0x244: {  	p0 =	slt.s32 s8, s10;
	s18 =	smov.u32 s10;
	v40 =	vadd.f32 v47, v40  }
0x245: {  	s18 =	smov.u32 @p0 s8  }
0x246: {  	s18 =	sshll.u32 s18, $0x6;
	[tilespmem:v63+s7+$0x0] =	vst.idx.add.f32.msk $0xffff, v40  }
0x247: {  	v40 =	vld [tilespmem:s18+$0x0];
	_ =	sdelay $0x4  }
0x248: {  	v48 =	vshll.u32 v40, $0x1  }
0x249: {  	v40 =	vand.u32 $0x7, v40;
	v41 =	vand.u32 $0xFFFFFFF0, v48  }
0x24a: {  	v40 =	vor.u32 v40, v41  }
0x24b: {  	v41 =	vperm.xlane v40, v2;
	_ =	sdelay $0x1  }
0x24c: {  	v40 =	vperm.xlane v40, v4;
	v41 =	vadd.s32 v3, v41;
	_ =	sdelay $0x1  }
0x24d: {  	v40 =	vadd.s32 v3, v40;
	_ =	sdelay $0x1  }
0x24e: {  	s19 =	simm.s32 $0x4500;
	s8 =	simm.s32 $0x0  }
0x24f: {  	[tilespmem:s19], [sflag:$0x1] =	stream.indirect_vreg.gather [hbm4b:s4+s8], $0x80, v41, vm0, $0xb8;
	[tilespmem:$0x17380] =	vst v63  }
0x250: {  	s22 =	simm.s32 $0x4D00  }
0x251: {  	[tilespmem:s22], [sflag:$0x1] =	stream.indirect_vreg.gather [hbm4b:s4+s8], $0x80, v40, vm0, $0xb8;
	[tilespmem:$0x17380] =	vst v63  }
0x252: {  	v40 =	vld [tilespmem:s18+$0x10];
	_ =	sdelay $0x4  }
0x253: {  	v49 =	vshll.u32 v40, $0x1  }
0x254: {  	v40 =	vand.u32 $0x7, v40;
	v41 =	vand.u32 $0xFFFFFFF0, v49  }
0x255: {  	v40 =	vor.u32 v40, v41  }
0x256: {  	v41 =	vperm.xlane v40, v2;
	_ =	sdelay $0x1  }
0x257: {  	v40 =	vperm.xlane v40, v4;
	v41 =	vadd.s32 v3, v41;
	_ =	sdelay $0x1  }
0x258: {  	v40 =	vadd.s32 v3, v40;
	_ =	sdelay $0x1  }
0x259: {  	s20 =	simm.s32 $0x5500  }
0x25a: {  	[tilespmem:s20], [sflag:$0x1] =	stream.indirect_vreg.gather [hbm4b:s4+s8], $0x80, v41, vm0, $0xb8;
	[tilespmem:$0x17380] =	vst v63  }
0x25b: {  	s21 =	simm.s32 $0x5D00  }
0x25c: {  	[tilespmem:s21], [sflag:$0x1] =	stream.indirect_vreg.gather [hbm4b:s4+s8], $0x80, v40, vm0, $0xb8;
	[tilespmem:$0x17380] =	vst v63  }
0x25d: {  	v40 =	vld [tilespmem:s18+$0x20];
	_ =	sdelay $0x4  }
0x25e: {  	v50 =	vshll.u32 v40, $0x1  }
0x25f: {  	v40 =	vand.u32 $0x7, v40;
	v41 =	vand.u32 $0xFFFFFFF0, v50  }
0x260: {  	v40 =	vor.u32 v40, v41  }
0x261: {  	v41 =	vperm.xlane v40, v2;
	_ =	sdelay $0x1  }
0x262: {  	v40 =	vperm.xlane v40, v4;
	v41 =	vadd.s32 v3, v41;
	_ =	sdelay $0x1  }
0x263: {  	v40 =	vadd.s32 v3, v40;
	_ =	sdelay $0x1  }
0x264: {  	s22 =	simm.s32 $0x6500  }
0x265: {  	[tilespmem:s22], [sflag:$0x1] =	stream.indirect_vreg.gather [hbm4b:s4+s8], $0x80, v41, vm0, $0xb8;
	[tilespmem:$0x17380] =	vst v63  }
0x266: {  	_ = 	snop  }
0x267: {  	[tilespmem:s23], [sflag:$0x1] =	stream.indirect_vreg.gather [hbm4b:s4+s8], $0x80, v40, vm0, $0xb8;
	[tilespmem:$0x17380] =	vst v63  }
0x268: {  	v40 =	vld [tilespmem:s18+$0x30];
	_ =	sdelay $0x4  }
0x269: {  	v51 =	vshll.u32 v40, $0x1  }
0x26a: {  	v40 =	vand.u32 $0x7, v40;
	v41 =	vand.u32 $0xFFFFFFF0, v51  }
0x26b: {  	v40 =	vor.u32 v40, v41  }
0x26c: {  	v41 =	vperm.xlane v40, v2;
	_ =	sdelay $0x1  }
0x26d: {  	v40 =	vperm.xlane v40, v4;
	v41 =	vadd.s32 v3, v41;
	_ =	sdelay $0x1  }
0x26e: {  	v40 =	vadd.s32 v3, v40;
	_ =	sdelay $0x2  }
0x26f: {  	[tilespmem:s24], [sflag:$0x1] =	stream.indirect_vreg.gather [hbm4b:s4+s8], $0x80, v41, vm0, $0xb8;
	[tilespmem:$0x17380] =	vst v63  }
0x270: {  	_ = 	snop  }
0x271: {  	[tilespmem:s25], [sflag:$0x1] =	stream.indirect_vreg.gather [hbm4b:s4+s8], $0x80, v40, vm0, $0xb8;
	[tilespmem:$0x17380] =	vst v63  }
0x272: {  	v40 =	vld [tilespmem:s18+$0x1700];
	_ =	sdelay $0x4  }
0x273: {  	v52 =	vshll.u32 v40, $0x1  }
0x274: {  	v40 =	vand.u32 $0x7, v40;
	v41 =	vand.u32 $0xFFFFFFF0, v52  }
0x275: {  	v40 =	vor.u32 v40, v41  }
0x276: {  	v41 =	vperm.xlane v40, v2;
	_ =	sdelay $0x1  }
0x277: {  	v40 =	vperm.xlane v40, v4;
	v41 =	vadd.s32 v3, v41;
	_ =	sdelay $0x1  }
0x278: {  	v40 =	vadd.s32 v3, v40;
	_ =	sdelay $0x2  }
0x279: {  	[tilespmem:s26], [sflag:$0x2] =	stream.indirect_vreg.gather [hbm4b:s5+s8], $0x80, v41, vm0, $0xb8;
	[tilespmem:$0x17380] =	vst v63  }
0x27a: {  	_ = 	snop  }
0x27b: {  	[tilespmem:s28], [sflag:$0x2] =	stream.indirect_vreg.gather [hbm4b:s5+s8], $0x80, v40, vm0, $0xb8;
	[tilespmem:$0x17380] =	vst v63  }
0x27c: {  	v40 =	vld [tilespmem:s18+$0x1710];
	_ =	sdelay $0x4  }
0x27d: {  	v53 =	vshll.u32 v40, $0x1  }
0x27e: {  	v40 =	vand.u32 $0x7, v40;
	v41 =	vand.u32 $0xFFFFFFF0, v53  }
0x27f: {  	v40 =	vor.u32 v40, v41  }
0x280: {  	v41 =	vperm.xlane v40, v2;
	_ =	sdelay $0x1  }
0x281: {  	v40 =	vperm.xlane v40, v4;
	v41 =	vadd.s32 v3, v41;
	_ =	sdelay $0x1  }
0x282: {  	v40 =	vadd.s32 v3, v40;
	_ =	sdelay $0x2  }
0x283: {  	[tilespmem:s29], [sflag:$0x2] =	stream.indirect_vreg.gather [hbm4b:s5+s8], $0x80, v41, vm0, $0xb8;
	[tilespmem:$0x17380] =	vst v63  }
0x284: {  	_ = 	snop  }
0x285: {  	[tilespmem:s30], [sflag:$0x2] =	stream.indirect_vreg.gather [hbm4b:s5+s8], $0x80, v40, vm0, $0xb8;
	[tilespmem:$0x17380] =	vst v63  }
0x286: {  	v40 =	vld [tilespmem:s18+$0x1720];
	_ =	sdelay $0x4  }
0x287: {  	v54 =	vshll.u32 v40, $0x1  }
0x288: {  	v40 =	vand.u32 $0x7, v40;
	v41 =	vand.u32 $0xFFFFFFF0, v54  }
0x289: {  	v40 =	vor.u32 v40, v41  }
0x28a: {  	v41 =	vperm.xlane v40, v2;
	_ =	sdelay $0x1  }
0x28b: {  	v40 =	vperm.xlane v40, v4;
	v41 =	vadd.s32 v3, v41;
	_ =	sdelay $0x1  }
0x28c: {  	v40 =	vadd.s32 v3, v40;
	_ =	sdelay $0x2  }
0x28d: {  	[tilespmem:s31], [sflag:$0x2] =	stream.indirect_vreg.gather [hbm4b:s5+s8], $0x80, v41, vm0, $0xb8;
	[tilespmem:$0x17380] =	vst v63  }
0x28e: {  	_ = 	snop  }
0x28f: {  	[tilespmem:s0], [sflag:$0x2] =	stream.indirect_vreg.gather [hbm4b:s5+s8], $0x80, v40, vm0, $0xb8;
	[tilespmem:$0x17380] =	vst v63  }
0x290: {  	v40 =	vld [tilespmem:s18+$0x1730];
	_ =	sdelay $0x4  }
0x291: {  	v55 =	vshll.u32 v40, $0x1  }
0x292: {  	v40 =	vand.u32 $0x7, v40;
	v41 =	vand.u32 $0xFFFFFFF0, v55  }
0x293: {  	v40 =	vor.u32 v40, v41  }
0x294: {  	v41 =	vperm.xlane v40, v2;
	_ =	sdelay $0x1  }
0x295: {  	v40 =	vperm.xlane v40, v4;
	v41 =	vadd.s32 v3, v41;
	_ =	sdelay $0x1  }
0x296: {  	v40 =	vadd.s32 v3, v40;
	_ =	sdelay $0x2  }
0x297: {  	[tilespmem:s2], [sflag:$0x2] =	stream.indirect_vreg.gather [hbm4b:s5+s8], $0x80, v41, vm0, $0xb8;
	[tilespmem:$0x17380] =	vst v63  }
0x298: {  	_ = 	snop  }
0x299: {  	[tilespmem:s1], [sflag:$0x2] =	stream.indirect_vreg.gather [hbm4b:s5+s8], $0x80, v40, vm0, $0xb8;
	[tilespmem:$0x17380] =	vst v63  }
0x29a: {  	_ =	swait.ge [sflag:s3], $0x4000  }
0x29b: {  	[sflag:s3] =	ssyncset.done $0x0  }
0x29c: {  	[sflag:s3] =	ssyncadd.s32 $0xFFFFC000  }
0x29d: {  	_ =	swait.ge [sflag:s14], $0x4000  }
0x29e: {  	s20 =	sand.u32 $0x3800, s8;
	s21 =	sand.u32 $0x380, s8;
	[sflag:s14] =	ssyncset.done $0x0  }
0x29f: {  	s18 =	sor.u32 s21, s20;
	[sflag:s14] =	ssyncadd.s32 $0xFFFFC000  }
0x2a0: {  	v56 =	vld [tilespmem:s18+$0x10500]  }
0x2a1: {  	v57 =	vld [tilespmem:s18+$0xC500];
	_ =	sdelay $0x2  }
0x2a2: {  	v58 =	vld [tilespmem:s18+$0x10510]  }
0x2a3: {  	v59 =	vld [tilespmem:s18+$0xC510]  }
0x2a4: {  	v40 =	vadd.bf16 v56, v57;
	_ =	sdelay $0x1  }
0x2a5: {  	v60 =	vld [tilespmem:s18+$0x10520];
	v40 =	vmax.bf16 v40, v5  }
0x2a6: {  	v62 =	vld [tilespmem:s18+$0xC520];
	v61 =	vunpack.i.l.bf16.f32 v40  }
0x2a7: {  	v42 =	vadd.bf16 v58, v59;
	v44 =	vmul.f32 v61, v6  }
0x2a8: {  	v40 =	vunpack.i.u.bf16.f32 v40  }
0x2a9: {  	v48 =	vld [tilespmem:s18+$0x10530];
	v42 =	vmax.bf16 v42, v5;
	v40 =	vmul.f32 v40, v7;
	v63 =	vadd.f32 v44, v38  }
0x2aa: {  	v50 =	vld [tilespmem:s18+$0xC530];
	v49 =	vunpack.i.l.bf16.f32 v42  }
0x2ab: {  	v41 =	vadd.bf16 v60, v62;
	v51 =	vmul.f32 v49, v8;
	v40 =	vadd.f32 v63, v40  }
0x2ac: {  	v42 =	vunpack.i.u.bf16.f32 v42  }
0x2ad: {  	v52 =	vld [tilespmem:s18+$0x10540];
	v41 =	vmax.bf16 v41, v5;
	v42 =	vmul.f32 v42, v9;
	v40 =	vadd.f32 v51, v40  }
0x2ae: {  	v54 =	vld [tilespmem:s18+$0xC540];
	v53 =	vunpack.i.l.bf16.f32 v41  }
0x2af: {  	v55 =	vmul.f32 v53, v10;
	v44 =	vadd.bf16 v48, v50;
	v40 =	vadd.f32 v40, v42  }
0x2b0: {  	v41 =	vunpack.i.u.bf16.f32 v41  }
0x2b1: {  	v57 =	vld [tilespmem:s18+$0x10550];
	v41 =	vmul.f32 v41, v11;
	v56 =	vmax.bf16 v44, v5;
	v40 =	vadd.f32 v55, v40  }
0x2b2: {  	v59 =	vld [tilespmem:s18+$0xC550];
	v58 =	vunpack.i.l.bf16.f32 v56  }
0x2b3: {  	v43 =	vadd.bf16 v52, v54;
	v60 =	vmul.f32 v58, v12;
	v40 =	vadd.f32 v40, v41  }
0x2b4: {  	v42 =	vunpack.i.u.bf16.f32 v56  }
0x2b5: {  	v62 =	vmax.bf16 v43, v5;
	v49 =	vld [tilespmem:s18+$0xC560];
	v61 =	vmul.f32 v42, v13;
	v40 =	vadd.f32 v60, v40  }
0x2b6: {  	v48 =	vunpack.i.l.bf16.f32 v62;
	v63 =	vld [tilespmem:s18+$0x10560]  }
0x2b7: {  	v50 =	vmul.f32 v48, v14;
	v44 =	vadd.bf16 v57, v59;
	v40 =	vadd.f32 v40, v61  }
0x2b8: {  	v42 =	vunpack.i.u.bf16.f32 v62  }
0x2b9: {  	v53 =	vld [tilespmem:s18+$0x10570];
	v52 =	vmax.bf16 v44, v5;
	v51 =	vmul.f32 v42, v15;
	v40 =	vadd.f32 v50, v40  }
0x2ba: {  	v54 =	vunpack.i.l.bf16.f32 v52;
	v55 =	vld [tilespmem:s18+$0xC570]  }
0x2bb: {  	v56 =	vmul.f32 v54, v16;
	v43 =	vadd.bf16 v63, v49;
	v40 =	vadd.f32 v40, v51  }
0x2bc: {  	v42 =	vunpack.i.u.bf16.f32 v52  }
0x2bd: {  	v59 =	vld [tilespmem:s18+$0x10900];
	v57 =	vmul.f32 v42, v17;
	v58 =	vmax.bf16 v43, v5;
	v40 =	vadd.f32 v56, v40  }
0x2be: {  	v60 =	vunpack.i.l.bf16.f32 v58;
	v61 =	vld [tilespmem:s18+$0xC900]  }
0x2bf: {  	v62 =	vmul.f32 v60, v18;
	v44 =	vadd.bf16 v53, v55;
	v40 =	vadd.f32 v40, v57  }
0x2c0: {  	v42 =	vunpack.i.u.bf16.f32 v58  }
0x2c1: {  	v49 =	vld [tilespmem:s18+$0x10910];
	v63 =	vmul.f32 v42, v19;
	v48 =	vmax.bf16 v44, v5;
	v40 =	vadd.f32 v62, v40  }
0x2c2: {  	v50 =	vunpack.i.l.bf16.f32 v48;
	v51 =	vld [tilespmem:s18+$0xC910]  }
0x2c3: {  	v52 =	vmul.f32 v50, v20;
	v43 =	vadd.bf16 v59, v61;
	v40 =	vadd.f32 v40, v63  }
0x2c4: {  	v42 =	vunpack.i.u.bf16.f32 v48  }
0x2c5: {  	v55 =	vld [tilespmem:s18+$0x10920];
	v53 =	vmul.f32 v42, v21;
	v54 =	vmax.bf16 v43, v5;
	v40 =	vadd.f32 v52, v40  }
0x2c6: {  	v56 =	vunpack.i.l.bf16.f32 v54;
	v57 =	vld [tilespmem:s18+$0xC920]  }
0x2c7: {  	v58 =	vmul.f32 v56, v22;
	v44 =	vadd.bf16 v49, v51;
	v40 =	vadd.f32 v40, v53  }
0x2c8: {  	v42 =	vunpack.i.u.bf16.f32 v54  }
0x2c9: {  	v61 =	vld [tilespmem:s18+$0x10930];
	v59 =	vmul.f32 v42, v23;
	v60 =	vmax.bf16 v44, v5;
	v40 =	vadd.f32 v58, v40  }
0x2ca: {  	v62 =	vunpack.i.l.bf16.f32 v60;
	v63 =	vld [tilespmem:s18+$0xC930]  }
0x2cb: {  	v45 =	vmul.f32 v62, v24;
	v43 =	vadd.bf16 v55, v57;
	v40 =	vadd.f32 v40, v59  }
0x2cc: {  	v42 =	vunpack.i.u.bf16.f32 v60  }
0x2cd: {  	v50 =	vld [tilespmem:s18+$0x10940];
	v48 =	vmul.f32 v42, v25;
	v49 =	vmax.bf16 v43, v5;
	v40 =	vadd.f32 v45, v40  }
0x2ce: {  	v52 =	vld [tilespmem:s18+$0xC940];
	v51 =	vunpack.i.l.bf16.f32 v49  }
0x2cf: {  	v53 =	vmul.f32 v51, v26;
	v44 =	vadd.bf16 v61, v63;
	v40 =	vadd.f32 v40, v48  }
0x2d0: {  	v42 =	vunpack.i.u.bf16.f32 v49  }
0x2d1: {  	v56 =	vld [tilespmem:s18+$0x10950];
	v54 =	vmul.f32 v42, v27;
	v55 =	vmax.bf16 v44, v5;
	v40 =	vadd.f32 v53, v40  }
0x2d2: {  	v58 =	vld [tilespmem:s18+$0xC950];
	v57 =	vunpack.i.l.bf16.f32 v55  }
0x2d3: {  	v43 =	vadd.bf16 v50, v52;
	v59 =	vmul.f32 v57, v28;
	v40 =	vadd.f32 v40, v54  }
0x2d4: {  	v42 =	vunpack.i.u.bf16.f32 v55  }
0x2d5: {  	v62 =	vld [tilespmem:s18+$0x10960];
	v60 =	vmul.f32 v42, v29;
	v61 =	vmax.bf16 v43, v5;
	v40 =	vadd.f32 v59, v40  }
0x2d6: {  	v63 =	vunpack.i.l.bf16.f32 v61;
	v48 =	vld [tilespmem:s18+$0xC960]  }
0x2d7: {  	v49 =	vmul.f32 v63, v30;
	v44 =	vadd.bf16 v56, v58;
	v40 =	vadd.f32 v40, v60  }
0x2d8: {  	v42 =	vunpack.i.u.bf16.f32 v61  }
0x2d9: {  	v52 =	vld [tilespmem:s18+$0x10970];
	v50 =	vmul.f32 v42, v31;
	v51 =	vmax.bf16 v44, v5;
	v40 =	vadd.f32 v49, v40  }
0x2da: {  	v53 =	vunpack.i.l.bf16.f32 v51;
	v54 =	vld [tilespmem:s18+$0xC970]  }
0x2db: {  	v55 =	vmul.f32 v53, v32;
	v43 =	vadd.bf16 v62, v48;
	v40 =	vadd.f32 v40, v50  }
0x2dc: {  	v42 =	vunpack.i.u.bf16.f32 v51  }
0x2dd: {  	v56 =	vmul.f32 v42, v33;
	v57 =	vmax.bf16 v43, v5;
	v40 =	vadd.f32 v55, v40  }
0x2de: {  	v43 =	vunpack.i.l.bf16.f32 v57  }
0x2df: {  	v58 =	vmul.f32 v43, v34;
	v59 =	vadd.bf16 v52, v54;
	v40 =	vadd.f32 v40, v56  }
0x2e0: {  	v42 =	vunpack.i.u.bf16.f32 v57  }
0x2e1: {  	v60 =	vmul.f32 v42, v35;
	v61 =	vmax.bf16 v59, v5;
	v40 =	vadd.f32 v58, v40  }
0x2e2: {  	v43 =	vunpack.i.l.bf16.f32 v61  }
0x2e3: {  	v62 =	vmul.f32 v43, v36;
	v40 =	vadd.f32 v40, v60  }
0x2e4: {  	v42 =	vunpack.i.u.bf16.f32 v61  }
0x2e5: {  	v63 =	vmul.f32 v42, v37;
	v40 =	vadd.f32 v62, v40;
	_ =	sdelay $0x1  }
0x2e6: {  	s22 =	simm.s32 $0x100;
	s20 =	simm.s32 $0x80;
	v40 =	vadd.f32 v40, v63  }
0x2e7: {  	s19 =	sand.u32 $0x3800, s22;
	s21 =	sand.u32 $0x380, s20;
	s18 =	simm.s32 $0x14500  }
0x2e8: {  	s19 =	sor.u32 s21, s19;
	s21 =	simm.s32 $0x200;
	[tilespmem:s18+$0x0] =	vst v40  }
.LBB2_9:
0x2e9: {  	p0 =	sne.s32 s21, $0x3F00;
	v40 =	vld [tilespmem:s19+$0x10500]  }
0x2ea: {  	v41 =	vld [tilespmem:s19+$0xC500];
	_ =	sdelay $0x2  }
0x2eb: {  	v42 =	vld [tilespmem:s19+$0x10510]  }
0x2ec: {  	v43 =	vld [tilespmem:s19+$0xC510]  }
0x2ed: {  	v40 =	vadd.bf16 v40, v41;
	_ =	sdelay $0x1  }
0x2ee: {  	v40 =	vmax.bf16 v40, v5;
	v41 =	vld [tilespmem:s19+$0x10520]  }
0x2ef: {  	v44 =	vunpack.i.l.bf16.f32 v40;
	v45 =	vld [tilespmem:s19+$0xC520]  }
0x2f0: {  	v44 =	vmul.f32 v44, v6;
	v42 =	vadd.bf16 v42, v43  }
0x2f1: {  	v40 =	vunpack.i.u.bf16.f32 v40  }
0x2f2: {  	v40 =	vmul.f32 v40, v7;
	v43 =	vadd.f32 v44, v38;
	v42 =	vmax.bf16 v42, v5;
	v44 =	vld [tilespmem:s19+$0x10530]  }
0x2f3: {  	v46 =	vunpack.i.l.bf16.f32 v42;
	v47 =	vld [tilespmem:s19+$0xC530]  }
0x2f4: {  	v40 =	vadd.f32 v43, v40;
	v43 =	vmul.f32 v46, v8;
	v41 =	vadd.bf16 v41, v45  }
0x2f5: {  	v42 =	vunpack.i.u.bf16.f32 v42  }
0x2f6: {  	v42 =	vmul.f32 v42, v9;
	v40 =	vadd.f32 v43, v40;
	v41 =	vmax.bf16 v41, v5;
	v43 =	vld [tilespmem:s19+$0x10540]  }
0x2f7: {  	v45 =	vunpack.i.l.bf16.f32 v41;
	v46 =	vld [tilespmem:s19+$0xC540]  }
0x2f8: {  	v40 =	vadd.f32 v40, v42;
	v42 =	vmul.f32 v45, v10;
	v44 =	vadd.bf16 v44, v47  }
0x2f9: {  	v41 =	vunpack.i.u.bf16.f32 v41  }
0x2fa: {  	v41 =	vmul.f32 v41, v11;
	v40 =	vadd.f32 v42, v40;
	v42 =	vmax.bf16 v44, v5;
	v44 =	vld [tilespmem:s19+$0x10550]  }
0x2fb: {  	v45 =	vunpack.i.l.bf16.f32 v42;
	v47 =	vld [tilespmem:s19+$0xC550]  }
0x2fc: {  	v40 =	vadd.f32 v40, v41;
	v41 =	vmul.f32 v45, v12;
	v43 =	vadd.bf16 v43, v46  }
0x2fd: {  	v42 =	vunpack.i.u.bf16.f32 v42  }
0x2fe: {  	v40 =	vadd.f32 v41, v40;
	v41 =	vmul.f32 v42, v13;
	v42 =	vmax.bf16 v43, v5;
	v43 =	vld [tilespmem:s19+$0x10560]  }
0x2ff: {  	v45 =	vunpack.i.l.bf16.f32 v42;
	v46 =	vld [tilespmem:s19+$0xC560]  }
0x300: {  	v40 =	vadd.f32 v40, v41;
	v41 =	vmul.f32 v45, v14;
	v44 =	vadd.bf16 v44, v47  }
0x301: {  	v42 =	vunpack.i.u.bf16.f32 v42  }
0x302: {  	v40 =	vadd.f32 v41, v40;
	v41 =	vmul.f32 v42, v15;
	v42 =	vmax.bf16 v44, v5;
	v44 =	vld [tilespmem:s19+$0x10570]  }
0x303: {  	v45 =	vunpack.i.l.bf16.f32 v42;
	v47 =	vld [tilespmem:s19+$0xC570]  }
0x304: {  	v40 =	vadd.f32 v40, v41;
	v41 =	vmul.f32 v45, v16;
	v43 =	vadd.bf16 v43, v46  }
0x305: {  	v42 =	vunpack.i.u.bf16.f32 v42  }
0x306: {  	v40 =	vadd.f32 v41, v40;
	v41 =	vmul.f32 v42, v17;
	v42 =	vmax.bf16 v43, v5;
	v43 =	vld [tilespmem:s19+$0x10900]  }
0x307: {  	v45 =	vunpack.i.l.bf16.f32 v42;
	v46 =	vld [tilespmem:s19+$0xC900]  }
0x308: {  	v40 =	vadd.f32 v40, v41;
	v41 =	vmul.f32 v45, v18;
	v44 =	vadd.bf16 v44, v47  }
0x309: {  	v42 =	vunpack.i.u.bf16.f32 v42  }
0x30a: {  	v40 =	vadd.f32 v41, v40;
	v41 =	vmul.f32 v42, v19;
	v42 =	vmax.bf16 v44, v5;
	v44 =	vld [tilespmem:s19+$0x10910]  }
0x30b: {  	v45 =	vunpack.i.l.bf16.f32 v42;
	v47 =	vld [tilespmem:s19+$0xC910]  }
0x30c: {  	v40 =	vadd.f32 v40, v41;
	v41 =	vmul.f32 v45, v20;
	v43 =	vadd.bf16 v43, v46  }
0x30d: {  	v42 =	vunpack.i.u.bf16.f32 v42  }
0x30e: {  	v40 =	vadd.f32 v41, v40;
	v41 =	vmul.f32 v42, v21;
	v42 =	vmax.bf16 v43, v5;
	v43 =	vld [tilespmem:s19+$0x10920]  }
0x30f: {  	v45 =	vunpack.i.l.bf16.f32 v42;
	v46 =	vld [tilespmem:s19+$0xC920]  }
0x310: {  	v40 =	vadd.f32 v40, v41;
	v41 =	vmul.f32 v45, v22;
	v44 =	vadd.bf16 v44, v47  }
0x311: {  	v42 =	vunpack.i.u.bf16.f32 v42  }
0x312: {  	v40 =	vadd.f32 v41, v40;
	v41 =	vmul.f32 v42, v23;
	v42 =	vmax.bf16 v44, v5;
	v44 =	vld [tilespmem:s19+$0x10930]  }
0x313: {  	v45 =	vunpack.i.l.bf16.f32 v42;
	v47 =	vld [tilespmem:s19+$0xC930]  }
0x314: {  	v40 =	vadd.f32 v40, v41;
	v41 =	vmul.f32 v45, v24;
	v43 =	vadd.bf16 v43, v46  }
0x315: {  	v42 =	vunpack.i.u.bf16.f32 v42  }
0x316: {  	v40 =	vadd.f32 v41, v40;
	v41 =	vmul.f32 v42, v25;
	v42 =	vmax.bf16 v43, v5;
	v43 =	vld [tilespmem:s19+$0x10940]  }
0x317: {  	v45 =	vunpack.i.l.bf16.f32 v42;
	v46 =	vld [tilespmem:s19+$0xC940]  }
0x318: {  	v40 =	vadd.f32 v40, v41;
	v41 =	vmul.f32 v45, v26;
	v44 =	vadd.bf16 v44, v47  }
0x319: {  	v42 =	vunpack.i.u.bf16.f32 v42  }
0x31a: {  	v40 =	vadd.f32 v41, v40;
	v41 =	vmul.f32 v42, v27;
	v42 =	vmax.bf16 v44, v5;
	v44 =	vld [tilespmem:s19+$0x10950]  }
0x31b: {  	v45 =	vunpack.i.l.bf16.f32 v42;
	v47 =	vld [tilespmem:s19+$0xC950]  }
0x31c: {  	v40 =	vadd.f32 v40, v41;
	v41 =	vmul.f32 v45, v28;
	v43 =	vadd.bf16 v43, v46  }
0x31d: {  	v42 =	vunpack.i.u.bf16.f32 v42  }
0x31e: {  	v40 =	vadd.f32 v41, v40;
	v41 =	vmul.f32 v42, v29;
	v42 =	vmax.bf16 v43, v5;
	v43 =	vld [tilespmem:s19+$0x10960]  }
0x31f: {  	v45 =	vunpack.i.l.bf16.f32 v42;
	v46 =	vld [tilespmem:s19+$0xC960]  }
0x320: {  	v40 =	vadd.f32 v40, v41;
	v41 =	vmul.f32 v45, v30;
	v44 =	vadd.bf16 v44, v47  }
0x321: {  	v42 =	vunpack.i.u.bf16.f32 v42  }
0x322: {  	v40 =	vadd.f32 v41, v40;
	v41 =	vmul.f32 v42, v31;
	v42 =	vmax.bf16 v44, v5;
	v44 =	vld [tilespmem:s19+$0x10970]  }
0x323: {  	v45 =	vunpack.i.l.bf16.f32 v42;
	v47 =	vld [tilespmem:s19+$0xC970]  }
0x324: {  	v40 =	vadd.f32 v40, v41;
	v41 =	vmul.f32 v45, v32;
	v43 =	vadd.bf16 v43, v46  }
0x325: {  	v42 =	vunpack.i.u.bf16.f32 v42  }
0x326: {  	v40 =	vadd.f32 v41, v40;
	v41 =	vmul.f32 v42, v33;
	v42 =	vmax.bf16 v43, v5  }
0x327: {  	v43 =	vunpack.i.l.bf16.f32 v42  }
0x328: {  	v40 =	vadd.f32 v40, v41;
	v41 =	vmul.f32 v43, v34;
	v43 =	vadd.bf16 v44, v47  }
0x329: {  	v42 =	vunpack.i.u.bf16.f32 v42  }
0x32a: {  	v40 =	vadd.f32 v41, v40;
	v41 =	vmul.f32 v42, v35;
	v42 =	vmax.bf16 v43, v5  }
0x32b: {  	v43 =	vunpack.i.l.bf16.f32 v42  }
0x32c: {  	v40 =	vadd.f32 v40, v41;
	v41 =	vmul.f32 v43, v36  }
0x32d: {  	v42 =	vunpack.i.u.bf16.f32 v42  }
.Ltmp3:
0x32e: {  	v40 =	vadd.f32 v41, v40;
	v41 =	vmul.f32 v42, v37;
	(pc) =	sbr.rel @p0 .LBB2_9-.Ltmp3, $4  }
0x32f: {  	_ = 	snop  }
0x330: {  	s20 =	sadd.s32 $0x80, s20;
	v40 =	vadd.f32 v40, v41  }
0x331: {  	s18 =	sadd.s32 $0x10, s18;
	s22 =	sand.u32 $0x380, s20;
	s19 =	sand.u32 $0x3800, s21  }
0x332: {  	s21 =	sadd.s32 $0x100, s21;
	s19 =	sor.u32 s22, s19;
	[tilespmem:s18+$0x0] =	vst v40  }
0x333: {  	v40 =	vld [tilespmem:s19+$0x10500]  }
0x334: {  	v41 =	vld [tilespmem:s19+$0xC500];
	_ =	sdelay $0x2  }
0x335: {  	v42 =	vld [tilespmem:s19+$0x10510]  }
0x336: {  	v43 =	vld [tilespmem:s19+$0xC510]  }
0x337: {  	v40 =	vadd.bf16 v40, v41;
	_ =	sdelay $0x1  }
0x338: {  	v56 =	vld [tilespmem:s19+$0x10520];
	v40 =	vmax.bf16 v40, v5  }
0x339: {  	v45 =	vld [tilespmem:s19+$0xC520];
	v44 =	vunpack.i.l.bf16.f32 v40  }
0x33a: {  	v42 =	vadd.bf16 v42, v43;
	v44 =	vmul.f32 v44, v6  }
0x33b: {  	v40 =	vunpack.i.u.bf16.f32 v40  }
0x33c: {  	v58 =	vld [tilespmem:s19+$0x10530];
	v42 =	vmax.bf16 v42, v5;
	v40 =	vmul.f32 v40, v7;
	v57 =	vadd.f32 v44, v38  }
0x33d: {  	v47 =	vld [tilespmem:s19+$0xC530];
	v46 =	vunpack.i.l.bf16.f32 v42  }
0x33e: {  	v41 =	vadd.bf16 v56, v45;
	v59 =	vmul.f32 v46, v8;
	v40 =	vadd.f32 v57, v40  }
0x33f: {  	v42 =	vunpack.i.u.bf16.f32 v42  }
0x340: {  	v60 =	vld [tilespmem:s19+$0x10540];
	v41 =	vmax.bf16 v41, v5;
	v42 =	vmul.f32 v42, v9;
	v40 =	vadd.f32 v59, v40  }
0x341: {  	v62 =	vld [tilespmem:s19+$0xC540];
	v61 =	vunpack.i.l.bf16.f32 v41  }
0x342: {  	v63 =	vmul.f32 v61, v10;
	v44 =	vadd.bf16 v58, v47;
	v40 =	vadd.f32 v40, v42  }
0x343: {  	v41 =	vunpack.i.u.bf16.f32 v41  }
0x344: {  	v49 =	vld [tilespmem:s19+$0x10550];
	v41 =	vmul.f32 v41, v11;
	v48 =	vmax.bf16 v44, v5;
	v40 =	vadd.f32 v63, v40  }
0x345: {  	v51 =	vld [tilespmem:s19+$0xC550];
	v50 =	vunpack.i.l.bf16.f32 v48  }
0x346: {  	v43 =	vadd.bf16 v60, v62;
	v52 =	vmul.f32 v50, v12;
	v40 =	vadd.f32 v40, v41  }
0x347: {  	v42 =	vunpack.i.u.bf16.f32 v48  }
0x348: {  	v55 =	vld [tilespmem:s19+$0x10560];
	v54 =	vmax.bf16 v43, v5;
	v53 =	vmul.f32 v42, v13;
	v40 =	vadd.f32 v52, v40  }
0x349: {  	v56 =	vunpack.i.l.bf16.f32 v54;
	v57 =	vld [tilespmem:s19+$0xC560]  }
0x34a: {  	v58 =	vmul.f32 v56, v14;
	v44 =	vadd.bf16 v49, v51;
	v40 =	vadd.f32 v40, v53  }
0x34b: {  	v42 =	vunpack.i.u.bf16.f32 v54  }
0x34c: {  	v61 =	vld [tilespmem:s19+$0x10570];
	v60 =	vmax.bf16 v44, v5;
	v59 =	vmul.f32 v42, v15;
	v40 =	vadd.f32 v58, v40  }
0x34d: {  	v62 =	vunpack.i.l.bf16.f32 v60;
	v63 =	vld [tilespmem:s19+$0xC570]  }
0x34e: {  	v45 =	vmul.f32 v62, v16;
	v43 =	vadd.bf16 v55, v57;
	v40 =	vadd.f32 v40, v59  }
0x34f: {  	v42 =	vunpack.i.u.bf16.f32 v60  }
0x350: {  	v50 =	vld [tilespmem:s19+$0x10900];
	v48 =	vmul.f32 v42, v17;
	v49 =	vmax.bf16 v43, v5;
	v40 =	vadd.f32 v45, v40  }
0x351: {  	v51 =	vunpack.i.l.bf16.f32 v49;
	v52 =	vld [tilespmem:s19+$0xC900]  }
0x352: {  	v44 =	vadd.bf16 v61, v63;
	v53 =	vmul.f32 v51, v18;
	v40 =	vadd.f32 v40, v48  }
0x353: {  	v42 =	vunpack.i.u.bf16.f32 v49  }
0x354: {  	v56 =	vld [tilespmem:s19+$0x10910];
	v54 =	vmul.f32 v42, v19;
	v55 =	vmax.bf16 v44, v5;
	v40 =	vadd.f32 v53, v40  }
0x355: {  	v57 =	vunpack.i.l.bf16.f32 v55;
	v58 =	vld [tilespmem:s19+$0xC910]  }
0x356: {  	v43 =	vadd.bf16 v50, v52;
	v59 =	vmul.f32 v57, v20;
	v40 =	vadd.f32 v40, v54  }
0x357: {  	v42 =	vunpack.i.u.bf16.f32 v55  }
0x358: {  	v62 =	vld [tilespmem:s19+$0x10920];
	v60 =	vmul.f32 v42, v21;
	v61 =	vmax.bf16 v43, v5;
	v40 =	vadd.f32 v59, v40  }
0x359: {  	v63 =	vunpack.i.l.bf16.f32 v61;
	v48 =	vld [tilespmem:s19+$0xC920]  }
0x35a: {  	v49 =	vmul.f32 v63, v22;
	v44 =	vadd.bf16 v56, v58;
	v40 =	vadd.f32 v40, v60  }
0x35b: {  	v42 =	vunpack.i.u.bf16.f32 v61  }
0x35c: {  	v52 =	vld [tilespmem:s19+$0x10930];
	v50 =	vmul.f32 v42, v23;
	v51 =	vmax.bf16 v44, v5;
	v40 =	vadd.f32 v49, v40  }
0x35d: {  	v53 =	vunpack.i.l.bf16.f32 v51;
	v54 =	vld [tilespmem:s19+$0xC930]  }
0x35e: {  	v55 =	vmul.f32 v53, v24;
	v43 =	vadd.bf16 v62, v48;
	v40 =	vadd.f32 v40, v50  }
0x35f: {  	v42 =	vunpack.i.u.bf16.f32 v51  }
0x360: {  	v58 =	vld [tilespmem:s19+$0x10940];
	v56 =	vmul.f32 v42, v25;
	v57 =	vmax.bf16 v43, v5;
	v40 =	vadd.f32 v55, v40  }
0x361: {  	v59 =	vunpack.i.l.bf16.f32 v57;
	v60 =	vld [tilespmem:s19+$0xC940]  }
0x362: {  	v61 =	vmul.f32 v59, v26;
	v44 =	vadd.bf16 v52, v54;
	v40 =	vadd.f32 v40, v56  }
0x363: {  	v42 =	vunpack.i.u.bf16.f32 v57  }
0x364: {  	v48 =	vld [tilespmem:s19+$0x10950];
	v62 =	vmul.f32 v42, v27;
	v63 =	vmax.bf16 v44, v5;
	v40 =	vadd.f32 v61, v40  }
0x365: {  	v49 =	vunpack.i.l.bf16.f32 v63;
	v50 =	vld [tilespmem:s19+$0xC950]  }
0x366: {  	v51 =	vmul.f32 v49, v28;
	v43 =	vadd.bf16 v58, v60;
	v40 =	vadd.f32 v40, v62  }
0x367: {  	v42 =	vunpack.i.u.bf16.f32 v63  }
0x368: {  	v54 =	vld [tilespmem:s19+$0x10960];
	v52 =	vmul.f32 v42, v29;
	v53 =	vmax.bf16 v43, v5;
	v40 =	vadd.f32 v51, v40  }
0x369: {  	v55 =	vunpack.i.l.bf16.f32 v53;
	v56 =	vld [tilespmem:s19+$0xC960]  }
0x36a: {  	v57 =	vmul.f32 v55, v30;
	v44 =	vadd.bf16 v48, v50;
	v40 =	vadd.f32 v40, v52  }
0x36b: {  	v42 =	vunpack.i.u.bf16.f32 v53  }
0x36c: {  	v60 =	vld [tilespmem:s19+$0x10970];
	v58 =	vmul.f32 v42, v31;
	v59 =	vmax.bf16 v44, v5;
	v40 =	vadd.f32 v57, v40  }
0x36d: {  	v61 =	vunpack.i.l.bf16.f32 v59;
	v62 =	vld [tilespmem:s19+$0xC970]  }
0x36e: {  	v63 =	vmul.f32 v61, v32;
	v43 =	vadd.bf16 v54, v56;
	v40 =	vadd.f32 v40, v58  }
0x36f: {  	v42 =	vunpack.i.u.bf16.f32 v59  }
0x370: {  	v45 =	vmul.f32 v42, v33;
	v46 =	vmax.bf16 v43, v5;
	v40 =	vadd.f32 v63, v40  }
0x371: {  	v43 =	vunpack.i.l.bf16.f32 v46  }
0x372: {  	v48 =	vmul.f32 v43, v34;
	v49 =	vadd.bf16 v60, v62;
	v40 =	vadd.f32 v40, v45  }
0x373: {  	v42 =	vunpack.i.u.bf16.f32 v46  }
0x374: {  	v50 =	vmul.f32 v42, v35;
	v51 =	vmax.bf16 v49, v5;
	v40 =	vadd.f32 v48, v40  }
0x375: {  	v43 =	vunpack.i.l.bf16.f32 v51  }
0x376: {  	v53 =	vmov s8;
	v52 =	vmul.f32 v43, v36;
	v40 =	vadd.f32 v40, v50  }
0x377: {  	v42 =	vunpack.i.u.bf16.f32 v51;
	v43 =	vshll.u32 v53, $0x4  }
0x378: {  	v54 =	vmul.f32 v42, v37;
	v42 =	vor.u32 v39, v43;
	v40 =	vadd.f32 v52, v40;
	_ =	sdelay $0x1  }
0x379: {  	v55 =	vor.u32 $0x1, v42;
	v40 =	vadd.f32 v40, v54  }
0x37a: {  	s21 =	sadd.s32 $0x10, s18  }
0x37b: {  	v56 =	vor.u32 $0x2, v42;
	[tilespmem:s21+$0x0] =	vst v40  }
0x37c: {  	v43 =	vld.idx.msk [tilespmem:v42+s13+$0x0], $0xffff  }
0x37d: {  	v57 =	vor.u32 $0x3, v42  }
0x37e: {  	v41 =	vld.idx.msk [tilespmem:v55+s13+$0x0], $0xffff  }
0x37f: {  	v58 =	vor.u32 $0x4, v42  }
0x380: {  	v40 =	vld.idx.msk [tilespmem:v56+s13+$0x0], $0xffff  }
0x381: {  	v59 =	vor.u32 $0x5, v42;
	v43 =	vadd.f32 $0.0e+00, v43  }
0x382: {  	v44 =	vld.idx.msk [tilespmem:v57+s13+$0x0], $0xffff  }
0x383: {  	v60 =	vor.u32 $0x6, v42;
	v41 =	vadd.f32 v41, v43  }
0x384: {  	v61 =	vld.idx.msk [tilespmem:v58+s13+$0x0], $0xffff  }
0x385: {  	v62 =	vor.u32 $0x7, v42;
	v40 =	vadd.f32 v40, v41  }
0x386: {  	v63 =	vld.idx.msk [tilespmem:v59+s13+$0x0], $0xffff  }
0x387: {  	v48 =	vor.u32 $0x8, v42;
	v40 =	vadd.f32 v44, v40  }
0x388: {  	v49 =	vld.idx.msk [tilespmem:v60+s13+$0x0], $0xffff  }
0x389: {  	v50 =	vor.u32 $0x9, v42;
	v40 =	vadd.f32 v61, v40  }
0x38a: {  	v51 =	vld.idx.msk [tilespmem:v62+s13+$0x0], $0xffff  }
0x38b: {  	v52 =	vor.u32 $0xA, v42;
	v40 =	vadd.f32 v63, v40  }
0x38c: {  	v53 =	vld.idx.msk [tilespmem:v48+s13+$0x0], $0xffff  }
0x38d: {  	v54 =	vor.u32 $0xB, v42;
	v40 =	vadd.f32 v49, v40  }
0x38e: {  	v55 =	vld.idx.msk [tilespmem:v50+s13+$0x0], $0xffff  }
0x38f: {  	v56 =	vor.u32 $0xC, v42;
	v40 =	vadd.f32 v51, v40  }
0x390: {  	v57 =	vld.idx.msk [tilespmem:v52+s13+$0x0], $0xffff  }
0x391: {  	v58 =	vor.u32 $0xD, v42;
	v40 =	vadd.f32 v53, v40  }
0x392: {  	v59 =	vld.idx.msk [tilespmem:v54+s13+$0x0], $0xffff  }
0x393: {  	v60 =	vor.u32 $0xE, v42;
	v40 =	vadd.f32 v55, v40  }
0x394: {  	v61 =	vld.idx.msk [tilespmem:v56+s13+$0x0], $0xffff  }
0x395: {  	v42 =	vor.u32 $0xF, v42;
	v40 =	vadd.f32 v57, v40  }
0x396: {  	v62 =	vld.idx.msk [tilespmem:v58+s13+$0x0], $0xffff  }
0x397: {  	v40 =	vadd.f32 v59, v40  }
0x398: {  	v41 =	vld.idx.msk [tilespmem:v60+s13+$0x0], $0xffff  }
0x399: {  	v63 =	vadd.f32 v61, v40;
	v40 =	vld [tilespmem:s17+$0x0]  }
0x39a: {  	s22 =	simm.s32 $0x10;
	v42 =	vld.idx.msk [tilespmem:v42+s13+$0x0], $0xffff  }
0x39b: {  	s18 =	simm.s32 $0x20;
	s8 =	smov.u32 s17;
	v44 =	vmov s22;
	v43 =	vadd.f32 v62, v63  }
.LBB2_11:
0x39c: {  	p0 =	sne.s32 s18, $0x30;
	v44 =	vshll.u32 v44, $0x4  }
0x39d: {  	v44 =	vor.u32 v39, v44;
	v41 =	vadd.f32 v41, v43;
	_ =	sdelay $0x1  }
0x39e: {  	v43 =	vor.u32 $0x1, v44;
	v41 =	vadd.f32 v42, v41;
	_ =	sdelay $0x1  }
0x39f: {  	v42 =	vor.u32 $0x2, v44;
	[tilespmem:v40+s7+$0x0] =	vst.idx.add.f32.msk $0xffff, v41  }
0x3a0: {  	v40 =	vld.idx.msk [tilespmem:v44+s13+$0x0], $0xffff  }
0x3a1: {  	v41 =	vor.u32 $0x3, v44  }
0x3a2: {  	v43 =	vld.idx.msk [tilespmem:v43+s13+$0x0], $0xffff  }
0x3a3: {  	v45 =	vor.u32 $0x4, v44  }
0x3a4: {  	v42 =	vld.idx.msk [tilespmem:v42+s13+$0x0], $0xffff  }
0x3a5: {  	v46 =	vor.u32 $0x5, v44  }
0x3a6: {  	v40 =	vadd.f32 $0.0e+00, v40;
	v41 =	vld.idx.msk [tilespmem:v41+s13+$0x0], $0xffff  }
0x3a7: {  	v47 =	vor.u32 $0x6, v44  }
0x3a8: {  	v40 =	vadd.f32 v43, v40;
	v43 =	vld.idx.msk [tilespmem:v45+s13+$0x0], $0xffff  }
0x3a9: {  	v45 =	vor.u32 $0x7, v44  }
0x3aa: {  	v40 =	vadd.f32 v42, v40;
	v42 =	vld.idx.msk [tilespmem:v46+s13+$0x0], $0xffff  }
0x3ab: {  	v46 =	vor.u32 $0x8, v44  }
0x3ac: {  	v40 =	vadd.f32 v41, v40;
	v41 =	vld.idx.msk [tilespmem:v47+s13+$0x0], $0xffff  }
0x3ad: {  	v47 =	vor.u32 $0x9, v44  }
0x3ae: {  	v40 =	vadd.f32 v43, v40;
	v43 =	vld.idx.msk [tilespmem:v45+s13+$0x0], $0xffff  }
0x3af: {  	v45 =	vor.u32 $0xA, v44  }
0x3b0: {  	v40 =	vadd.f32 v42, v40;
	v42 =	vld.idx.msk [tilespmem:v46+s13+$0x0], $0xffff  }
0x3b1: {  	v46 =	vor.u32 $0xB, v44  }
0x3b2: {  	v40 =	vadd.f32 v41, v40;
	v41 =	vld.idx.msk [tilespmem:v47+s13+$0x0], $0xffff  }
0x3b3: {  	v47 =	vor.u32 $0xC, v44  }
0x3b4: {  	v40 =	vadd.f32 v43, v40;
	v43 =	vld.idx.msk [tilespmem:v45+s13+$0x0], $0xffff  }
0x3b5: {  	v45 =	vor.u32 $0xD, v44  }
0x3b6: {  	v40 =	vadd.f32 v42, v40;
	v42 =	vld.idx.msk [tilespmem:v46+s13+$0x0], $0xffff  }
0x3b7: {  	v46 =	vor.u32 $0xE, v44  }
0x3b8: {  	v40 =	vadd.f32 v41, v40;
	v47 =	vld.idx.msk [tilespmem:v47+s13+$0x0], $0xffff  }
0x3b9: {  	v44 =	vor.u32 $0xF, v44  }
0x3ba: {  	v40 =	vadd.f32 v43, v40;
	v43 =	vld.idx.msk [tilespmem:v45+s13+$0x0], $0xffff;
	_ =	sdelay $0x1  }
.Ltmp4:
0x3bb: {  	s8 =	sadd.s32 $0x10, s8;
	v42 =	vadd.f32 v42, v40;
	v41 =	vld.idx.msk [tilespmem:v46+s13+$0x0], $0xffff;
	(pc) =	sbr.rel @p0 .LBB2_11-.Ltmp4, $3  }
0x3bc: {  	v40 =	vld [tilespmem:s8+$0x0]  }
0x3bd: {  	v45 =	vadd.f32 v47, v42;
	v42 =	vld.idx.msk [tilespmem:v44+s13+$0x0], $0xffff;
	_ =	sdelay $0x1  }
0x3be: {  	v44 =	vmov s18;
	s18 =	sadd.s32 $0x10, s18;
	v43 =	vadd.f32 v43, v45  }
0x3bf: {  	v44 =	vshll.u32 v44, $0x4  }
0x3c0: {  	v39 =	vor.u32 v39, v44;
	v41 =	vadd.f32 v41, v43;
	_ =	sdelay $0x1  }
0x3c1: {  	v57 =	vor.u32 $0x1, v39;
	v41 =	vadd.f32 v42, v41;
	_ =	sdelay $0x1  }
0x3c2: {  	v58 =	vor.u32 $0x2, v39;
	[tilespmem:v40+s7+$0x0] =	vst.idx.add.f32.msk $0xffff, v41  }
0x3c3: {  	v40 =	vld.idx.msk [tilespmem:v39+s13+$0x0], $0xffff  }
0x3c4: {  	v59 =	vor.u32 $0x3, v39  }
0x3c5: {  	v43 =	vld.idx.msk [tilespmem:v57+s13+$0x0], $0xffff  }
0x3c6: {  	v44 =	vor.u32 $0x4, v39  }
0x3c7: {  	v42 =	vld.idx.msk [tilespmem:v58+s13+$0x0], $0xffff  }
0x3c8: {  	v45 =	vor.u32 $0x5, v39;
	v40 =	vadd.f32 $0.0e+00, v40  }
0x3c9: {  	v41 =	vld.idx.msk [tilespmem:v59+s13+$0x0], $0xffff  }
0x3ca: {  	v46 =	vor.u32 $0x6, v39;
	v40 =	vadd.f32 v43, v40  }
0x3cb: {  	v60 =	vld.idx.msk [tilespmem:v44+s13+$0x0], $0xffff  }
0x3cc: {  	v61 =	vor.u32 $0x7, v39;
	v40 =	vadd.f32 v42, v40  }
0x3cd: {  	v62 =	vld.idx.msk [tilespmem:v45+s13+$0x0], $0xffff  }
0x3ce: {  	v63 =	vor.u32 $0x8, v39;
	v40 =	vadd.f32 v41, v40  }
0x3cf: {  	v48 =	vld.idx.msk [tilespmem:v46+s13+$0x0], $0xffff  }
0x3d0: {  	v49 =	vor.u32 $0x9, v39;
	v40 =	vadd.f32 v60, v40  }
0x3d1: {  	v50 =	vld.idx.msk [tilespmem:v61+s13+$0x0], $0xffff  }
0x3d2: {  	v51 =	vor.u32 $0xA, v39;
	v40 =	vadd.f32 v62, v40  }
0x3d3: {  	v52 =	vld.idx.msk [tilespmem:v63+s13+$0x0], $0xffff  }
0x3d4: {  	v53 =	vor.u32 $0xB, v39;
	v40 =	vadd.f32 v48, v40  }
0x3d5: {  	v54 =	vld.idx.msk [tilespmem:v49+s13+$0x0], $0xffff  }
0x3d6: {  	v55 =	vor.u32 $0xC, v39;
	v40 =	vadd.f32 v50, v40  }
0x3d7: {  	v56 =	vld.idx.msk [tilespmem:v51+s13+$0x0], $0xffff  }
0x3d8: {  	v57 =	vor.u32 $0xD, v39;
	v40 =	vadd.f32 v52, v40  }
0x3d9: {  	v58 =	vld.idx.msk [tilespmem:v53+s13+$0x0], $0xffff  }
0x3da: {  	v59 =	vor.u32 $0xE, v39;
	v40 =	vadd.f32 v54, v40  }
0x3db: {  	v60 =	vld.idx.msk [tilespmem:v55+s13+$0x0], $0xffff  }
0x3dc: {  	v39 =	vor.u32 $0xF, v39;
	v40 =	vadd.f32 v56, v40  }
0x3dd: {  	v61 =	vld.idx.msk [tilespmem:v57+s13+$0x0], $0xffff  }
0x3de: {  	v40 =	vadd.f32 v58, v40  }
0x3df: {  	s8 =	sadd.s32 $0x10, s8;
	v62 =	vld.idx.msk [tilespmem:v59+s13+$0x0], $0xffff  }
0x3e0: {  	v63 =	vld [tilespmem:s8+$0x0];
	v40 =	vadd.f32 v60, v40  }
0x3e1: {  	v39 =	vld.idx.msk [tilespmem:v39+s13+$0x0], $0xffff  }
0x3e2: {  	s6 =	sadd.s32 $0x1, s6;
	v40 =	vadd.f32 v61, v40  }
0x3e3: {  	p0 =	sne.s32 s6, s11  }
.Ltmp5:
0x3e4: {  	v40 =	vadd.f32 v62, v40;
	(pc) =	sbr.rel @p0 .LBB2_4-.Ltmp5, $3  }
0x3e5: {  	_ = 	snop  }
0x3e6: {  	v39 =	vadd.f32 v39, v40;
	_ =	sdelay $0x1  }
0x3e7: {  	s16 =	sadd.s32 $0x80, s16;
	s17 =	sadd.s32 $0x80, s17;
	[tilespmem:v63+s7+$0x0] =	vst.idx.add.f32.msk $0xffff, v39  }
0x3e8: {  	_ =	swait.ge [sflag:s9], $0x4000  }
0x3e9: {  	[sflag:s9] =	ssyncset.done $0x0  }
0x3ea: {  	[sflag:s9] =	ssyncadd.s32 $0xFFFFC000  }
0x3eb: {  	_ =	swait.ge [sflag:s12], $0x4000  }
0x3ec: {  	s8 =	simm.s32 $0x80;
	s15 =	simm.s32 $0x400;
	[sflag:s12] =	ssyncset.done $0x0  }
0x3ed: {  	s17 =	simm.s32 $0x5;
	s6 =	rddreg [dreg:$0x8];
	[sflag:s12] =	ssyncadd.s32 $0xFFFFC000  }
0x3ee: {  	[hbm4b:s6+s8] =	stream.strided.scatter [tilespmem:s7], [sflag:$0x5], $0x2800, s15, s8, $0x38;
	[tilespmem:$0x17380] =	vst v63  }
0x3ef: {  	_ =	swait.ge [sflag:s17], $0x2800  }
0x3f0: {  	s21 =	rddreg [dreg:$0x3]  }
0x3f1: {  	s22 =	rddreg [dreg:$0x9];
	s15 =	sadd.s32 $0x1, s21  }
0x3f2: {  	p0 =	sne.s32 s15, s22  }
.Ltmp6:
0x3f3: {  	_ = 	snop;
	(pc) =	sbr.rel @p0 .LBB2_1-.Ltmp6, $3  }
0x3f4: {  	_ =	sdelay $0x1  }
0x3f5: {  	[sflag:s17] =	ssyncset.done $0x0  }
0x3f6: {  	[sflag:s17] =	ssyncadd.s32 $0xFFFFD800  }
0x3f7: {  	_ =	sfence.sel $0x180000  }
0x3f8: {  	[bflag:$0x0] =	sbarrier.arrive $0xFFFF  }
0x3f9: {  	_ =	strace $0x90000047  }
0x3fa: {  	s0 =	stileid.u32;
	[bflag:$0x2] =	sbarrier.arrive $0xFFFF  }
0x3fb: {  	p0 =	sne.s32 s0, $0x0;
	s0 =	rddreg [dreg:$0x2]  }
0x3fc: {  	s0 =	sadd.s32 @!p0 $0x100000, s0  }
0x3fd: {  	[sflag:s0] =	ssyncadd.tile.s32 @!p0 $0x1;
	_ =	shalt  }
.Lfunc_end2:
_tile_overlayer_lowered:
.L_overlay_start_2:
0x3fe: {  	(tag) =	ssettag $0x2  }
0x3ff: {  	s0 =	rddreg [dreg:$0x0];
	s2 =	stileid.u32  }
0x400: {  	s1 =	rddreg [dreg:$0x1];
	p0 =	sne.s32 s2, $0x0  }
0x401: {  	s3 =	rddreg [dreg:$0x2];
	[bflag:$0x3] =	sbarrier.arrive $0xFFFF;
	s2 =	simm.s32 @!p0 $0x1C05  }
0x402: {  	[timem:s3], [sflag:s2] =	dma.local @!p0 [hbm:s0], s1  }
0x403: {  	s0 =	simm.s32 @!p0 $0x5  }
0x404: {  	_ =	swait.ge @!p0 [sflag:s0], s1  }
0x405: {  	s1 =	ssub.s32 @!p0 $0x0, s1;
	[sflag:s0] =	ssyncset.done @!p0 $0x0  }
0x406: {  	[sflag:s0] =	ssyncadd.s32 @!p0 s1  }
0x407: {  	[bflag:$0x3] =	sbarrier.arrive $0xFFFF  }
0x408: {  	_ =	shalt  }

</sc_bundles>
